<compile_context>
chip_gen: v7x
topology: tpu7x:2x2x1
jax: 0.10.2.dev20260603
libtpu: 0.0.44.dev20260713+nightly
codegen_flags: <defaults>
</compile_context>

<pallas_src>
import functools

import jax
import jax.numpy as jnp
import numpy as np
from jax import lax
from jax.experimental import pallas as pl
from jax.experimental.pallas import tpu as pltpu

_B = 8
_NPTS = 4096
_NCLS = 13



def _gather_j(x, idx):
    bidx = jnp.arange(x.shape[0]).reshape((-1,) + (1,) * (idx.ndim - 1))
    return x[bidx, idx]



def _fps_body(m, n, px, py, pz, o_ref):
    x = px[...]
    y = py[...]
    z = pz[...]
    iota = jax.lax.broadcasted_iota(jnp.int32, (_B, n), 1)
    iom = jax.lax.broadcasted_iota(jnp.int32, (_B, m), 1)

    def step(t, carry):
        mind, last, acc = carry
        acc = acc + jnp.where(iom == t, 1, 0) * last
        sel = iota == last
        lx = jnp.sum(jnp.where(sel, x, 0.0), axis=1, keepdims=True)
        ly = jnp.sum(jnp.where(sel, y, 0.0), axis=1, keepdims=True)
        lz = jnp.sum(jnp.where(sel, z, 0.0), axis=1, keepdims=True)
        dx = x - lx
        dy = y - ly
        dz = z - lz
        d = dx * dx + dy * dy
        d = d + dz * dz
        mind = jnp.minimum(mind, d)
        mx = jnp.max(mind, axis=1, keepdims=True)
        cand = jnp.where(mind == mx, iota, n)
        nxt = jnp.min(cand, axis=1, keepdims=True)
        return mind, nxt, acc

    o_ref[...] = jnp.zeros((_B, m), jnp.int32)
    init = (jnp.full((_B, n), 1e10, jnp.float32),
            jnp.zeros((_B, 1), jnp.int32),
            o_ref[...])
    _, _, acc = jax.lax.fori_loop(0, m, step, init)
    o_ref[...] = acc


def _fps_pallas(pos, m):
    n = pos.shape[1]
    planes = jnp.transpose(pos, (2, 0, 1))
    px, py, pz = planes[0], planes[1], planes[2]
    body = functools.partial(_fps_body, m, n)
    return pl.pallas_call(
        body,
        grid=(1,),
        in_specs=[pl.BlockSpec((_B, n), lambda i: (0, 0))] * 3,
        out_specs=pl.BlockSpec((_B, m), lambda i: (0, 0)),
        out_shape=jax.ShapeDtypeStruct((_B, m), jnp.int32),
    )(px, py, pz)



def _knn3_body(q_ref, ct_ref, v_ref, o_ref):
    q = q_ref[0]
    cT = ct_ref[0]
    nc = cT.shape[1]
    bq = q.shape[0]
    qn = jnp.sum(q * q, axis=1, keepdims=True)
    cn = jnp.sum(cT * cT, axis=0, keepdims=True)
    d2 = qn - 2.0 * jnp.dot(q, cT, preferred_element_type=jnp.float32) + cn
    iota = jax.lax.broadcasted_iota(jnp.int32, (bq, nc), 1)
    wmat = jnp.zeros((bq, nc), jnp.float32)
    wsum = jnp.zeros((bq, 1), jnp.float32)
    for _ in range(3):
        mv = jnp.min(d2, axis=1, keepdims=True)
        sel = d2 == mv
        first = jnp.min(jnp.where(sel, iota, nc), axis=1, keepdims=True)
        onehot = iota == first
        w = 1.0 / jnp.maximum(mv, 1e-10)
        wmat = wmat + jnp.where(onehot, w, 0.0)
        wsum = wsum + w
        d2 = jnp.where(onehot, jnp.inf, d2)
    wmat = wmat / wsum
    o_ref[0] = jnp.dot(wmat, v_ref[0], preferred_element_type=jnp.float32)


def _knn3_pallas(qpos, cpos, vals, bq):
    Bb, nq, _ = qpos.shape
    nc = cpos.shape[1]
    C = vals.shape[2]
    cT = jnp.transpose(cpos, (0, 2, 1))
    return pl.pallas_call(
        _knn3_body,
        grid=(Bb, nq // bq),
        in_specs=[
            pl.BlockSpec((1, bq, 3), lambda b, i: (b, i, 0)),
            pl.BlockSpec((1, 3, nc), lambda b, i: (b, 0, 0)),
            pl.BlockSpec((1, nc, C), lambda b, i: (b, 0, 0)),
        ],
        out_specs=pl.BlockSpec((1, bq, C), lambda b, i: (b, i, 0)),
        out_shape=jax.ShapeDtypeStruct((Bb, nq, C), jnp.float32),
    )(qpos, cT, vals)



def _mlp_stack_body(nlin, relu_flags, softmax, maxpool, x_ref, *refs):
    o_ref = refs[-1]
    h = x_ref[0] if x_ref.shape[0] == 1 and len(x_ref.shape) == 3 else x_ref[...]
    for li in range(nlin):
        W = refs[2 * li][...]
        b = refs[2 * li + 1][...]
        h = jnp.dot(h, W, preferred_element_type=jnp.float32) + b
        if relu_flags[li]:
            h = jnp.maximum(h, 0.0)
    if softmax:
        mx = jnp.max(h, axis=-1, keepdims=True)
        h = (h - mx) - jnp.log(jnp.sum(jnp.exp(h - mx), axis=-1, keepdims=True))
    if maxpool:
        h = jnp.max(h, axis=0, keepdims=True)
    if len(o_ref.shape) == 3:
        o_ref[0] = h
    else:
        o_ref[...] = h


def _mlp_rows(x, layers, relu_flags=None, softmax=False, bm=2048):
    n, c = x.shape
    nlin = len(layers)
    if relu_flags is None:
        relu_flags = [True] * nlin
    ws = []
    for (W, b) in layers:
        ws.append(W)
        ws.append(b.reshape(1, -1))
    cout = layers[-1][0].shape[1]
    body = functools.partial(_mlp_stack_body, nlin, tuple(relu_flags),
                             softmax, False)
    return pl.pallas_call(
        body,
        grid=(n // bm,),
        in_specs=[pl.BlockSpec((bm, c), lambda i: (i, 0))]
        + [pl.BlockSpec(w.shape, lambda i: (0, 0)) for w in ws],
        out_specs=pl.BlockSpec((bm, cout), lambda i: (i, 0)),
        out_shape=jax.ShapeDtypeStruct((n, cout), jnp.float32),
    )(x, *ws)


def _mlp_batched(x, layers, maxpool=False):
    Bb, n, c = x.shape
    nlin = len(layers)
    ws = []
    for (W, b) in layers:
        ws.append(W)
        ws.append(b.reshape(1, -1))
    cout = layers[-1][0].shape[1]
    nout = 1 if maxpool else n
    body = functools.partial(_mlp_stack_body, nlin, tuple([True] * nlin),
                             False, maxpool)
    out = pl.pallas_call(
        body,
        grid=(Bb,),
        in_specs=[pl.BlockSpec((1, n, c), lambda b: (b, 0, 0))]
        + [pl.BlockSpec(w.shape, lambda b: (0, 0)) for w in ws],
        out_specs=pl.BlockSpec((1, nout, cout), lambda b: (b, 0, 0)),
        out_shape=jax.ShapeDtypeStruct((Bb, nout, cout), jnp.float32),
    )(x, *ws)
    return out[:, 0, :] if maxpool else out



def _ball_level(pos, centers, specs):
    d2 = jnp.sum((centers[:, :, None, :] - pos[:, None, :, :]) ** 2, axis=-1)
    kmax = max(K for (_, K) in specs)
    negd, sidx = jax.lax.approx_max_k(-d2, kmax, recall_target=1.0)
    sidx = sidx.astype(jnp.int32)
    sd2 = -negd
    outs = []
    for (r, K) in specs:
        idxK = sidx[..., :K]
        valid = sd2[..., :K] <= r * r
        outs.append(jnp.where(valid, idxK, idxK[..., :1]))
    return outs



def _g1_body(K, bm, r_ref, w1, b1, w2, b2, w3, b3, o_ref):
    h = r_ref[...]
    h = jnp.maximum(jnp.dot(h, w1[...], preferred_element_type=jnp.float32) + b1[...], 0.0)
    h = jnp.maximum(jnp.dot(h, w2[...], preferred_element_type=jnp.float32) + b2[...], 0.0)
    h = jnp.maximum(jnp.dot(h, w3[...], preferred_element_type=jnp.float32) + b3[...], 0.0)
    for i in range(bm):
        o_ref[i:i + 1, :] = jnp.max(h[i * K:(i + 1) * K, :], axis=0,
                                    keepdims=True)


def _grouped_mlp_rel(rel2d, K, bm, layers):
    R = rel2d.shape[0]
    c3 = layers[2][0].shape[1]
    nctr = R // K
    ws = []
    for (W, b) in layers:
        ws.append(W)
        ws.append(b.reshape(1, -1))
    body = functools.partial(_g1_body, K, bm)
    return pl.pallas_call(
        body,
        grid=(R // (bm * K),),
        in_specs=[pl.BlockSpec((bm * K, 3), lambda g: (g, 0))]
        + [pl.BlockSpec(w.shape, lambda g: (0, 0)) for w in ws],
        out_specs=pl.BlockSpec((bm, c3), lambda g: (g, 0)),
        out_shape=jax.ShapeDtypeStruct((nctr, c3), jnp.float32),
    )(rel2d, *ws)


def _g2_body(K, bm, n, a_ref, bc_ref, idx_ref, w2, b2, w3, b3, o_ref):
    A = a_ref[0]
    idxv = idx_ref[...]
    lane_n = jax.lax.broadcasted_iota(jnp.int32, (bm * K, n), 1)
    oh = jnp.where(idxv == lane_n, 1.0, 0.0)
    G = jnp.dot(oh, A, preferred_element_type=jnp.float32)
    gid = jax.lax.broadcasted_iota(jnp.int32, (bm * K, 1), 0) // K
    lane_b = jax.lax.broadcasted_iota(jnp.int32, (bm * K, bm), 1)
    ohg = jnp.where(gid == lane_b, 1.0, 0.0)
    Brep = jnp.dot(ohg, bc_ref[0], preferred_element_type=jnp.float32)
    h = jnp.maximum(G - Brep, 0.0)
    h = jnp.maximum(jnp.dot(h, w2[...], preferred_element_type=jnp.float32) + b2[...], 0.0)
    h = jnp.maximum(jnp.dot(h, w3[...], preferred_element_type=jnp.float32) + b3[...], 0.0)
    for i in range(bm):
        o_ref[0, i:i + 1, :] = jnp.max(h[i * K:(i + 1) * K, :], axis=0,
                                       keepdims=True)


def _grouped_mlp_gather(A, Bc2d, idxcol, K, bm, layers23):
    Bb, n, c1 = A.shape
    m = Bc2d.shape[0] // Bb
    c3 = layers23[1][0].shape[1]
    gpb = m // bm
    ws = []
    for (W, b) in layers23:
        ws.append(W)
        ws.append(b.reshape(1, -1))
    body = functools.partial(_g2_body, K, bm, n)
    ngrp = Bb * gpb
    bc3 = Bc2d.reshape(ngrp, bm, c1)
    out = pl.pallas_call(
        body,
        grid=(Bb, gpb),
        in_specs=[
            pl.BlockSpec((1, n, c1), lambda b, g: (b, 0, 0)),
            pl.BlockSpec((1, bm, c1), lambda b, g, _g=gpb: (b * _g + g, 0, 0)),
            pl.BlockSpec((bm * K, 1), lambda b, g, _g=gpb: (b * _g + g, 0)),
        ]
        + [pl.BlockSpec(w.shape, lambda b, g: (0, 0)) for w in ws],
        out_specs=pl.BlockSpec((1, bm, c3), lambda b, g, _g=gpb: (b * _g + g, 0, 0)),
        out_shape=jax.ShapeDtypeStruct((ngrp, bm, c3), jnp.float32),
    )(A, bc3, idxcol, *ws)
    return out.reshape(Bb * m, c3)


def _sa_msg1(pos, m, radii, Ks, mlps, bms):
    cidx = _fps_pallas(pos, m)
    centers = _gather_j(pos, cidx)
    idxs = _ball_level(pos, centers, list(zip(radii, Ks)))
    outs = []
    for idx, ps, K, bm in zip(idxs, mlps, Ks, bms):
        rel = _gather_j(pos, idx) - centers[:, :, None, :]
        rel2d = rel.reshape(_B * m * K, 3)
        o = _grouped_mlp_rel(rel2d, K, bm, ps)
        outs.append(o.reshape(_B, m, -1))
    return jnp.concatenate(outs, axis=-1), centers


def _sa_msg2(x, pos, m, radii, Ks, mlps, bms):
    cidx = _fps_pallas(pos, m)
    centers = _gather_j(pos, cidx)
    idxs = _ball_level(pos, centers, list(zip(radii, Ks)))
    n = pos.shape[1]
    xp = jnp.concatenate([x, pos], axis=-1).reshape(_B * n, -1)
    cflat = centers.reshape(_B * m, 3)
    outs = []
    for idx, ps, K, bm in zip(idxs, mlps, Ks, bms):
        (W1, b1), l2, l3 = ps
        A = _mlp_rows(xp, [(W1, b1)], relu_flags=[False],
                      bm=_B * n // 8).reshape(_B, n, -1)
        W1p = W1[-3:]
        Bc2d = _mlp_rows(cflat, [(W1p, jnp.zeros((W1.shape[1],), jnp.float32))],
                         relu_flags=[False], bm=_B * m // 8)
        idxcol = idx.reshape(_B * m * K, 1)
        o = _grouped_mlp_gather(A, Bc2d, idxcol, K, bm, [l2, l3])
        outs.append(o.reshape(_B, m, -1))
    return jnp.concatenate(outs, axis=-1), centers



def kernel(pos, batch, params):
    del batch
    pos3 = pos.reshape(_B, _NPTS, 3)
    x1, p1 = _sa_msg1(pos3, 512, (0.1, 0.2, 0.4), (16, 32, 128),
                      params['sa1'], bms=(64, 32, 32))
    x2, p2 = _sa_msg2(x1, p1, 128, (0.2, 0.4, 0.8), (32, 64, 128),
                      params['sa2'], bms=(16, 8, 4))
    g = _mlp_batched(jnp.concatenate([x2, p2], axis=-1), params['sa3'],
                     maxpool=True)
    gb = jnp.broadcast_to(g[:, None, :], (_B, 128, g.shape[1]))
    h3 = _mlp_batched(jnp.concatenate([gb, x2], axis=-1), params['fp3'])
    xi2 = _knn3_pallas(p1, p2, h3, bq=512)
    h2 = _mlp_batched(jnp.concatenate([xi2, x1], axis=-1), params['fp2'])
    xi1 = _knn3_pallas(pos3, p1, h2, bq=1024)
    head = list(params['fp1']) + [params['lin1'], params['lin2'], params['lin3']]
    out = _mlp_rows(xi1.reshape(_B * _NPTS, 128), head,
                    relu_flags=[True, True, True, True, False, False],
                    softmax=True, bm=4096)
    return out

# --- scband reference (transcript-rebuilt; emitter-appended) ---
"""Pipeline reference for scband-point-net2-msgseg-31542239822574 (READ-ONLY COPY).

The authoritative reference and input builder live on the scoring server;
editing this copy changes nothing except your own understanding.
"""

import jax, jax.numpy as jnp
import numpy as np

B = 8
NPTS = 4096
NCLS = 13

def _mlp_params(key, dims):
    ps = []
    for i in range(len(dims) - 1):
        key, k1 = jax.random.split(key)
        W = jax.random.normal(k1, (dims[i], dims[i + 1]), jnp.float32) * (1.0 / np.sqrt(dims[i]))
        ps.append((W, jnp.zeros((dims[i + 1],), jnp.float32)))
    return ps, key

def setup_inputs(seed: int = 0):
    key = jax.random.key(seed)
    key, kp = jax.random.split(key)
    pos = jax.random.uniform(kp, (B * NPTS, 3), jnp.float32)
    batch = jnp.repeat(jnp.arange(B, dtype=jnp.int32), NPTS)
    params = {}
    sa1 = []
    for dims in ([3, 32, 32, 64], [3, 64, 64, 128], [3, 64, 96, 128]):
        p, key = _mlp_params(key, dims)
        sa1.append(p)
    params['sa1'] = sa1
    sa2 = []
    for dims in ([323, 64, 64, 128], [323, 128, 128, 256], [323, 128, 128, 256]):
        p, key = _mlp_params(key, dims)
        sa2.append(p)
    params['sa2'] = sa2
    params['sa3'], key = _mlp_params(key, [643, 256, 512, 1024])
    params['fp3'], key = _mlp_params(key, [1664, 256, 256])
    params['fp2'], key = _mlp_params(key, [576, 256, 128])
    params['fp1'], key = _mlp_params(key, [128, 128, 128, 128])
    lins, key = _mlp_params(key, [128, 128, 128, NCLS])
    params['lin1'], params['lin2'], params['lin3'] = lins
    return {'pos': pos, 'batch': batch, 'params': params}

def _mlp(h, ps):
    for W, b in ps:
        h = jax.nn.relu(h @ W + b)
    return h

def _gather(x, idx):
    bidx = jnp.arange(x.shape[0]).reshape((-1,) + (1,) * (idx.ndim - 1))
    return x[bidx, idx]

def _fps(pos, m):
    Bb, n, _ = pos.shape
    def step(state, _):
        mind, last = state
        lastpos = pos[jnp.arange(Bb), last][:, None, :]
        d = jnp.sum((pos - lastpos) ** 2, axis=-1)
        mind2 = jnp.minimum(mind, d)
        nxt = jnp.argmax(mind2, axis=-1).astype(jnp.int32)
        return (mind2, nxt), last
    init = (jnp.full((Bb, n), 1e10, jnp.float32), jnp.zeros((Bb,), jnp.int32))
    _, idxs = jax.lax.scan(step, init, None, length=m)
    return jnp.transpose(idxs)

def _ball(pos, centers, r, K):
    d2 = jnp.sum((centers[:, :, None, :] - pos[:, None, :, :]) ** 2, axis=-1)
    masked = jnp.where(d2 <= r * r, d2, jnp.inf)
    negd, idx = jax.lax.top_k(-masked, K)
    valid = negd > -jnp.inf
    return jnp.where(valid, idx, idx[:, :, :1])

def _sa_msg(x, pos, m, radii, Ks, mlps):
    cidx = _fps(pos, m)
    centers = _gather(pos, cidx)
    outs = []
    for r, K, ps in zip(radii, Ks, mlps):
        idx = _ball(pos, centers, r, K)
        rel = _gather(pos, idx) - centers[:, :, None, :]
        feat = rel if x is None else jnp.concatenate([_gather(x, idx), rel], axis=-1)
        outs.append(jnp.max(_mlp(feat, ps), axis=2))
    return jnp.concatenate(outs, axis=-1), centers

def _knn_interp(xc, pc, pf, k):
    d2 = jnp.sum((pf[:, :, None, :] - pc[:, None, :, :]) ** 2, axis=-1)
    negd, idx = jax.lax.top_k(-d2, k)
    w = 1.0 / jnp.maximum(-negd, 1e-10)
    w = w / jnp.sum(w, axis=-1, keepdims=True)
    return jnp.sum(w[..., None] * _gather(xc, idx), axis=2)

def _forward(pos_flat, params):
    pos = pos_flat.reshape(B, NPTS, 3)
    x1, p1 = _sa_msg(None, pos, 512, (0.1, 0.2, 0.4), (16, 32, 128), params['sa1'])
    x2, p2 = _sa_msg(x1, p1, 128, (0.2, 0.4, 0.8), (32, 64, 128), params['sa2'])
    g = jnp.max(_mlp(jnp.concatenate([x2, p2], axis=-1), params['sa3']), axis=1)
    x3 = g[:, None, :]
    p3 = jnp.zeros((B, 1, 3), jnp.float32)
    h3 = _mlp(jnp.concatenate([_knn_interp(x3, p3, p2, 1), x2], axis=-1), params['fp3'])
    h2 = _mlp(jnp.concatenate([_knn_interp(h3, p2, p1, 3), x1], axis=-1), params['fp2'])
    h1 = _mlp(_knn_interp(h2, p1, pos, 3), params['fp1'])
    W1, b1 = params['lin1']
    W2, b2 = params['lin2']
    W3, b3 = params['lin3']
    h = jax.nn.relu(h1 @ W1 + b1)
    h = h @ W2 + b2
    h = h @ W3 + b3
    return jax.nn.log_softmax(h, axis=-1).reshape(B * NPTS, NCLS)

def reference(pos, batch, params):
    return _forward(pos, params)

if __name__ == "__main__":
    import jax
    _d = setup_inputs()
    print(jax.jit(kernel)(*tuple(_d.values())))

</pallas_src>

<mosaic_0001>
module attributes {stable_mosaic.version = 14 : i64} {
  func.func @_fps_body(%arg0: i32, %arg1: memref<8x4096xf32, #tpu.memory_space<vmem>>, %arg2: memref<8x4096xf32, #tpu.memory_space<vmem>>, %arg3: memref<8x4096xf32, #tpu.memory_space<vmem>>, %arg4: memref<8x512xi32, #tpu.memory_space<vmem>>) attributes {dimension_semantics = [#tpu.dimension_semantics<arbitrary>], iteration_bounds = array<i64: 1>, scalar_prefetch = 0 : i64, scratch_operands = 0 : i64, tpu.core_type = #tpu.core_type<tc>, window_params = [{pipeline_mode = #tpu.pipeline_mode<synchronous>, transform_indices = @transform_0, window_bounds = array<i64: 8, 4096>}, {pipeline_mode = #tpu.pipeline_mode<synchronous>, transform_indices = @transform_1, window_bounds = array<i64: 8, 4096>}, {pipeline_mode = #tpu.pipeline_mode<synchronous>, transform_indices = @transform_2, window_bounds = array<i64: 8, 4096>}, {pipeline_mode = #tpu.pipeline_mode<synchronous>, transform_indices = @transform_3, window_bounds = array<i64: 8, 512>}]} {
    %get3A = arith.constant 0 : index
    %get3A_0 = arith.constant 0 : index
    %get3A_1 = vector.load %arg1[%get3A, %get3A_0] : memref<8x4096xf32, #tpu.memory_space<vmem>>, vector<8x4096xf32>
    %get3A_2 = arith.constant 0 : index
    %get3A_3 = arith.constant 0 : index
    %get3A_4 = vector.load %arg2[%get3A_2, %get3A_3] : memref<8x4096xf32, #tpu.memory_space<vmem>>, vector<8x4096xf32>
    %get3A_5 = arith.constant 0 : index
    %get3A_6 = arith.constant 0 : index
    %get3A_7 = vector.load %arg3[%get3A_5, %get3A_6] : memref<8x4096xf32, #tpu.memory_space<vmem>>, vector<8x4096xf32>
    %iota3A = tpu.iota {dimensions = array<i32: 1>} : vector<8x4096xi32>
    %iota3A_8 = tpu.iota {dimensions = array<i32: 1>} : vector<8x512xi32>
    %broadcast_in_dim3A = arith.constant 0 : i32
    %broadcast_in_dim3A_9 = vector.broadcast %broadcast_in_dim3A : i32 to vector<8x512xi32>
    %swap3A = arith.constant 0 : index
    %swap3A_10 = arith.constant 0 : index
    %swap3A_11 = vector.load %arg4[%swap3A, %swap3A_10] : memref<8x512xi32, #tpu.memory_space<vmem>>, vector<8x512xi32>
    tpu.vector_store %arg4[%swap3A, %swap3A_10], %broadcast_in_dim3A_9 {strides = array<i32>} : memref<8x512xi32, #tpu.memory_space<vmem>>, vector<8x512xi32>,
    %broadcast_in_dim3A_12 = arith.constant 1.000000e+10 : f32
    %broadcast_in_dim3A_13 = vector.broadcast %broadcast_in_dim3A_12 : f32 to vector<8x4096xf32>
    %broadcast_in_dim3A_14 = arith.constant 0 : i32
    %broadcast_in_dim3A_15 = vector.broadcast %broadcast_in_dim3A_14 : i32 to vector<8x1xi32>
    %get3A_16 = arith.constant 0 : index
    %get3A_17 = arith.constant 0 : index
    %get3A_18 = vector.load %arg4[%get3A_16, %get3A_17] : memref<8x512xi32, #tpu.memory_space<vmem>>, vector<8x512xi32>
    %scan3A = arith.constant 0 : i32
    %scan3A_19 = arith.constant 512 : i32
    %scan3A_20 = arith.addi %scan3A, %scan3A_19 : i32
    %scan3A_21 = arith.constant 1 : i32
    %scan3A_22:3 = scf.for %scan3A_27 = %scan3A to %scan3A_20 step %scan3A_21 iter_args(%scan3A_28 = %broadcast_in_dim3A_13, %scan3A_29 = %broadcast_in_dim3A_15, %scan3A_30 = %get3A_18) -> (vector<8x4096xf32>, vector<8x1xi32>, vector<8x512xi32>)  : i32 {
      %eq3A = vector.broadcast %scan3A_27 : i32 to vector<8x512xi32>
      %eq3A_31 = arith.cmpi eq, %iota3A_8, %eq3A : vector<8x512xi32>
      %jit3A = arith.constant 1 : i32
      %jit3A_32 = arith.constant 0 : i32
      %broadcast_in_dim3A_33 = vector.broadcast %jit3A : i32 to vector<8x512xi32>
      %broadcast_in_dim3A_34 = vector.broadcast %jit3A_32 : i32 to vector<8x512xi32>
      %select_n3A = arith.select %eq3A_31, %broadcast_in_dim3A_33, %broadcast_in_dim3A_34 : vector<8x512xi1>, vector<8x512xi32>
      %mul3A = vector.broadcast %scan3A_29 : vector<8x1xi32> to vector<8x512xi32>
      %mul3A_35 = arith.muli %select_n3A, %mul3A : vector<8x512xi32>
      %add3A = arith.addi %scan3A_30, %mul3A_35 : vector<8x512xi32>
      %eq3A_36 = vector.broadcast %scan3A_29 : vector<8x1xi32> to vector<8x4096xi32>
      %eq3A_37 = arith.cmpi eq, %iota3A, %eq3A_36 : vector<8x4096xi32>
      %jit3A_38 = arith.constant 0.000000e+00 : f32
      %broadcast_in_dim3A_39 = vector.broadcast %jit3A_38 : f32 to vector<8x4096xf32>
      %select_n3A_40 = arith.select %eq3A_37, %get3A_1, %broadcast_in_dim3A_39 : vector<8x4096xi1>, vector<8x4096xf32>
      %reduce_sum3A = arith.constant dense<0.000000e+00> : vector<8xf32>
      %reduce_sum3A_41 = vector.multi_reduction <add>, %select_n3A_40, %reduce_sum3A [1] : vector<8x4096xf32> to vector<8xf32>
      %broadcast_in_dim3A_42 = vector.shape_cast %reduce_sum3A_41 : vector<8xf32> to vector<8x1xf32>
      %jit3A_43 = arith.constant 0.000000e+00 : f32
      %broadcast_in_dim3A_44 = vector.broadcast %jit3A_43 : f32 to vector<8x4096xf32>
      %select_n3A_45 = arith.select %eq3A_37, %get3A_4, %broadcast_in_dim3A_44 : vector<8x4096xi1>, vector<8x4096xf32>
      %reduce_sum3A_46 = arith.constant dense<0.000000e+00> : vector<8xf32>
      %reduce_sum3A_47 = vector.multi_reduction <add>, %select_n3A_45, %reduce_sum3A_46 [1] : vector<8x4096xf32> to vector<8xf32>
      %broadcast_in_dim3A_48 = vector.shape_cast %reduce_sum3A_47 : vector<8xf32> to vector<8x1xf32>
      %jit3A_49 = arith.constant 0.000000e+00 : f32
      %broadcast_in_dim3A_50 = vector.broadcast %jit3A_49 : f32 to vector<8x4096xf32>
      %select_n3A_51 = arith.select %eq3A_37, %get3A_7, %broadcast_in_dim3A_50 : vector<8x4096xi1>, vector<8x4096xf32>
      %reduce_sum3A_52 = arith.constant dense<0.000000e+00> : vector<8xf32>
      %reduce_sum3A_53 = vector.multi_reduction <add>, %select_n3A_51, %reduce_sum3A_52 [1] : vector<8x4096xf32> to vector<8xf32>
      %broadcast_in_dim3A_54 = vector.shape_cast %reduce_sum3A_53 : vector<8xf32> to vector<8x1xf32>
      %sub3A = vector.broadcast %broadcast_in_dim3A_42 : vector<8x1xf32> to vector<8x4096xf32>
      %sub3A_55 = arith.subf %get3A_1, %sub3A : vector<8x4096xf32>
      %sub3A_56 = vector.broadcast %broadcast_in_dim3A_48 : vector<8x1xf32> to vector<8x4096xf32>
      %sub3A_57 = arith.subf %get3A_4, %sub3A_56 : vector<8x4096xf32>
      %sub3A_58 = vector.broadcast %broadcast_in_dim3A_54 : vector<8x1xf32> to vector<8x4096xf32>
      %sub3A_59 = arith.subf %get3A_7, %sub3A_58 : vector<8x4096xf32>
      %mul3A_60 = arith.mulf %sub3A_55, %sub3A_55 : vector<8x4096xf32>
      %mul3A_61 = arith.mulf %sub3A_57, %sub3A_57 : vector<8x4096xf32>
      %add3A_62 = arith.addf %mul3A_60, %mul3A_61 : vector<8x4096xf32>
      %mul3A_63 = arith.mulf %sub3A_59, %sub3A_59 : vector<8x4096xf32>
      %add3A_64 = arith.addf %add3A_62, %mul3A_63 : vector<8x4096xf32>
      %min3A = arith.minimumf %scan3A_28, %add3A_64 : vector<8x4096xf32>
      %reduce_max3A = arith.constant dense<0xFF800000> : vector<8xf32>
      %reduce_max3A_65 = vector.multi_reduction <maximumf>, %min3A, %reduce_max3A [1] : vector<8x4096xf32> to vector<8xf32>
      %broadcast_in_dim3A_66 = vector.shape_cast %reduce_max3A_65 : vector<8xf32> to vector<8x1xf32>
      %eq3A_67 = vector.broadcast %broadcast_in_dim3A_66 : vector<8x1xf32> to vector<8x4096xf32>
      %eq3A_68 = arith.cmpf oeq, %min3A, %eq3A_67 : vector<8x4096xf32>
      %jit3A_69 = arith.constant 4096 : i32
      %broadcast_in_dim3A_70 = vector.broadcast %jit3A_69 : i32 to vector<8x4096xi32>
      %select_n3A_71 = arith.select %eq3A_68, %iota3A, %broadcast_in_dim3A_70 : vector<8x4096xi1>, vector<8x4096xi32>
      %reduce_min3A = arith.constant dense<2147483647> : vector<8xi32>
      %reduce_min3A_72 = vector.multi_reduction <minsi>, %select_n3A_71, %reduce_min3A [1] : vector<8x4096xi32> to vector<8xi32>
      %broadcast_in_dim3A_73 = vector.shape_cast %reduce_min3A_72 : vector<8xi32> to vector<8x1xi32>
      scf.yield %min3A, %broadcast_in_dim3A_73, %add3A : vector<8x4096xf32>, vector<8x1xi32>, vector<8x512xi32>
    }
    %scan3A_23 = arith.constant 512 : i32
    %swap3A_24 = arith.constant 0 : index
    %swap3A_25 = arith.constant 0 : index
    %swap3A_26 = vector.load %arg4[%swap3A_24, %swap3A_25] : memref<8x512xi32, #tpu.memory_space<vmem>>, vector<8x512xi32>
    tpu.vector_store %arg4[%swap3A_24, %swap3A_25], %scan3A_22#2 {strides = array<i32>} : memref<8x512xi32, #tpu.memory_space<vmem>>, vector<8x512xi32>,
    return
  }
  func.func @transform_0(%arg0: i32) -> (i32, i32) {
    %c0_i32 = arith.constant 0 : i32
    %c0_i32_0 = arith.constant 0 : i32
    %c0_i32_1 = arith.constant 0 : i32
    return %c0_i32, %c0_i32_0 : i32, i32
  }
  func.func @transform_1(%arg0: i32) -> (i32, i32) {
    %c0_i32 = arith.constant 0 : i32
    %c0_i32_0 = arith.constant 0 : i32
    %c0_i32_1 = arith.constant 0 : i32
    return %c0_i32, %c0_i32_0 : i32, i32
  }
  func.func @transform_2(%arg0: i32) -> (i32, i32) {
    %c0_i32 = arith.constant 0 : i32
    %c0_i32_0 = arith.constant 0 : i32
    %c0_i32_1 = arith.constant 0 : i32
    return %c0_i32, %c0_i32_0 : i32, i32
  }
  func.func @transform_3(%arg0: i32) -> (i32, i32) {
    %c0_i32 = arith.constant 0 : i32
    %c0_i32_0 = arith.constant 0 : i32
    %c0_i32_1 = arith.constant 0 : i32
    return %c0_i32, %c0_i32_0 : i32, i32
  }
}

module attributes {stable_mosaic.version = 14 : i64} {
  func.func @_fps_body(%arg0: i32, %arg1: memref<8x512xf32, #tpu.memory_space<vmem>>, %arg2: memref<8x512xf32, #tpu.memory_space<vmem>>, %arg3: memref<8x512xf32, #tpu.memory_space<vmem>>, %arg4: memref<8x128xi32, #tpu.memory_space<vmem>>) attributes {dimension_semantics = [#tpu.dimension_semantics<arbitrary>], iteration_bounds = array<i64: 1>, scalar_prefetch = 0 : i64, scratch_operands = 0 : i64, tpu.core_type = #tpu.core_type<tc>, window_params = [{pipeline_mode = #tpu.pipeline_mode<synchronous>, transform_indices = @transform_0, window_bounds = array<i64: 8, 512>}, {pipeline_mode = #tpu.pipeline_mode<synchronous>, transform_indices = @transform_1, window_bounds = array<i64: 8, 512>}, {pipeline_mode = #tpu.pipeline_mode<synchronous>, transform_indices = @transform_2, window_bounds = array<i64: 8, 512>}, {pipeline_mode = #tpu.pipeline_mode<synchronous>, transform_indices = @transform_3, window_bounds = array<i64: 8, 128>}]} {
    %get3A = arith.constant 0 : index
    %get3A_0 = arith.constant 0 : index
    %get3A_1 = vector.load %arg1[%get3A, %get3A_0] : memref<8x512xf32, #tpu.memory_space<vmem>>, vector<8x512xf32>
    %get3A_2 = arith.constant 0 : index
    %get3A_3 = arith.constant 0 : index
    %get3A_4 = vector.load %arg2[%get3A_2, %get3A_3] : memref<8x512xf32, #tpu.memory_space<vmem>>, vector<8x512xf32>
    %get3A_5 = arith.constant 0 : index
    %get3A_6 = arith.constant 0 : index
    %get3A_7 = vector.load %arg3[%get3A_5, %get3A_6] : memref<8x512xf32, #tpu.memory_space<vmem>>, vector<8x512xf32>
    %iota3A = tpu.iota {dimensions = array<i32: 1>} : vector<8x512xi32>
    %iota3A_8 = tpu.iota {dimensions = array<i32: 1>} : vector<8x128xi32>
    %broadcast_in_dim3A = arith.constant 0 : i32
    %broadcast_in_dim3A_9 = vector.broadcast %broadcast_in_dim3A : i32 to vector<8x128xi32>
    %swap3A = arith.constant 0 : index
    %swap3A_10 = arith.constant 0 : index
    %swap3A_11 = vector.load %arg4[%swap3A, %swap3A_10] : memref<8x128xi32, #tpu.memory_space<vmem>>, vector<8x128xi32>
    tpu.vector_store %arg4[%swap3A, %swap3A_10], %broadcast_in_dim3A_9 {strides = array<i32>} : memref<8x128xi32, #tpu.memory_space<vmem>>, vector<8x128xi32>,
    %broadcast_in_dim3A_12 = arith.constant 1.000000e+10 : f32
    %broadcast_in_dim3A_13 = vector.broadcast %broadcast_in_dim3A_12 : f32 to vector<8x512xf32>
    %broadcast_in_dim3A_14 = arith.constant 0 : i32
    %broadcast_in_dim3A_15 = vector.broadcast %broadcast_in_dim3A_14 : i32 to vector<8x1xi32>
    %get3A_16 = arith.constant 0 : index
    %get3A_17 = arith.constant 0 : index
    %get3A_18 = vector.load %arg4[%get3A_16, %get3A_17] : memref<8x128xi32, #tpu.memory_space<vmem>>, vector<8x128xi32>
    %scan3A = arith.constant 0 : i32
    %scan3A_19 = arith.constant 128 : i32
    %scan3A_20 = arith.addi %scan3A, %scan3A_19 : i32
    %scan3A_21 = arith.constant 1 : i32
    %scan3A_22:3 = scf.for %scan3A_27 = %scan3A to %scan3A_20 step %scan3A_21 iter_args(%scan3A_28 = %broadcast_in_dim3A_13, %scan3A_29 = %broadcast_in_dim3A_15, %scan3A_30 = %get3A_18) -> (vector<8x512xf32>, vector<8x1xi32>, vector<8x128xi32>)  : i32 {
      %eq3A = vector.broadcast %scan3A_27 : i32 to vector<8x128xi32>
      %eq3A_31 = arith.cmpi eq, %iota3A_8, %eq3A : vector<8x128xi32>
      %jit3A = arith.constant 1 : i32
      %jit3A_32 = arith.constant 0 : i32
      %broadcast_in_dim3A_33 = vector.broadcast %jit3A : i32 to vector<8x128xi32>
      %broadcast_in_dim3A_34 = vector.broadcast %jit3A_32 : i32 to vector<8x128xi32>
      %select_n3A = arith.select %eq3A_31, %broadcast_in_dim3A_33, %broadcast_in_dim3A_34 : vector<8x128xi1>, vector<8x128xi32>
      %mul3A = vector.broadcast %scan3A_29 : vector<8x1xi32> to vector<8x128xi32>
      %mul3A_35 = arith.muli %select_n3A, %mul3A : vector<8x128xi32>
      %add3A = arith.addi %scan3A_30, %mul3A_35 : vector<8x128xi32>
      %eq3A_36 = vector.broadcast %scan3A_29 : vector<8x1xi32> to vector<8x512xi32>
      %eq3A_37 = arith.cmpi eq, %iota3A, %eq3A_36 : vector<8x512xi32>
      %jit3A_38 = arith.constant 0.000000e+00 : f32
      %broadcast_in_dim3A_39 = vector.broadcast %jit3A_38 : f32 to vector<8x512xf32>
      %select_n3A_40 = arith.select %eq3A_37, %get3A_1, %broadcast_in_dim3A_39 : vector<8x512xi1>, vector<8x512xf32>
      %reduce_sum3A = arith.constant dense<0.000000e+00> : vector<8xf32>
      %reduce_sum3A_41 = vector.multi_reduction <add>, %select_n3A_40, %reduce_sum3A [1] : vector<8x512xf32> to vector<8xf32>
      %broadcast_in_dim3A_42 = vector.shape_cast %reduce_sum3A_41 : vector<8xf32> to vector<8x1xf32>
      %jit3A_43 = arith.constant 0.000000e+00 : f32
      %broadcast_in_dim3A_44 = vector.broadcast %jit3A_43 : f32 to vector<8x512xf32>
      %select_n3A_45 = arith.select %eq3A_37, %get3A_4, %broadcast_in_dim3A_44 : vector<8x512xi1>, vector<8x512xf32>
      %reduce_sum3A_46 = arith.constant dense<0.000000e+00> : vector<8xf32>
      %reduce_sum3A_47 = vector.multi_reduction <add>, %select_n3A_45, %reduce_sum3A_46 [1] : vector<8x512xf32> to vector<8xf32>
      %broadcast_in_dim3A_48 = vector.shape_cast %reduce_sum3A_47 : vector<8xf32> to vector<8x1xf32>
      %jit3A_49 = arith.constant 0.000000e+00 : f32
      %broadcast_in_dim3A_50 = vector.broadcast %jit3A_49 : f32 to vector<8x512xf32>
      %select_n3A_51 = arith.select %eq3A_37, %get3A_7, %broadcast_in_dim3A_50 : vector<8x512xi1>, vector<8x512xf32>
      %reduce_sum3A_52 = arith.constant dense<0.000000e+00> : vector<8xf32>
      %reduce_sum3A_53 = vector.multi_reduction <add>, %select_n3A_51, %reduce_sum3A_52 [1] : vector<8x512xf32> to vector<8xf32>
      %broadcast_in_dim3A_54 = vector.shape_cast %reduce_sum3A_53 : vector<8xf32> to vector<8x1xf32>
      %sub3A = vector.broadcast %broadcast_in_dim3A_42 : vector<8x1xf32> to vector<8x512xf32>
      %sub3A_55 = arith.subf %get3A_1, %sub3A : vector<8x512xf32>
      %sub3A_56 = vector.broadcast %broadcast_in_dim3A_48 : vector<8x1xf32> to vector<8x512xf32>
      %sub3A_57 = arith.subf %get3A_4, %sub3A_56 : vector<8x512xf32>
      %sub3A_58 = vector.broadcast %broadcast_in_dim3A_54 : vector<8x1xf32> to vector<8x512xf32>
      %sub3A_59 = arith.subf %get3A_7, %sub3A_58 : vector<8x512xf32>
      %mul3A_60 = arith.mulf %sub3A_55, %sub3A_55 : vector<8x512xf32>
      %mul3A_61 = arith.mulf %sub3A_57, %sub3A_57 : vector<8x512xf32>
      %add3A_62 = arith.addf %mul3A_60, %mul3A_61 : vector<8x512xf32>
      %mul3A_63 = arith.mulf %sub3A_59, %sub3A_59 : vector<8x512xf32>
      %add3A_64 = arith.addf %add3A_62, %mul3A_63 : vector<8x512xf32>
      %min3A = arith.minimumf %scan3A_28, %add3A_64 : vector<8x512xf32>
      %reduce_max3A = arith.constant dense<0xFF800000> : vector<8xf32>
      %reduce_max3A_65 = vector.multi_reduction <maximumf>, %min3A, %reduce_max3A [1] : vector<8x512xf32> to vector<8xf32>
      %broadcast_in_dim3A_66 = vector.shape_cast %reduce_max3A_65 : vector<8xf32> to vector<8x1xf32>
      %eq3A_67 = vector.broadcast %broadcast_in_dim3A_66 : vector<8x1xf32> to vector<8x512xf32>
      %eq3A_68 = arith.cmpf oeq, %min3A, %eq3A_67 : vector<8x512xf32>
      %jit3A_69 = arith.constant 512 : i32
      %broadcast_in_dim3A_70 = vector.broadcast %jit3A_69 : i32 to vector<8x512xi32>
      %select_n3A_71 = arith.select %eq3A_68, %iota3A, %broadcast_in_dim3A_70 : vector<8x512xi1>, vector<8x512xi32>
      %reduce_min3A = arith.constant dense<2147483647> : vector<8xi32>
      %reduce_min3A_72 = vector.multi_reduction <minsi>, %select_n3A_71, %reduce_min3A [1] : vector<8x512xi32> to vector<8xi32>
      %broadcast_in_dim3A_73 = vector.shape_cast %reduce_min3A_72 : vector<8xi32> to vector<8x1xi32>
      scf.yield %min3A, %broadcast_in_dim3A_73, %add3A : vector<8x512xf32>, vector<8x1xi32>, vector<8x128xi32>
    }
    %scan3A_23 = arith.constant 128 : i32
    %swap3A_24 = arith.constant 0 : index
    %swap3A_25 = arith.constant 0 : index
    %swap3A_26 = vector.load %arg4[%swap3A_24, %swap3A_25] : memref<8x128xi32, #tpu.memory_space<vmem>>, vector<8x128xi32>
    tpu.vector_store %arg4[%swap3A_24, %swap3A_25], %scan3A_22#2 {strides = array<i32>} : memref<8x128xi32, #tpu.memory_space<vmem>>, vector<8x128xi32>,
    return
  }
  func.func @transform_0(%arg0: i32) -> (i32, i32) {
    %c0_i32 = arith.constant 0 : i32
    %c0_i32_0 = arith.constant 0 : i32
    %c0_i32_1 = arith.constant 0 : i32
    return %c0_i32, %c0_i32_0 : i32, i32
  }
  func.func @transform_1(%arg0: i32) -> (i32, i32) {
    %c0_i32 = arith.constant 0 : i32
    %c0_i32_0 = arith.constant 0 : i32
    %c0_i32_1 = arith.constant 0 : i32
    return %c0_i32, %c0_i32_0 : i32, i32
  }
  func.func @transform_2(%arg0: i32) -> (i32, i32) {
    %c0_i32 = arith.constant 0 : i32
    %c0_i32_0 = arith.constant 0 : i32
    %c0_i32_1 = arith.constant 0 : i32
    return %c0_i32, %c0_i32_0 : i32, i32
  }
  func.func @transform_3(%arg0: i32) -> (i32, i32) {
    %c0_i32 = arith.constant 0 : i32
    %c0_i32_0 = arith.constant 0 : i32
    %c0_i32_1 = arith.constant 0 : i32
    return %c0_i32, %c0_i32_0 : i32, i32
  }
}

module attributes {stable_mosaic.version = 14 : i64} {
  func.func @_mlp_stack_body(%arg0: i32, %arg1: memref<128x3xf32, #tpu.memory_space<vmem>>, %arg2: memref<3x128xf32, #tpu.memory_space<vmem>>, %arg3: memref<1x128xf32, #tpu.memory_space<vmem>>, %arg4: memref<128x128xf32, #tpu.memory_space<vmem>>) attributes {dimension_semantics = [#tpu.dimension_semantics<arbitrary>], iteration_bounds = array<i64: 8>, scalar_prefetch = 0 : i64, scratch_operands = 0 : i64, tpu.core_type = #tpu.core_type<tc>, window_params = [{transform_indices = @transform_0, window_bounds = array<i64: 128, 3>}, {pipeline_mode = #tpu.pipeline_mode<synchronous>, transform_indices = @transform_1, window_bounds = array<i64: 3, 128>}, {pipeline_mode = #tpu.pipeline_mode<synchronous>, transform_indices = @transform_2, window_bounds = array<i64: 1, 128>}, {transform_indices = @transform_3, window_bounds = array<i64: 128, 128>}]} {
    %get3A = arith.constant 0 : index
    %get3A_0 = arith.constant 0 : index
    %get3A_1 = vector.load %arg1[%get3A, %get3A_0] : memref<128x3xf32, #tpu.memory_space<vmem>>, vector<128x3xf32>
    %get3A_2 = arith.constant 0 : index
    %get3A_3 = arith.constant 0 : index
    %get3A_4 = vector.load %arg2[%get3A_2, %get3A_3] : memref<3x128xf32, #tpu.memory_space<vmem>>, vector<3x128xf32>
    %get3A_5 = arith.constant 0 : index
    %get3A_6 = arith.constant 0 : index
    %get3A_7 = vector.load %arg3[%get3A_5, %get3A_6] : memref<1x128xf32, #tpu.memory_space<vmem>>, vector<1x128xf32>
    %dot_general3A = arith.constant dense<0.000000e+00> : vector<128x128xf32>
    %dot_general3A_8 = tpu.matmul %get3A_1, %get3A_4, %dot_general3A {dimension_numbers = #tpu.dot_dimension_numbers<[1], [0], [0], [1], [0, 0, 1, 1], [], []>, transpose_lhs_hint = false} : vector<128x3xf32>, vector<3x128xf32>, vector<128x128xf32> -> vector<128x128xf32>
    %add3A = vector.broadcast %get3A_7 : vector<1x128xf32> to vector<128x128xf32>
    %add3A_9 = arith.addf %dot_general3A_8, %add3A : vector<128x128xf32>
    %swap3A = arith.constant 0 : index
    %swap3A_10 = arith.constant 0 : index
    %swap3A_11 = vector.load %arg4[%swap3A, %swap3A_10] : memref<128x128xf32, #tpu.memory_space<vmem>>, vector<128x128xf32>
    tpu.vector_store %arg4[%swap3A, %swap3A_10], %add3A_9 {strides = array<i32>} : memref<128x128xf32, #tpu.memory_space<vmem>>, vector<128x128xf32>,
    return
  }
  func.func @transform_0(%arg0: i32) -> (i32, i32) {
    %c0_i32 = arith.constant 0 : i32
    %c0_i32_0 = arith.constant 0 : i32
    return %arg0, %c0_i32 : i32, i32
  }
  func.func @transform_1(%arg0: i32) -> (i32, i32) {
    %c0_i32 = arith.constant 0 : i32
    %c0_i32_0 = arith.constant 0 : i32
    %c0_i32_1 = arith.constant 0 : i32
    return %c0_i32, %c0_i32_0 : i32, i32
  }
  func.func @transform_2(%arg0: i32) -> (i32, i32) {
    %c0_i32 = arith.constant 0 : i32
    %c0_i32_0 = arith.constant 0 : i32
    %c0_i32_1 = arith.constant 0 : i32
    return %c0_i32, %c0_i32_0 : i32, i32
  }
  func.func @transform_3(%arg0: i32) -> (i32, i32) {
    %c0_i32 = arith.constant 0 : i32
    %c0_i32_0 = arith.constant 0 : i32
    return %arg0, %c0_i32 : i32, i32
  }
}

module attributes {stable_mosaic.version = 14 : i64} {
  func.func @_mlp_stack_body(%arg0: i32, %arg1: memref<128x3xf32, #tpu.memory_space<vmem>>, %arg2: memref<3x64xf32, #tpu.memory_space<vmem>>, %arg3: memref<1x64xf32, #tpu.memory_space<vmem>>, %arg4: memref<128x64xf32, #tpu.memory_space<vmem>>) attributes {dimension_semantics = [#tpu.dimension_semantics<arbitrary>], iteration_bounds = array<i64: 8>, scalar_prefetch = 0 : i64, scratch_operands = 0 : i64, tpu.core_type = #tpu.core_type<tc>, window_params = [{transform_indices = @transform_0, window_bounds = array<i64: 128, 3>}, {pipeline_mode = #tpu.pipeline_mode<synchronous>, transform_indices = @transform_1, window_bounds = array<i64: 3, 64>}, {pipeline_mode = #tpu.pipeline_mode<synchronous>, transform_indices = @transform_2, window_bounds = array<i64: 1, 64>}, {transform_indices = @transform_3, window_bounds = array<i64: 128, 64>}]} {
    %get3A = arith.constant 0 : index
    %get3A_0 = arith.constant 0 : index
    %get3A_1 = vector.load %arg1[%get3A, %get3A_0] : memref<128x3xf32, #tpu.memory_space<vmem>>, vector<128x3xf32>
    %get3A_2 = arith.constant 0 : index
    %get3A_3 = arith.constant 0 : index
    %get3A_4 = vector.load %arg2[%get3A_2, %get3A_3] : memref<3x64xf32, #tpu.memory_space<vmem>>, vector<3x64xf32>
    %get3A_5 = arith.constant 0 : index
    %get3A_6 = arith.constant 0 : index
    %get3A_7 = vector.load %arg3[%get3A_5, %get3A_6] : memref<1x64xf32, #tpu.memory_space<vmem>>, vector<1x64xf32>
    %dot_general3A = arith.constant dense<0.000000e+00> : vector<128x64xf32>
    %dot_general3A_8 = tpu.matmul %get3A_1, %get3A_4, %dot_general3A {dimension_numbers = #tpu.dot_dimension_numbers<[1], [0], [0], [1], [0, 0, 1, 1], [], []>, transpose_lhs_hint = false} : vector<128x3xf32>, vector<3x64xf32>, vector<128x64xf32> -> vector<128x64xf32>
    %add3A = vector.broadcast %get3A_7 : vector<1x64xf32> to vector<128x64xf32>
    %add3A_9 = arith.addf %dot_general3A_8, %add3A : vector<128x64xf32>
    %swap3A = arith.constant 0 : index
    %swap3A_10 = arith.constant 0 : index
    %swap3A_11 = vector.load %arg4[%swap3A, %swap3A_10] : memref<128x64xf32, #tpu.memory_space<vmem>>, vector<128x64xf32>
    tpu.vector_store %arg4[%swap3A, %swap3A_10], %add3A_9 {strides = array<i32>} : memref<128x64xf32, #tpu.memory_space<vmem>>, vector<128x64xf32>,
    return
  }
  func.func @transform_0(%arg0: i32) -> (i32, i32) {
    %c0_i32 = arith.constant 0 : i32
    %c0_i32_0 = arith.constant 0 : i32
    return %arg0, %c0_i32 : i32, i32
  }
  func.func @transform_1(%arg0: i32) -> (i32, i32) {
    %c0_i32 = arith.constant 0 : i32
    %c0_i32_0 = arith.constant 0 : i32
    %c0_i32_1 = arith.constant 0 : i32
    return %c0_i32, %c0_i32_0 : i32, i32
  }
  func.func @transform_2(%arg0: i32) -> (i32, i32) {
    %c0_i32 = arith.constant 0 : i32
    %c0_i32_0 = arith.constant 0 : i32
    %c0_i32_1 = arith.constant 0 : i32
    return %c0_i32, %c0_i32_0 : i32, i32
  }
  func.func @transform_3(%arg0: i32) -> (i32, i32) {
    %c0_i32 = arith.constant 0 : i32
    %c0_i32_0 = arith.constant 0 : i32
    return %arg0, %c0_i32 : i32, i32
  }
}

module attributes {stable_mosaic.version = 14 : i64} {
  func.func @_g1_body(%arg0: i32, %arg1: memref<1024x3xf32, #tpu.memory_space<vmem>>, %arg2: memref<3x32xf32, #tpu.memory_space<vmem>>, %arg3: memref<1x32xf32, #tpu.memory_space<vmem>>, %arg4: memref<32x32xf32, #tpu.memory_space<vmem>>, %arg5: memref<1x32xf32, #tpu.memory_space<vmem>>, %arg6: memref<32x64xf32, #tpu.memory_space<vmem>>, %arg7: memref<1x64xf32, #tpu.memory_space<vmem>>, %arg8: memref<64x64xf32, #tpu.memory_space<vmem>>) attributes {dimension_semantics = [#tpu.dimension_semantics<arbitrary>], iteration_bounds = array<i64: 64>, scalar_prefetch = 0 : i64, scratch_operands = 0 : i64, tpu.core_type = #tpu.core_type<tc>, window_params = [{transform_indices = @transform_0, window_bounds = array<i64: 1024, 3>}, {pipeline_mode = #tpu.pipeline_mode<synchronous>, transform_indices = @transform_1, window_bounds = array<i64: 3, 32>}, {pipeline_mode = #tpu.pipeline_mode<synchronous>, transform_indices = @transform_2, window_bounds = array<i64: 1, 32>}, {pipeline_mode = #tpu.pipeline_mode<synchronous>, transform_indices = @transform_3, window_bounds = array<i64: 32, 32>}, {pipeline_mode = #tpu.pipeline_mode<synchronous>, transform_indices = @transform_4, window_bounds = array<i64: 1, 32>}, {pipeline_mode = #tpu.pipeline_mode<synchronous>, transform_indices = @transform_5, window_bounds = array<i64: 32, 64>}, {pipeline_mode = #tpu.pipeline_mode<synchronous>, transform_indices = @transform_6, window_bounds = array<i64: 1, 64>}, {transform_indices = @transform_7, window_bounds = array<i64: 64, 64>}]} {
    %get3A = arith.constant 0 : index
    %get3A_0 = arith.constant 0 : index
    %get3A_1 = vector.load %arg1[%get3A, %get3A_0] : memref<1024x3xf32, #tpu.memory_space<vmem>>, vector<1024x3xf32>
    %get3A_2 = arith.constant 0 : index
    %get3A_3 = arith.constant 0 : index
    %get3A_4 = vector.load %arg2[%get3A_2, %get3A_3] : memref<3x32xf32, #tpu.memory_space<vmem>>, vector<3x32xf32>
    %dot_general3A = arith.constant dense<0.000000e+00> : vector<1024x32xf32>
    %dot_general3A_5 = tpu.matmul %get3A_1, %get3A_4, %dot_general3A {dimension_numbers = #tpu.dot_dimension_numbers<[1], [0], [0], [1], [0, 0, 1, 1], [], []>, transpose_lhs_hint = false} : vector<1024x3xf32>, vector<3x32xf32>, vector<1024x32xf32> -> vector<1024x32xf32>
    %get3A_6 = arith.constant 0 : index
    %get3A_7 = arith.constant 0 : index
    %get3A_8 = vector.load %arg3[%get3A_6, %get3A_7] : memref<1x32xf32, #tpu.memory_space<vmem>>, vector<1x32xf32>
    %add3A = vector.broadcast %get3A_8 : vector<1x32xf32> to vector<1024x32xf32>
    %add3A_9 = arith.addf %dot_general3A_5, %add3A : vector<1024x32xf32>
    %max3A = arith.constant 0.000000e+00 : f32
    %max3A_10 = vector.broadcast %max3A : f32 to vector<1024x32xf32>
    %max3A_11 = arith.maximumf %add3A_9, %max3A_10 : vector<1024x32xf32>
    %get3A_12 = arith.constant 0 : index
    %get3A_13 = arith.constant 0 : index
    %get3A_14 = vector.load %arg4[%get3A_12, %get3A_13] : memref<32x32xf32, #tpu.memory_space<vmem>>, vector<32x32xf32>
    %dot_general3A_15 = arith.constant dense<0.000000e+00> : vector<1024x32xf32>
    %dot_general3A_16 = tpu.matmul %max3A_11, %get3A_14, %dot_general3A_15 {dimension_numbers = #tpu.dot_dimension_numbers<[1], [0], [0], [1], [0, 0, 1, 1], [], []>, transpose_lhs_hint = false} : vector<1024x32xf32>, vector<32x32xf32>, vector<1024x32xf32> -> vector<1024x32xf32>
    %get3A_17 = arith.constant 0 : index
    %get3A_18 = arith.constant 0 : index
    %get3A_19 = vector.load %arg5[%get3A_17, %get3A_18] : memref<1x32xf32, #tpu.memory_space<vmem>>, vector<1x32xf32>
    %add3A_20 = vector.broadcast %get3A_19 : vector<1x32xf32> to vector<1024x32xf32>
    %add3A_21 = arith.addf %dot_general3A_16, %add3A_20 : vector<1024x32xf32>
    %max3A_22 = arith.constant 0.000000e+00 : f32
    %max3A_23 = vector.broadcast %max3A_22 : f32 to vector<1024x32xf32>
    %max3A_24 = arith.maximumf %add3A_21, %max3A_23 : vector<1024x32xf32>
    %get3A_25 = arith.constant 0 : index
    %get3A_26 = arith.constant 0 : index
    %get3A_27 = vector.load %arg6[%get3A_25, %get3A_26] : memref<32x64xf32, #tpu.memory_space<vmem>>, vector<32x64xf32>
    %dot_general3A_28 = arith.constant dense<0.000000e+00> : vector<1024x64xf32>
    %dot_general3A_29 = tpu.matmul %max3A_24, %get3A_27, %dot_general3A_28 {dimension_numbers = #tpu.dot_dimension_numbers<[1], [0], [0], [1], [0, 0, 1, 1], [], []>, transpose_lhs_hint = false} : vector<1024x32xf32>, vector<32x64xf32>, vector<1024x64xf32> -> vector<1024x64xf32>
    %get3A_30 = arith.constant 0 : index
    %get3A_31 = arith.constant 0 : index
    %get3A_32 = vector.load %arg7[%get3A_30, %get3A_31] : memref<1x64xf32, #tpu.memory_space<vmem>>, vector<1x64xf32>
    %add3A_33 = vector.broadcast %get3A_32 : vector<1x64xf32> to vector<1024x64xf32>
    %add3A_34 = arith.addf %dot_general3A_29, %add3A_33 : vector<1024x64xf32>
    %max3A_35 = arith.constant 0.000000e+00 : f32
    %max3A_36 = vector.broadcast %max3A_35 : f32 to vector<1024x64xf32>
    %max3A_37 = arith.maximumf %add3A_34, %max3A_36 : vector<1024x64xf32>
    %slice3A = vector.extract_strided_slice %max3A_37 {offsets = [0, 0], sizes = [16, 64], strides = [1, 1]} : vector<1024x64xf32> to vector<16x64xf32>
    %reduce_max3A = arith.constant dense<0xFF800000> : vector<64xf32>
    %reduce_max3A_38 = vector.multi_reduction <maximumf>, %slice3A, %reduce_max3A [0] : vector<16x64xf32> to vector<64xf32>
    %broadcast_in_dim3A = vector.shape_cast %reduce_max3A_38 : vector<64xf32> to vector<1x64xf32>
    %swap3A = arith.constant 0 : index
    %swap3A_39 = arith.constant 0 : index
    %swap3A_40 = vector.load %arg8[%swap3A, %swap3A_39] : memref<64x64xf32, #tpu.memory_space<vmem>>, vector<1x64xf32>
    tpu.vector_store %arg8[%swap3A, %swap3A_39], %broadcast_in_dim3A {strides = array<i32>} : memref<64x64xf32, #tpu.memory_space<vmem>>, vector<1x64xf32>,
    %slice3A_41 = vector.extract_strided_slice %max3A_37 {offsets = [16, 0], sizes = [16, 64], strides = [1, 1]} : vector<1024x64xf32> to vector<16x64xf32>
    %reduce_max3A_42 = arith.constant dense<0xFF800000> : vector<64xf32>
    %reduce_max3A_43 = vector.multi_reduction <maximumf>, %slice3A_41, %reduce_max3A_42 [0] : vector<16x64xf32> to vector<64xf32>
    %broadcast_in_dim3A_44 = vector.shape_cast %reduce_max3A_43 : vector<64xf32> to vector<1x64xf32>
    %swap3A_45 = arith.constant 1 : index
    %swap3A_46 = arith.constant 0 : index
    %swap3A_47 = vector.load %arg8[%swap3A_45, %swap3A_46] : memref<64x64xf32, #tpu.memory_space<vmem>>, vector<1x64xf32>
    tpu.vector_store %arg8[%swap3A_45, %swap3A_46], %broadcast_in_dim3A_44 {strides = array<i32>} : memref<64x64xf32, #tpu.memory_space<vmem>>, vector<1x64xf32>,
    %slice3A_48 = vector.extract_strided_slice %max3A_37 {offsets = [32, 0], sizes = [16, 64], strides = [1, 1]} : vector<1024x64xf32> to vector<16x64xf32>
    %reduce_max3A_49 = arith.constant dense<0xFF800000> : vector<64xf32>
    %reduce_max3A_50 = vector.multi_reduction <maximumf>, %slice3A_48, %reduce_max3A_49 [0] : vector<16x64xf32> to vector<64xf32>
    %broadcast_in_dim3A_51 = vector.shape_cast %reduce_max3A_50 : vector<64xf32> to vector<1x64xf32>
    %swap3A_52 = arith.constant 2 : index
    %swap3A_53 = arith.constant 0 : index
    %swap3A_54 = vector.load %arg8[%swap3A_52, %swap3A_53] : memref<64x64xf32, #tpu.memory_space<vmem>>, vector<1x64xf32>
    tpu.vector_store %arg8[%swap3A_52, %swap3A_53], %broadcast_in_dim3A_51 {strides = array<i32>} : memref<64x64xf32, #tpu.memory_space<vmem>>, vector<1x64xf32>,
    %slice3A_55 = vector.extract_strided_slice %max3A_37 {offsets = [48, 0], sizes = [16, 64], strides = [1, 1]} : vector<1024x64xf32> to vector<16x64xf32>
    %reduce_max3A_56 = arith.constant dense<0xFF800000> : vector<64xf32>
    %reduce_max3A_57 = vector.multi_reduction <maximumf>, %slice3A_55, %reduce_max3A_56 [0] : vector<16x64xf32> to vector<64xf32>
    %broadcast_in_dim3A_58 = vector.shape_cast %reduce_max3A_57 : vector<64xf32> to vector<1x64xf32>
    %swap3A_59 = arith.constant 3 : index
    %swap3A_60 = arith.constant 0 : index
    %swap3A_61 = vector.load %arg8[%swap3A_59, %swap3A_60] : memref<64x64xf32, #tpu.memory_space<vmem>>, vector<1x64xf32>
    tpu.vector_store %arg8[%swap3A_59, %swap3A_60], %broadcast_in_dim3A_58 {strides = array<i32>} : memref<64x64xf32, #tpu.memory_space<vmem>>, vector<1x64xf32>,
    %slice3A_62 = vector.extract_strided_slice %max3A_37 {offsets = [64, 0], sizes = [16, 64], strides = [1, 1]} : vector<1024x64xf32> to vector<16x64xf32>
    %reduce_max3A_63 = arith.constant dense<0xFF800000> : vector<64xf32>
    %reduce_max3A_64 = vector.multi_reduction <maximumf>, %slice3A_62, %reduce_max3A_63 [0] : vector<16x64xf32> to vector<64xf32>
    %broadcast_in_dim3A_65 = vector.shape_cast %reduce_max3A_64 : vector<64xf32> to vector<1x64xf32>
    %swap3A_66 = arith.constant 4 : index
    %swap3A_67 = arith.constant 0 : index
    %swap3A_68 = vector.load %arg8[%swap3A_66, %swap3A_67] : memref<64x64xf32, #tpu.memory_space<vmem>>, vector<1x64xf32>
    tpu.vector_store %arg8[%swap3A_66, %swap3A_67], %broadcast_in_dim3A_65 {strides = array<i32>} : memref<64x64xf32, #tpu.memory_space<vmem>>, vector<1x64xf32>,
    %slice3A_69 = vector.extract_strided_slice %max3A_37 {offsets = [80, 0], sizes = [16, 64], strides = [1, 1]} : vector<1024x64xf32> to vector<16x64xf32>
    %reduce_max3A_70 = arith.constant dense<0xFF800000> : vector<64xf32>
    %reduce_max3A_71 = vector.multi_reduction <maximumf>, %slice3A_69, %reduce_max3A_70 [0] : vector<16x64xf32> to vector<64xf32>
    %broadcast_in_dim3A_72 = vector.shape_cast %reduce_max3A_71 : vector<64xf32> to vector<1x64xf32>
    %swap3A_73 = arith.constant 5 : index
    %swap3A_74 = arith.constant 0 : index
    %swap3A_75 = vector.load %arg8[%swap3A_73, %swap3A_74] : memref<64x64xf32, #tpu.memory_space<vmem>>, vector<1x64xf32>
    tpu.vector_store %arg8[%swap3A_73, %swap3A_74], %broadcast_in_dim3A_72 {strides = array<i32>} : memref<64x64xf32, #tpu.memory_space<vmem>>, vector<1x64xf32>,
    %slice3A_76 = vector.extract_strided_slice %max3A_37 {offsets = [96, 0], sizes = [16, 64], strides = [1, 1]} : vector<1024x64xf32> to vector<16x64xf32>
    %reduce_max3A_77 = arith.constant dense<0xFF800000> : vector<64xf32>
    %reduce_max3A_78 = vector.multi_reduction <maximumf>, %slice3A_76, %reduce_max3A_77 [0] : vector<16x64xf32> to vector<64xf32>
    %broadcast_in_dim3A_79 = vector.shape_cast %reduce_max3A_78 : vector<64xf32> to vector<1x64xf32>
    %swap3A_80 = arith.constant 6 : index
    %swap3A_81 = arith.constant 0 : index
    %swap3A_82 = vector.load %arg8[%swap3A_80, %swap3A_81] : memref<64x64xf32, #tpu.memory_space<vmem>>, vector<1x64xf32>
    tpu.vector_store %arg8[%swap3A_80, %swap3A_81], %broadcast_in_dim3A_79 {strides = array<i32>} : memref<64x64xf32, #tpu.memory_space<vmem>>, vector<1x64xf32>,
    %slice3A_83 = vector.extract_strided_slice %max3A_37 {offsets = [112, 0], sizes = [16, 64], strides = [1, 1]} : vector<1024x64xf32> to vector<16x64xf32>
    %reduce_max3A_84 = arith.constant dense<0xFF800000> : vector<64xf32>
    %reduce_max3A_85 = vector.multi_reduction <maximumf>, %slice3A_83, %reduce_max3A_84 [0] : vector<16x64xf32> to vector<64xf32>
    %broadcast_in_dim3A_86 = vector.shape_cast %reduce_max3A_85 : vector<64xf32> to vector<1x64xf32>
    %swap3A_87 = arith.constant 7 : index
    %swap3A_88 = arith.constant 0 : index
    %swap3A_89 = vector.load %arg8[%swap3A_87, %swap3A_88] : memref<64x64xf32, #tpu.memory_space<vmem>>, vector<1x64xf32>
    tpu.vector_store %arg8[%swap3A_87, %swap3A_88], %broadcast_in_dim3A_86 {strides = array<i32>} : memref<64x64xf32, #tpu.memory_space<vmem>>, vector<1x64xf32>,
    %slice3A_90 = vector.extract_strided_slice %max3A_37 {offsets = [128, 0], sizes = [16, 64], strides = [1, 1]} : vector<1024x64xf32> to vector<16x64xf32>
    %reduce_max3A_91 = arith.constant dense<0xFF800000> : vector<64xf32>
    %reduce_max3A_92 = vector.multi_reduction <maximumf>, %slice3A_90, %reduce_max3A_91 [0] : vector<16x64xf32> to vector<64xf32>
    %broadcast_in_dim3A_93 = vector.shape_cast %reduce_max3A_92 : vector<64xf32> to vector<1x64xf32>
    %swap3A_94 = arith.constant 8 : index
    %swap3A_95 = arith.constant 0 : index
    %swap3A_96 = vector.load %arg8[%swap3A_94, %swap3A_95] : memref<64x64xf32, #tpu.memory_space<vmem>>, vector<1x64xf32>
    tpu.vector_store %arg8[%swap3A_94, %swap3A_95], %broadcast_in_dim3A_93 {strides = array<i32>} : memref<64x64xf32, #tpu.memory_space<vmem>>, vector<1x64xf32>,
    %slice3A_97 = vector.extract_strided_slice %max3A_37 {offsets = [144, 0], sizes = [16, 64], strides = [1, 1]} : vector<1024x64xf32> to vector<16x64xf32>
    %reduce_max3A_98 = arith.constant dense<0xFF800000> : vector<64xf32>
    %reduce_max3A_99 = vector.multi_reduction <maximumf>, %slice3A_97, %reduce_max3A_98 [0] : vector<16x64xf32> to vector<64xf32>
    %broadcast_in_dim3A_100 = vector.shape_cast %reduce_max3A_99 : vector<64xf32> to vector<1x64xf32>
    %swap3A_101 = arith.constant 9 : index
    %swap3A_102 = arith.constant 0 : index
    %swap3A_103 = vector.load %arg8[%swap3A_101, %swap3A_102] : memref<64x64xf32, #tpu.memory_space<vmem>>, vector<1x64xf32>
    tpu.vector_store %arg8[%swap3A_101, %swap3A_102], %broadcast_in_dim3A_100 {strides = array<i32>} : memref<64x64xf32, #tpu.memory_space<vmem>>, vector<1x64xf32>,
    %slice3A_104 = vector.extract_strided_slice %max3A_37 {offsets = [160, 0], sizes = [16, 64], strides = [1, 1]} : vector<1024x64xf32> to vector<16x64xf32>
    %reduce_max3A_105 = arith.constant dense<0xFF800000> : vector<64xf32>
    %reduce_max3A_106 = vector.multi_reduction <maximumf>, %slice3A_104, %reduce_max3A_105 [0] : vector<16x64xf32> to vector<64xf32>
    %broadcast_in_dim3A_107 = vector.shape_cast %reduce_max3A_106 : vector<64xf32> to vector<1x64xf32>
    %swap3A_108 = arith.constant 10 : index
    %swap3A_109 = arith.constant 0 : index
    %swap3A_110 = vector.load %arg8[%swap3A_108, %swap3A_109] : memref<64x64xf32, #tpu.memory_space<vmem>>, vector<1x64xf32>
    tpu.vector_store %arg8[%swap3A_108, %swap3A_109], %broadcast_in_dim3A_107 {strides = array<i32>} : memref<64x64xf32, #tpu.memory_space<vmem>>, vector<1x64xf32>,
    %slice3A_111 = vector.extract_strided_slice %max3A_37 {offsets = [176, 0], sizes = [16, 64], strides = [1, 1]} : vector<1024x64xf32> to vector<16x64xf32>
    %reduce_max3A_112 = arith.constant dense<0xFF800000> : vector<64xf32>
    %reduce_max3A_113 = vector.multi_reduction <maximumf>, %slice3A_111, %reduce_max3A_112 [0] : vector<16x64xf32> to vector<64xf32>
    %broadcast_in_dim3A_114 = vector.shape_cast %reduce_max3A_113 : vector<64xf32> to vector<1x64xf32>
    %swap3A_115 = arith.constant 11 : index
    %swap3A_116 = arith.constant 0 : index
    %swap3A_117 = vector.load %arg8[%swap3A_115, %swap3A_116] : memref<64x64xf32, #tpu.memory_space<vmem>>, vector<1x64xf32>
    tpu.vector_store %arg8[%swap3A_115, %swap3A_116], %broadcast_in_dim3A_114 {strides = array<i32>} : memref<64x64xf32, #tpu.memory_space<vmem>>, vector<1x64xf32>,
    %slice3A_118 = vector.extract_strided_slice %max3A_37 {offsets = [192, 0], sizes = [16, 64], strides = [1, 1]} : vector<1024x64xf32> to vector<16x64xf32>
    %reduce_max3A_119 = arith.constant dense<0xFF800000> : vector<64xf32>
    %reduce_max3A_120 = vector.multi_reduction <maximumf>, %slice3A_118, %reduce_max3A_119 [0] : vector<16x64xf32> to vector<64xf32>
    %broadcast_in_dim3A_121 = vector.shape_cast %reduce_max3A_120 : vector<64xf32> to vector<1x64xf32>
    %swap3A_122 = arith.constant 12 : index
    %swap3A_123 = arith.constant 0 : index
    %swap3A_124 = vector.load %arg8[%swap3A_122, %swap3A_123] : memref<64x64xf32, #tpu.memory_space<vmem>>, vector<1x64xf32>
    tpu.vector_store %arg8[%swap3A_122, %swap3A_123], %broadcast_in_dim3A_121 {strides = array<i32>} : memref<64x64xf32, #tpu.memory_space<vmem>>, vector<1x64xf32>,
    %slice3A_125 = vector.extract_strided_slice %max3A_37 {offsets = [208, 0], sizes = [16, 64], strides = [1, 1]} : vector<1024x64xf32> to vector<16x64xf32>
    %reduce_max3A_126 = arith.constant dense<0xFF800000> : vector<64xf32>
    %reduce_max3A_127 = vector.multi_reduction <maximumf>, %slice3A_125, %reduce_max3A_126 [0] : vector<16x64xf32> to vector<64xf32>
    %broadcast_in_dim3A_128 = vector.shape_cast %reduce_max3A_127 : vector<64xf32> to vector<1x64xf32>
    %swap3A_129 = arith.constant 13 : index
    %swap3A_130 = arith.constant 0 : index
    %swap3A_131 = vector.load %arg8[%swap3A_129, %swap3A_130] : memref<64x64xf32, #tpu.memory_space<vmem>>, vector<1x64xf32>
    tpu.vector_store %arg8[%swap3A_129, %swap3A_130], %broadcast_in_dim3A_128 {strides = array<i32>} : memref<64x64xf32, #tpu.memory_space<vmem>>, vector<1x64xf32>,
    %slice3A_132 = vector.extract_strided_slice %max3A_37 {offsets = [224, 0], sizes = [16, 64], strides = [1, 1]} : vector<1024x64xf32> to vector<16x64xf32>
    %reduce_max3A_133 = arith.constant dense<0xFF800000> : vector<64xf32>
    %reduce_max3A_134 = vector.multi_reduction <maximumf>, %slice3A_132, %reduce_max3A_133 [0] : vector<16x64xf32> to vector<64xf32>
    %broadcast_in_dim3A_135 = vector.shape_cast %reduce_max3A_134 : vector<64xf32> to vector<1x64xf32>
    %swap3A_136 = arith.constant 14 : index
    %swap3A_137 = arith.constant 0 : index
    %swap3A_138 = vector.load %arg8[%swap3A_136, %swap3A_137] : memref<64x64xf32, #tpu.memory_space<vmem>>, vector<1x64xf32>
    tpu.vector_store %arg8[%swap3A_136, %swap3A_137], %broadcast_in_dim3A_135 {strides = array<i32>} : memref<64x64xf32, #tpu.memory_space<vmem>>, vector<1x64xf32>,
    %slice3A_139 = vector.extract_strided_slice %max3A_37 {offsets = [240, 0], sizes = [16, 64], strides = [1, 1]} : vector<1024x64xf32> to vector<16x64xf32>
    %reduce_max3A_140 = arith.constant dense<0xFF800000> : vector<64xf32>
    %reduce_max3A_141 = vector.multi_reduction <maximumf>, %slice3A_139, %reduce_max3A_140 [0] : vector<16x64xf32> to vector<64xf32>
    %broadcast_in_dim3A_142 = vector.shape_cast %reduce_max3A_141 : vector<64xf32> to vector<1x64xf32>
    %swap3A_143 = arith.constant 15 : index
    %swap3A_144 = arith.constant 0 : index
    %swap3A_145 = vector.load %arg8[%swap3A_143, %swap3A_144] : memref<64x64xf32, #tpu.memory_space<vmem>>, vector<1x64xf32>
    tpu.vector_store %arg8[%swap3A_143, %swap3A_144], %broadcast_in_dim3A_142 {strides = array<i32>} : memref<64x64xf32, #tpu.memory_space<vmem>>, vector<1x64xf32>,
    %slice3A_146 = vector.extract_strided_slice %max3A_37 {offsets = [256, 0], sizes = [16, 64], strides = [1, 1]} : vector<1024x64xf32> to vector<16x64xf32>
    %reduce_max3A_147 = arith.constant dense<0xFF800000> : vector<64xf32>
    %reduce_max3A_148 = vector.multi_reduction <maximumf>, %slice3A_146, %reduce_max3A_147 [0] : vector<16x64xf32> to vector<64xf32>
    %broadcast_in_dim3A_149 = vector.shape_cast %reduce_max3A_148 : vector<64xf32> to vector<1x64xf32>
    %swap3A_150 = arith.constant 16 : index
    %swap3A_151 = arith.constant 0 : index
    %swap3A_152 = vector.load %arg8[%swap3A_150, %swap3A_151] : memref<64x64xf32, #tpu.memory_space<vmem>>, vector<1x64xf32>
    tpu.vector_store %arg8[%swap3A_150, %swap3A_151], %broadcast_in_dim3A_149 {strides = array<i32>} : memref<64x64xf32, #tpu.memory_space<vmem>>, vector<1x64xf32>,
    %slice3A_153 = vector.extract_strided_slice %max3A_37 {offsets = [272, 0], sizes = [16, 64], strides = [1, 1]} : vector<1024x64xf32> to vector<16x64xf32>
    %reduce_max3A_154 = arith.constant dense<0xFF800000> : vector<64xf32>
    %reduce_max3A_155 = vector.multi_reduction <maximumf>, %slice3A_153, %reduce_max3A_154 [0] : vector<16x64xf32> to vector<64xf32>
    %broadcast_in_dim3A_156 = vector.shape_cast %reduce_max3A_155 : vector<64xf32> to vector<1x64xf32>
    %swap3A_157 = arith.constant 17 : index
    %swap3A_158 = arith.constant 0 : index
    %swap3A_159 = vector.load %arg8[%swap3A_157, %swap3A_158] : memref<64x64xf32, #tpu.memory_space<vmem>>, vector<1x64xf32>
    tpu.vector_store %arg8[%swap3A_157, %swap3A_158], %broadcast_in_dim3A_156 {strides = array<i32>} : memref<64x64xf32, #tpu.memory_space<vmem>>, vector<1x64xf32>,
    %slice3A_160 = vector.extract_strided_slice %max3A_37 {offsets = [288, 0], sizes = [16, 64], strides = [1, 1]} : vector<1024x64xf32> to vector<16x64xf32>
    %reduce_max3A_161 = arith.constant dense<0xFF800000> : vector<64xf32>
    %reduce_max3A_162 = vector.multi_reduction <maximumf>, %slice3A_160, %reduce_max3A_161 [0] : vector<16x64xf32> to vector<64xf32>
    %broadcast_in_dim3A_163 = vector.shape_cast %reduce_max3A_162 : vector<64xf32> to vector<1x64xf32>
    %swap3A_164 = arith.constant 18 : index
    %swap3A_165 = arith.constant 0 : index
    %swap3A_166 = vector.load %arg8[%swap3A_164, %swap3A_165] : memref<64x64xf32, #tpu.memory_space<vmem>>, vector<1x64xf32>
    tpu.vector_store %arg8[%swap3A_164, %swap3A_165], %broadcast_in_dim3A_163 {strides = array<i32>} : memref<64x64xf32, #tpu.memory_space<vmem>>, vector<1x64xf32>,
    %slice3A_167 = vector.extract_strided_slice %max3A_37 {offsets = [304, 0], sizes = [16, 64], strides = [1, 1]} : vector<1024x64xf32> to vector<16x64xf32>
    %reduce_max3A_168 = arith.constant dense<0xFF800000> : vector<64xf32>
    %reduce_max3A_169 = vector.multi_reduction <maximumf>, %slice3A_167, %reduce_max3A_168 [0] : vector<16x64xf32> to vector<64xf32>
    %broadcast_in_dim3A_170 = vector.shape_cast %reduce_max3A_169 : vector<64xf32> to vector<1x64xf32>
    %swap3A_171 = arith.constant 19 : index
    %swap3A_172 = arith.constant 0 : index
    %swap3A_173 = vector.load %arg8[%swap3A_171, %swap3A_172] : memref<64x64xf32, #tpu.memory_space<vmem>>, vector<1x64xf32>
    tpu.vector_store %arg8[%swap3A_171, %swap3A_172], %broadcast_in_dim3A_170 {strides = array<i32>} : memref<64x64xf32, #tpu.memory_space<vmem>>, vector<1x64xf32>,
    %slice3A_174 = vector.extract_strided_slice %max3A_37 {offsets = [320, 0], sizes = [16, 64], strides = [1, 1]} : vector<1024x64xf32> to vector<16x64xf32>
    %reduce_max3A_175 = arith.constant dense<0xFF800000> : vector<64xf32>
    %reduce_max3A_176 = vector.multi_reduction <maximumf>, %slice3A_174, %reduce_max3A_175 [0] : vector<16x64xf32> to vector<64xf32>
    %broadcast_in_dim3A_177 = vector.shape_cast %reduce_max3A_176 : vector<64xf32> to vector<1x64xf32>
    %swap3A_178 = arith.constant 20 : index
    %swap3A_179 = arith.constant 0 : index
    %swap3A_180 = vector.load %arg8[%swap3A_178, %swap3A_179] : memref<64x64xf32, #tpu.memory_space<vmem>>, vector<1x64xf32>
    tpu.vector_store %arg8[%swap3A_178, %swap3A_179], %broadcast_in_dim3A_177 {strides = array<i32>} : memref<64x64xf32, #tpu.memory_space<vmem>>, vector<1x64xf32>,
    %slice3A_181 = vector.extract_strided_slice %max3A_37 {offsets = [336, 0], sizes = [16, 64], strides = [1, 1]} : vector<1024x64xf32> to vector<16x64xf32>
    %reduce_max3A_182 = arith.constant dense<0xFF800000> : vector<64xf32>
    %reduce_max3A_183 = vector.multi_reduction <maximumf>, %slice3A_181, %reduce_max3A_182 [0] : vector<16x64xf32> to vector<64xf32>
    %broadcast_in_dim3A_184 = vector.shape_cast %reduce_max3A_183 : vector<64xf32> to vector<1x64xf32>
    %swap3A_185 = arith.constant 21 : index
    %swap3A_186 = arith.constant 0 : index
    %swap3A_187 = vector.load %arg8[%swap3A_185, %swap3A_186] : memref<64x64xf32, #tpu.memory_space<vmem>>, vector<1x64xf32>
    tpu.vector_store %arg8[%swap3A_185, %swap3A_186], %broadcast_in_dim3A_184 {strides = array<i32>} : memref<64x64xf32, #tpu.memory_space<vmem>>, vector<1x64xf32>,
    %slice3A_188 = vector.extract_strided_slice %max3A_37 {offsets = [352, 0], sizes = [16, 64], strides = [1, 1]} : vector<1024x64xf32> to vector<16x64xf32>
    %reduce_max3A_189 = arith.constant dense<0xFF800000> : vector<64xf32>
    %reduce_max3A_190 = vector.multi_reduction <maximumf>, %slice3A_188, %reduce_max3A_189 [0] : vector<16x64xf32> to vector<64xf32>
    %broadcast_in_dim3A_191 = vector.shape_cast %reduce_max3A_190 : vector<64xf32> to vector<1x64xf32>
    %swap3A_192 = arith.constant 22 : index
    %swap3A_193 = arith.constant 0 : index
    %swap3A_194 = vector.load %arg8[%swap3A_192, %swap3A_193] : memref<64x64xf32, #tpu.memory_space<vmem>>, vector<1x64xf32>
    tpu.vector_store %arg8[%swap3A_192, %swap3A_193], %broadcast_in_dim3A_191 {strides = array<i32>} : memref<64x64xf32, #tpu.memory_space<vmem>>, vector<1x64xf32>,
    %slice3A_195 = vector.extract_strided_slice %max3A_37 {offsets = [368, 0], sizes = [16, 64], strides = [1, 1]} : vector<1024x64xf32> to vector<16x64xf32>
    %reduce_max3A_196 = arith.constant dense<0xFF800000> : vector<64xf32>
    %reduce_max3A_197 = vector.multi_reduction <maximumf>, %slice3A_195, %reduce_max3A_196 [0] : vector<16x64xf32> to vector<64xf32>
    %broadcast_in_dim3A_198 = vector.shape_cast %reduce_max3A_197 : vector<64xf32> to vector<1x64xf32>
    %swap3A_199 = arith.constant 23 : index
    %swap3A_200 = arith.constant 0 : index
    %swap3A_201 = vector.load %arg8[%swap3A_199, %swap3A_200] : memref<64x64xf32, #tpu.memory_space<vmem>>, vector<1x64xf32>
    tpu.vector_store %arg8[%swap3A_199, %swap3A_200], %broadcast_in_dim3A_198 {strides = array<i32>} : memref<64x64xf32, #tpu.memory_space<vmem>>, vector<1x64xf32>,
    %slice3A_202 = vector.extract_strided_slice %max3A_37 {offsets = [384, 0], sizes = [16, 64], strides = [1, 1]} : vector<1024x64xf32> to vector<16x64xf32>
    %reduce_max3A_203 = arith.constant dense<0xFF800000> : vector<64xf32>
    %reduce_max3A_204 = vector.multi_reduction <maximumf>, %slice3A_202, %reduce_max3A_203 [0] : vector<16x64xf32> to vector<64xf32>
    %broadcast_in_dim3A_205 = vector.shape_cast %reduce_max3A_204 : vector<64xf32> to vector<1x64xf32>
    %swap3A_206 = arith.constant 24 : index
    %swap3A_207 = arith.constant 0 : index
    %swap3A_208 = vector.load %arg8[%swap3A_206, %swap3A_207] : memref<64x64xf32, #tpu.memory_space<vmem>>, vector<1x64xf32>
    tpu.vector_store %arg8[%swap3A_206, %swap3A_207], %broadcast_in_dim3A_205 {strides = array<i32>} : memref<64x64xf32, #tpu.memory_space<vmem>>, vector<1x64xf32>,
    %slice3A_209 = vector.extract_strided_slice %max3A_37 {offsets = [400, 0], sizes = [16, 64], strides = [1, 1]} : vector<1024x64xf32> to vector<16x64xf32>
    %reduce_max3A_210 = arith.constant dense<0xFF800000> : vector<64xf32>
    %reduce_max3A_211 = vector.multi_reduction <maximumf>, %slice3A_209, %reduce_max3A_210 [0] : vector<16x64xf32> to vector<64xf32>
    %broadcast_in_dim3A_212 = vector.shape_cast %reduce_max3A_211 : vector<64xf32> to vector<1x64xf32>
    %swap3A_213 = arith.constant 25 : index
    %swap3A_214 = arith.constant 0 : index
    %swap3A_215 = vector.load %arg8[%swap3A_213, %swap3A_214] : memref<64x64xf32, #tpu.memory_space<vmem>>, vector<1x64xf32>
    tpu.vector_store %arg8[%swap3A_213, %swap3A_214], %broadcast_in_dim3A_212 {strides = array<i32>} : memref<64x64xf32, #tpu.memory_space<vmem>>, vector<1x64xf32>,
    %slice3A_216 = vector.extract_strided_slice %max3A_37 {offsets = [416, 0], sizes = [16, 64], strides = [1, 1]} : vector<1024x64xf32> to vector<16x64xf32>
    %reduce_max3A_217 = arith.constant dense<0xFF800000> : vector<64xf32>
    %reduce_max3A_218 = vector.multi_reduction <maximumf>, %slice3A_216, %reduce_max3A_217 [0] : vector<16x64xf32> to vector<64xf32>
    %broadcast_in_dim3A_219 = vector.shape_cast %reduce_max3A_218 : vector<64xf32> to vector<1x64xf32>
    %swap3A_220 = arith.constant 26 : index
    %swap3A_221 = arith.constant 0 : index
    %swap3A_222 = vector.load %arg8[%swap3A_220, %swap3A_221] : memref<64x64xf32, #tpu.memory_space<vmem>>, vector<1x64xf32>
    tpu.vector_store %arg8[%swap3A_220, %swap3A_221], %broadcast_in_dim3A_219 {strides = array<i32>} : memref<64x64xf32, #tpu.memory_space<vmem>>, vector<1x64xf32>,
    %slice3A_223 = vector.extract_strided_slice %max3A_37 {offsets = [432, 0], sizes = [16, 64], strides = [1, 1]} : vector<1024x64xf32> to vector<16x64xf32>
    %reduce_max3A_224 = arith.constant dense<0xFF800000> : vector<64xf32>
    %reduce_max3A_225 = vector.multi_reduction <maximumf>, %slice3A_223, %reduce_max3A_224 [0] : vector<16x64xf32> to vector<64xf32>
    %broadcast_in_dim3A_226 = vector.shape_cast %reduce_max3A_225 : vector<64xf32> to vector<1x64xf32>
    %swap3A_227 = arith.constant 27 : index
    %swap3A_228 = arith.constant 0 : index
    %swap3A_229 = vector.load %arg8[%swap3A_227, %swap3A_228] : memref<64x64xf32, #tpu.memory_space<vmem>>, vector<1x64xf32>
    tpu.vector_store %arg8[%swap3A_227, %swap3A_228], %broadcast_in_dim3A_226 {strides = array<i32>} : memref<64x64xf32, #tpu.memory_space<vmem>>, vector<1x64xf32>,
    %slice3A_230 = vector.extract_strided_slice %max3A_37 {offsets = [448, 0], sizes = [16, 64], strides = [1, 1]} : vector<1024x64xf32> to vector<16x64xf32>
    %reduce_max3A_231 = arith.constant dense<0xFF800000> : vector<64xf32>
    %reduce_max3A_232 = vector.multi_reduction <maximumf>, %slice3A_230, %reduce_max3A_231 [0] : vector<16x64xf32> to vector<64xf32>
    %broadcast_in_dim3A_233 = vector.shape_cast %reduce_max3A_232 : vector<64xf32> to vector<1x64xf32>
    %swap3A_234 = arith.constant 28 : index
    %swap3A_235 = arith.constant 0 : index
    %swap3A_236 = vector.load %arg8[%swap3A_234, %swap3A_235] : memref<64x64xf32, #tpu.memory_space<vmem>>, vector<1x64xf32>
    tpu.vector_store %arg8[%swap3A_234, %swap3A_235], %broadcast_in_dim3A_233 {strides = array<i32>} : memref<64x64xf32, #tpu.memory_space<vmem>>, vector<1x64xf32>,
    %slice3A_237 = vector.extract_strided_slice %max3A_37 {offsets = [464, 0], sizes = [16, 64], strides = [1, 1]} : vector<1024x64xf32> to vector<16x64xf32>
    %reduce_max3A_238 = arith.constant dense<0xFF800000> : vector<64xf32>
    %reduce_max3A_239 = vector.multi_reduction <maximumf>, %slice3A_237, %reduce_max3A_238 [0] : vector<16x64xf32> to vector<64xf32>
    %broadcast_in_dim3A_240 = vector.shape_cast %reduce_max3A_239 : vector<64xf32> to vector<1x64xf32>
    %swap3A_241 = arith.constant 29 : index
    %swap3A_242 = arith.constant 0 : index
    %swap3A_243 = vector.load %arg8[%swap3A_241, %swap3A_242] : memref<64x64xf32, #tpu.memory_space<vmem>>, vector<1x64xf32>
    tpu.vector_store %arg8[%swap3A_241, %swap3A_242], %broadcast_in_dim3A_240 {strides = array<i32>} : memref<64x64xf32, #tpu.memory_space<vmem>>, vector<1x64xf32>,
    %slice3A_244 = vector.extract_strided_slice %max3A_37 {offsets = [480, 0], sizes = [16, 64], strides = [1, 1]} : vector<1024x64xf32> to vector<16x64xf32>
    %reduce_max3A_245 = arith.constant dense<0xFF800000> : vector<64xf32>
    %reduce_max3A_246 = vector.multi_reduction <maximumf>, %slice3A_244, %reduce_max3A_245 [0] : vector<16x64xf32> to vector<64xf32>
    %broadcast_in_dim3A_247 = vector.shape_cast %reduce_max3A_246 : vector<64xf32> to vector<1x64xf32>
    %swap3A_248 = arith.constant 30 : index
    %swap3A_249 = arith.constant 0 : index
    %swap3A_250 = vector.load %arg8[%swap3A_248, %swap3A_249] : memref<64x64xf32, #tpu.memory_space<vmem>>, vector<1x64xf32>
    tpu.vector_store %arg8[%swap3A_248, %swap3A_249], %broadcast_in_dim3A_247 {strides = array<i32>} : memref<64x64xf32, #tpu.memory_space<vmem>>, vector<1x64xf32>,
    %slice3A_251 = vector.extract_strided_slice %max3A_37 {offsets = [496, 0], sizes = [16, 64], strides = [1, 1]} : vector<1024x64xf32> to vector<16x64xf32>
    %reduce_max3A_252 = arith.constant dense<0xFF800000> : vector<64xf32>
    %reduce_max3A_253 = vector.multi_reduction <maximumf>, %slice3A_251, %reduce_max3A_252 [0] : vector<16x64xf32> to vector<64xf32>
    %broadcast_in_dim3A_254 = vector.shape_cast %reduce_max3A_253 : vector<64xf32> to vector<1x64xf32>
    %swap3A_255 = arith.constant 31 : index
    %swap3A_256 = arith.constant 0 : index
    %swap3A_257 = vector.load %arg8[%swap3A_255, %swap3A_256] : memref<64x64xf32, #tpu.memory_space<vmem>>, vector<1x64xf32>
    tpu.vector_store %arg8[%swap3A_255, %swap3A_256], %broadcast_in_dim3A_254 {strides = array<i32>} : memref<64x64xf32, #tpu.memory_space<vmem>>, vector<1x64xf32>,
    %slice3A_258 = vector.extract_strided_slice %max3A_37 {offsets = [512, 0], sizes = [16, 64], strides = [1, 1]} : vector<1024x64xf32> to vector<16x64xf32>
    %reduce_max3A_259 = arith.constant dense<0xFF800000> : vector<64xf32>
    %reduce_max3A_260 = vector.multi_reduction <maximumf>, %slice3A_258, %reduce_max3A_259 [0] : vector<16x64xf32> to vector<64xf32>
    %broadcast_in_dim3A_261 = vector.shape_cast %reduce_max3A_260 : vector<64xf32> to vector<1x64xf32>
    %swap3A_262 = arith.constant 32 : index
    %swap3A_263 = arith.constant 0 : index
    %swap3A_264 = vector.load %arg8[%swap3A_262, %swap3A_263] : memref<64x64xf32, #tpu.memory_space<vmem>>, vector<1x64xf32>
    tpu.vector_store %arg8[%swap3A_262, %swap3A_263], %broadcast_in_dim3A_261 {strides = array<i32>} : memref<64x64xf32, #tpu.memory_space<vmem>>, vector<1x64xf32>,
    %slice3A_265 = vector.extract_strided_slice %max3A_37 {offsets = [528, 0], sizes = [16, 64], strides = [1, 1]} : vector<1024x64xf32> to vector<16x64xf32>
    %reduce_max3A_266 = arith.constant dense<0xFF800000> : vector<64xf32>
    %reduce_max3A_267 = vector.multi_reduction <maximumf>, %slice3A_265, %reduce_max3A_266 [0] : vector<16x64xf32> to vector<64xf32>
    %broadcast_in_dim3A_268 = vector.shape_cast %reduce_max3A_267 : vector<64xf32> to vector<1x64xf32>
    %swap3A_269 = arith.constant 33 : index
    %swap3A_270 = arith.constant 0 : index
    %swap3A_271 = vector.load %arg8[%swap3A_269, %swap3A_270] : memref<64x64xf32, #tpu.memory_space<vmem>>, vector<1x64xf32>
    tpu.vector_store %arg8[%swap3A_269, %swap3A_270], %broadcast_in_dim3A_268 {strides = array<i32>} : memref<64x64xf32, #tpu.memory_space<vmem>>, vector<1x64xf32>,
    %slice3A_272 = vector.extract_strided_slice %max3A_37 {offsets = [544, 0], sizes = [16, 64], strides = [1, 1]} : vector<1024x64xf32> to vector<16x64xf32>
    %reduce_max3A_273 = arith.constant dense<0xFF800000> : vector<64xf32>
    %reduce_max3A_274 = vector.multi_reduction <maximumf>, %slice3A_272, %reduce_max3A_273 [0] : vector<16x64xf32> to vector<64xf32>
    %broadcast_in_dim3A_275 = vector.shape_cast %reduce_max3A_274 : vector<64xf32> to vector<1x64xf32>
    %swap3A_276 = arith.constant 34 : index
    %swap3A_277 = arith.constant 0 : index
    %swap3A_278 = vector.load %arg8[%swap3A_276, %swap3A_277] : memref<64x64xf32, #tpu.memory_space<vmem>>, vector<1x64xf32>
    tpu.vector_store %arg8[%swap3A_276, %swap3A_277], %broadcast_in_dim3A_275 {strides = array<i32>} : memref<64x64xf32, #tpu.memory_space<vmem>>, vector<1x64xf32>,
    %slice3A_279 = vector.extract_strided_slice %max3A_37 {offsets = [560, 0], sizes = [16, 64], strides = [1, 1]} : vector<1024x64xf32> to vector<16x64xf32>
    %reduce_max3A_280 = arith.constant dense<0xFF800000> : vector<64xf32>
    %reduce_max3A_281 = vector.multi_reduction <maximumf>, %slice3A_279, %reduce_max3A_280 [0] : vector<16x64xf32> to vector<64xf32>
    %broadcast_in_dim3A_282 = vector.shape_cast %reduce_max3A_281 : vector<64xf32> to vector<1x64xf32>
    %swap3A_283 = arith.constant 35 : index
    %swap3A_284 = arith.constant 0 : index
    %swap3A_285 = vector.load %arg8[%swap3A_283, %swap3A_284] : memref<64x64xf32, #tpu.memory_space<vmem>>, vector<1x64xf32>
    tpu.vector_store %arg8[%swap3A_283, %swap3A_284], %broadcast_in_dim3A_282 {strides = array<i32>} : memref<64x64xf32, #tpu.memory_space<vmem>>, vector<1x64xf32>,
    %slice3A_286 = vector.extract_strided_slice %max3A_37 {offsets = [576, 0], sizes = [16, 64], strides = [1, 1]} : vector<1024x64xf32> to vector<16x64xf32>
    %reduce_max3A_287 = arith.constant dense<0xFF800000> : vector<64xf32>
    %reduce_max3A_288 = vector.multi_reduction <maximumf>, %slice3A_286, %reduce_max3A_287 [0] : vector<16x64xf32> to vector<64xf32>
    %broadcast_in_dim3A_289 = vector.shape_cast %reduce_max3A_288 : vector<64xf32> to vector<1x64xf32>
    %swap3A_290 = arith.constant 36 : index
    %swap3A_291 = arith.constant 0 : index
    %swap3A_292 = vector.load %arg8[%swap3A_290, %swap3A_291] : memref<64x64xf32, #tpu.memory_space<vmem>>, vector<1x64xf32>
    tpu.vector_store %arg8[%swap3A_290, %swap3A_291], %broadcast_in_dim3A_289 {strides = array<i32>} : memref<64x64xf32, #tpu.memory_space<vmem>>, vector<1x64xf32>,
    %slice3A_293 = vector.extract_strided_slice %max3A_37 {offsets = [592, 0], sizes = [16, 64], strides = [1, 1]} : vector<1024x64xf32> to vector<16x64xf32>
    %reduce_max3A_294 = arith.constant dense<0xFF800000> : vector<64xf32>
    %reduce_max3A_295 = vector.multi_reduction <maximumf>, %slice3A_293, %reduce_max3A_294 [0] : vector<16x64xf32> to vector<64xf32>
    %broadcast_in_dim3A_296 = vector.shape_cast %reduce_max3A_295 : vector<64xf32> to vector<1x64xf32>
    %swap3A_297 = arith.constant 37 : index
    %swap3A_298 = arith.constant 0 : index
    %swap3A_299 = vector.load %arg8[%swap3A_297, %swap3A_298] : memref<64x64xf32, #tpu.memory_space<vmem>>, vector<1x64xf32>
    tpu.vector_store %arg8[%swap3A_297, %swap3A_298], %broadcast_in_dim3A_296 {strides = array<i32>} : memref<64x64xf32, #tpu.memory_space<vmem>>, vector<1x64xf32>,
    %slice3A_300 = vector.extract_strided_slice %max3A_37 {offsets = [608, 0], sizes = [16, 64], strides = [1, 1]} : vector<1024x64xf32> to vector<16x64xf32>
    %reduce_max3A_301 = arith.constant dense<0xFF800000> : vector<64xf32>
    %reduce_max3A_302 = vector.multi_reduction <maximumf>, %slice3A_300, %reduce_max3A_301 [0] : vector<16x64xf32> to vector<64xf32>
    %broadcast_in_dim3A_303 = vector.shape_cast %reduce_max3A_302 : vector<64xf32> to vector<1x64xf32>
    %swap3A_304 = arith.constant 38 : index
    %swap3A_305 = arith.constant 0 : index
    %swap3A_306 = vector.load %arg8[%swap3A_304, %swap3A_305] : memref<64x64xf32, #tpu.memory_space<vmem>>, vector<1x64xf32>
    tpu.vector_store %arg8[%swap3A_304, %swap3A_305], %broadcast_in_dim3A_303 {strides = array<i32>} : memref<64x64xf32, #tpu.memory_space<vmem>>, vector<1x64xf32>,
    %slice3A_307 = vector.extract_strided_slice %max3A_37 {offsets = [624, 0], sizes = [16, 64], strides = [1, 1]} : vector<1024x64xf32> to vector<16x64xf32>
    %reduce_max3A_308 = arith.constant dense<0xFF800000> : vector<64xf32>
    %reduce_max3A_309 = vector.multi_reduction <maximumf>, %slice3A_307, %reduce_max3A_308 [0] : vector<16x64xf32> to vector<64xf32>
    %broadcast_in_dim3A_310 = vector.shape_cast %reduce_max3A_309 : vector<64xf32> to vector<1x64xf32>
    %swap3A_311 = arith.constant 39 : index
    %swap3A_312 = arith.constant 0 : index
    %swap3A_313 = vector.load %arg8[%swap3A_311, %swap3A_312] : memref<64x64xf32, #tpu.memory_space<vmem>>, vector<1x64xf32>
    tpu.vector_store %arg8[%swap3A_311, %swap3A_312], %broadcast_in_dim3A_310 {strides = array<i32>} : memref<64x64xf32, #tpu.memory_space<vmem>>, vector<1x64xf32>,
    %slice3A_314 = vector.extract_strided_slice %max3A_37 {offsets = [640, 0], sizes = [16, 64], strides = [1, 1]} : vector<1024x64xf32> to vector<16x64xf32>
    %reduce_max3A_315 = arith.constant dense<0xFF800000> : vector<64xf32>
    %reduce_max3A_316 = vector.multi_reduction <maximumf>, %slice3A_314, %reduce_max3A_315 [0] : vector<16x64xf32> to vector<64xf32>
    %broadcast_in_dim3A_317 = vector.shape_cast %reduce_max3A_316 : vector<64xf32> to vector<1x64xf32>
    %swap3A_318 = arith.constant 40 : index
    %swap3A_319 = arith.constant 0 : index
    %swap3A_320 = vector.load %arg8[%swap3A_318, %swap3A_319] : memref<64x64xf32, #tpu.memory_space<vmem>>, vector<1x64xf32>
    tpu.vector_store %arg8[%swap3A_318, %swap3A_319], %broadcast_in_dim3A_317 {strides = array<i32>} : memref<64x64xf32, #tpu.memory_space<vmem>>, vector<1x64xf32>,
    %slice3A_321 = vector.extract_strided_slice %max3A_37 {offsets = [656, 0], sizes = [16, 64], strides = [1, 1]} : vector<1024x64xf32> to vector<16x64xf32>
    %reduce_max3A_322 = arith.constant dense<0xFF800000> : vector<64xf32>
    %reduce_max3A_323 = vector.multi_reduction <maximumf>, %slice3A_321, %reduce_max3A_322 [0] : vector<16x64xf32> to vector<64xf32>
    %broadcast_in_dim3A_324 = vector.shape_cast %reduce_max3A_323 : vector<64xf32> to vector<1x64xf32>
    %swap3A_325 = arith.constant 41 : index
    %swap3A_326 = arith.constant 0 : index
    %swap3A_327 = vector.load %arg8[%swap3A_325, %swap3A_326] : memref<64x64xf32, #tpu.memory_space<vmem>>, vector<1x64xf32>
    tpu.vector_store %arg8[%swap3A_325, %swap3A_326], %broadcast_in_dim3A_324 {strides = array<i32>} : memref<64x64xf32, #tpu.memory_space<vmem>>, vector<1x64xf32>,
    %slice3A_328 = vector.extract_strided_slice %max3A_37 {offsets = [672, 0], sizes = [16, 64], strides = [1, 1]} : vector<1024x64xf32> to vector<16x64xf32>
    %reduce_max3A_329 = arith.constant dense<0xFF800000> : vector<64xf32>
    %reduce_max3A_330 = vector.multi_reduction <maximumf>, %slice3A_328, %reduce_max3A_329 [0] : vector<16x64xf32> to vector<64xf32>
    %broadcast_in_dim3A_331 = vector.shape_cast %reduce_max3A_330 : vector<64xf32> to vector<1x64xf32>
    %swap3A_332 = arith.constant 42 : index
    %swap3A_333 = arith.constant 0 : index
    %swap3A_334 = vector.load %arg8[%swap3A_332, %swap3A_333] : memref<64x64xf32, #tpu.memory_space<vmem>>, vector<1x64xf32>
    tpu.vector_store %arg8[%swap3A_332, %swap3A_333], %broadcast_in_dim3A_331 {strides = array<i32>} : memref<64x64xf32, #tpu.memory_space<vmem>>, vector<1x64xf32>,
    %slice3A_335 = vector.extract_strided_slice %max3A_37 {offsets = [688, 0], sizes = [16, 64], strides = [1, 1]} : vector<1024x64xf32> to vector<16x64xf32>
    %reduce_max3A_336 = arith.constant dense<0xFF800000> : vector<64xf32>
    %reduce_max3A_337 = vector.multi_reduction <maximumf>, %slice3A_335, %reduce_max3A_336 [0] : vector<16x64xf32> to vector<64xf32>
    %broadcast_in_dim3A_338 = vector.shape_cast %reduce_max3A_337 : vector<64xf32> to vector<1x64xf32>
    %swap3A_339 = arith.constant 43 : index
    %swap3A_340 = arith.constant 0 : index
    %swap3A_341 = vector.load %arg8[%swap3A_339, %swap3A_340] : memref<64x64xf32, #tpu.memory_space<vmem>>, vector<1x64xf32>
    tpu.vector_store %arg8[%swap3A_339, %swap3A_340], %broadcast_in_dim3A_338 {strides = array<i32>} : memref<64x64xf32, #tpu.memory_space<vmem>>, vector<1x64xf32>,
    %slice3A_342 = vector.extract_strided_slice %max3A_37 {offsets = [704, 0], sizes = [16, 64], strides = [1, 1]} : vector<1024x64xf32> to vector<16x64xf32>
    %reduce_max3A_343 = arith.constant dense<0xFF800000> : vector<64xf32>
    %reduce_max3A_344 = vector.multi_reduction <maximumf>, %slice3A_342, %reduce_max3A_343 [0] : vector<16x64xf32> to vector<64xf32>
    %broadcast_in_dim3A_345 = vector.shape_cast %reduce_max3A_344 : vector<64xf32> to vector<1x64xf32>
    %swap3A_346 = arith.constant 44 : index
    %swap3A_347 = arith.constant 0 : index
    %swap3A_348 = vector.load %arg8[%swap3A_346, %swap3A_347] : memref<64x64xf32, #tpu.memory_space<vmem>>, vector<1x64xf32>
    tpu.vector_store %arg8[%swap3A_346, %swap3A_347], %broadcast_in_dim3A_345 {strides = array<i32>} : memref<64x64xf32, #tpu.memory_space<vmem>>, vector<1x64xf32>,
    %slice3A_349 = vector.extract_strided_slice %max3A_37 {offsets = [720, 0], sizes = [16, 64], strides = [1, 1]} : vector<1024x64xf32> to vector<16x64xf32>
    %reduce_max3A_350 = arith.constant dense<0xFF800000> : vector<64xf32>
    %reduce_max3A_351 = vector.multi_reduction <maximumf>, %slice3A_349, %reduce_max3A_350 [0] : vector<16x64xf32> to vector<64xf32>
    %broadcast_in_dim3A_352 = vector.shape_cast %reduce_max3A_351 : vector<64xf32> to vector<1x64xf32>
    %swap3A_353 = arith.constant 45 : index
    %swap3A_354 = arith.constant 0 : index
    %swap3A_355 = vector.load %arg8[%swap3A_353, %swap3A_354] : memref<64x64xf32, #tpu.memory_space<vmem>>, vector<1x64xf32>
    tpu.vector_store %arg8[%swap3A_353, %swap3A_354], %broadcast_in_dim3A_352 {strides = array<i32>} : memref<64x64xf32, #tpu.memory_space<vmem>>, vector<1x64xf32>,
    %slice3A_356 = vector.extract_strided_slice %max3A_37 {offsets = [736, 0], sizes = [16, 64], strides = [1, 1]} : vector<1024x64xf32> to vector<16x64xf32>
    %reduce_max3A_357 = arith.constant dense<0xFF800000> : vector<64xf32>
    %reduce_max3A_358 = vector.multi_reduction <maximumf>, %slice3A_356, %reduce_max3A_357 [0] : vector<16x64xf32> to vector<64xf32>
    %broadcast_in_dim3A_359 = vector.shape_cast %reduce_max3A_358 : vector<64xf32> to vector<1x64xf32>
    %swap3A_360 = arith.constant 46 : index
    %swap3A_361 = arith.constant 0 : index
    %swap3A_362 = vector.load %arg8[%swap3A_360, %swap3A_361] : memref<64x64xf32, #tpu.memory_space<vmem>>, vector<1x64xf32>
    tpu.vector_store %arg8[%swap3A_360, %swap3A_361], %broadcast_in_dim3A_359 {strides = array<i32>} : memref<64x64xf32, #tpu.memory_space<vmem>>, vector<1x64xf32>,
    %slice3A_363 = vector.extract_strided_slice %max3A_37 {offsets = [752, 0], sizes = [16, 64], strides = [1, 1]} : vector<1024x64xf32> to vector<16x64xf32>
    %reduce_max3A_364 = arith.constant dense<0xFF800000> : vector<64xf32>
    %reduce_max3A_365 = vector.multi_reduction <maximumf>, %slice3A_363, %reduce_max3A_364 [0] : vector<16x64xf32> to vector<64xf32>
    %broadcast_in_dim3A_366 = vector.shape_cast %reduce_max3A_365 : vector<64xf32> to vector<1x64xf32>
    %swap3A_367 = arith.constant 47 : index
    %swap3A_368 = arith.constant 0 : index
    %swap3A_369 = vector.load %arg8[%swap3A_367, %swap3A_368] : memref<64x64xf32, #tpu.memory_space<vmem>>, vector<1x64xf32>
    tpu.vector_store %arg8[%swap3A_367, %swap3A_368], %broadcast_in_dim3A_366 {strides = array<i32>} : memref<64x64xf32, #tpu.memory_space<vmem>>, vector<1x64xf32>,
    %slice3A_370 = vector.extract_strided_slice %max3A_37 {offsets = [768, 0], sizes = [16, 64], strides = [1, 1]} : vector<1024x64xf32> to vector<16x64xf32>
    %reduce_max3A_371 = arith.constant dense<0xFF800000> : vector<64xf32>
    %reduce_max3A_372 = vector.multi_reduction <maximumf>, %slice3A_370, %reduce_max3A_371 [0] : vector<16x64xf32> to vector<64xf32>
    %broadcast_in_dim3A_373 = vector.shape_cast %reduce_max3A_372 : vector<64xf32> to vector<1x64xf32>
    %swap3A_374 = arith.constant 48 : index
    %swap3A_375 = arith.constant 0 : index
    %swap3A_376 = vector.load %arg8[%swap3A_374, %swap3A_375] : memref<64x64xf32, #tpu.memory_space<vmem>>, vector<1x64xf32>
    tpu.vector_store %arg8[%swap3A_374, %swap3A_375], %broadcast_in_dim3A_373 {strides = array<i32>} : memref<64x64xf32, #tpu.memory_space<vmem>>, vector<1x64xf32>,
    %slice3A_377 = vector.extract_strided_slice %max3A_37 {offsets = [784, 0], sizes = [16, 64], strides = [1, 1]} : vector<1024x64xf32> to vector<16x64xf32>
    %reduce_max3A_378 = arith.constant dense<0xFF800000> : vector<64xf32>
    %reduce_max3A_379 = vector.multi_reduction <maximumf>, %slice3A_377, %reduce_max3A_378 [0] : vector<16x64xf32> to vector<64xf32>
    %broadcast_in_dim3A_380 = vector.shape_cast %reduce_max3A_379 : vector<64xf32> to vector<1x64xf32>
    %swap3A_381 = arith.constant 49 : index
    %swap3A_382 = arith.constant 0 : index
    %swap3A_383 = vector.load %arg8[%swap3A_381, %swap3A_382] : memref<64x64xf32, #tpu.memory_space<vmem>>, vector<1x64xf32>
    tpu.vector_store %arg8[%swap3A_381, %swap3A_382], %broadcast_in_dim3A_380 {strides = array<i32>} : memref<64x64xf32, #tpu.memory_space<vmem>>, vector<1x64xf32>,
    %slice3A_384 = vector.extract_strided_slice %max3A_37 {offsets = [800, 0], sizes = [16, 64], strides = [1, 1]} : vector<1024x64xf32> to vector<16x64xf32>
    %reduce_max3A_385 = arith.constant dense<0xFF800000> : vector<64xf32>
    %reduce_max3A_386 = vector.multi_reduction <maximumf>, %slice3A_384, %reduce_max3A_385 [0] : vector<16x64xf32> to vector<64xf32>
    %broadcast_in_dim3A_387 = vector.shape_cast %reduce_max3A_386 : vector<64xf32> to vector<1x64xf32>
    %swap3A_388 = arith.constant 50 : index
    %swap3A_389 = arith.constant 0 : index
    %swap3A_390 = vector.load %arg8[%swap3A_388, %swap3A_389] : memref<64x64xf32, #tpu.memory_space<vmem>>, vector<1x64xf32>
    tpu.vector_store %arg8[%swap3A_388, %swap3A_389], %broadcast_in_dim3A_387 {strides = array<i32>} : memref<64x64xf32, #tpu.memory_space<vmem>>, vector<1x64xf32>,
    %slice3A_391 = vector.extract_strided_slice %max3A_37 {offsets = [816, 0], sizes = [16, 64], strides = [1, 1]} : vector<1024x64xf32> to vector<16x64xf32>
    %reduce_max3A_392 = arith.constant dense<0xFF800000> : vector<64xf32>
    %reduce_max3A_393 = vector.multi_reduction <maximumf>, %slice3A_391, %reduce_max3A_392 [0] : vector<16x64xf32> to vector<64xf32>
    %broadcast_in_dim3A_394 = vector.shape_cast %reduce_max3A_393 : vector<64xf32> to vector<1x64xf32>
    %swap3A_395 = arith.constant 51 : index
    %swap3A_396 = arith.constant 0 : index
    %swap3A_397 = vector.load %arg8[%swap3A_395, %swap3A_396] : memref<64x64xf32, #tpu.memory_space<vmem>>, vector<1x64xf32>
    tpu.vector_store %arg8[%swap3A_395, %swap3A_396], %broadcast_in_dim3A_394 {strides = array<i32>} : memref<64x64xf32, #tpu.memory_space<vmem>>, vector<1x64xf32>,
    %slice3A_398 = vector.extract_strided_slice %max3A_37 {offsets = [832, 0], sizes = [16, 64], strides = [1, 1]} : vector<1024x64xf32> to vector<16x64xf32>
    %reduce_max3A_399 = arith.constant dense<0xFF800000> : vector<64xf32>
    %reduce_max3A_400 = vector.multi_reduction <maximumf>, %slice3A_398, %reduce_max3A_399 [0] : vector<16x64xf32> to vector<64xf32>
    %broadcast_in_dim3A_401 = vector.shape_cast %reduce_max3A_400 : vector<64xf32> to vector<1x64xf32>
    %swap3A_402 = arith.constant 52 : index
    %swap3A_403 = arith.constant 0 : index
    %swap3A_404 = vector.load %arg8[%swap3A_402, %swap3A_403] : memref<64x64xf32, #tpu.memory_space<vmem>>, vector<1x64xf32>
    tpu.vector_store %arg8[%swap3A_402, %swap3A_403], %broadcast_in_dim3A_401 {strides = array<i32>} : memref<64x64xf32, #tpu.memory_space<vmem>>, vector<1x64xf32>,
    %slice3A_405 = vector.extract_strided_slice %max3A_37 {offsets = [848, 0], sizes = [16, 64], strides = [1, 1]} : vector<1024x64xf32> to vector<16x64xf32>
    %reduce_max3A_406 = arith.constant dense<0xFF800000> : vector<64xf32>
    %reduce_max3A_407 = vector.multi_reduction <maximumf>, %slice3A_405, %reduce_max3A_406 [0] : vector<16x64xf32> to vector<64xf32>
    %broadcast_in_dim3A_408 = vector.shape_cast %reduce_max3A_407 : vector<64xf32> to vector<1x64xf32>
    %swap3A_409 = arith.constant 53 : index
    %swap3A_410 = arith.constant 0 : index
    %swap3A_411 = vector.load %arg8[%swap3A_409, %swap3A_410] : memref<64x64xf32, #tpu.memory_space<vmem>>, vector<1x64xf32>
    tpu.vector_store %arg8[%swap3A_409, %swap3A_410], %broadcast_in_dim3A_408 {strides = array<i32>} : memref<64x64xf32, #tpu.memory_space<vmem>>, vector<1x64xf32>,
    %slice3A_412 = vector.extract_strided_slice %max3A_37 {offsets = [864, 0], sizes = [16, 64], strides = [1, 1]} : vector<1024x64xf32> to vector<16x64xf32>
    %reduce_max3A_413 = arith.constant dense<0xFF800000> : vector<64xf32>
    %reduce_max3A_414 = vector.multi_reduction <maximumf>, %slice3A_412, %reduce_max3A_413 [0] : vector<16x64xf32> to vector<64xf32>
    %broadcast_in_dim3A_415 = vector.shape_cast %reduce_max3A_414 : vector<64xf32> to vector<1x64xf32>
    %swap3A_416 = arith.constant 54 : index
    %swap3A_417 = arith.constant 0 : index
    %swap3A_418 = vector.load %arg8[%swap3A_416, %swap3A_417] : memref<64x64xf32, #tpu.memory_space<vmem>>, vector<1x64xf32>
    tpu.vector_store %arg8[%swap3A_416, %swap3A_417], %broadcast_in_dim3A_415 {strides = array<i32>} : memref<64x64xf32, #tpu.memory_space<vmem>>, vector<1x64xf32>,
    %slice3A_419 = vector.extract_strided_slice %max3A_37 {offsets = [880, 0], sizes = [16, 64], strides = [1, 1]} : vector<1024x64xf32> to vector<16x64xf32>
    %reduce_max3A_420 = arith.constant dense<0xFF800000> : vector<64xf32>
    %reduce_max3A_421 = vector.multi_reduction <maximumf>, %slice3A_419, %reduce_max3A_420 [0] : vector<16x64xf32> to vector<64xf32>
    %broadcast_in_dim3A_422 = vector.shape_cast %reduce_max3A_421 : vector<64xf32> to vector<1x64xf32>
    %swap3A_423 = arith.constant 55 : index
    %swap3A_424 = arith.constant 0 : index
    %swap3A_425 = vector.load %arg8[%swap3A_423, %swap3A_424] : memref<64x64xf32, #tpu.memory_space<vmem>>, vector<1x64xf32>
    tpu.vector_store %arg8[%swap3A_423, %swap3A_424], %broadcast_in_dim3A_422 {strides = array<i32>} : memref<64x64xf32, #tpu.memory_space<vmem>>, vector<1x64xf32>,
    %slice3A_426 = vector.extract_strided_slice %max3A_37 {offsets = [896, 0], sizes = [16, 64], strides = [1, 1]} : vector<1024x64xf32> to vector<16x64xf32>
    %reduce_max3A_427 = arith.constant dense<0xFF800000> : vector<64xf32>
    %reduce_max3A_428 = vector.multi_reduction <maximumf>, %slice3A_426, %reduce_max3A_427 [0] : vector<16x64xf32> to vector<64xf32>
    %broadcast_in_dim3A_429 = vector.shape_cast %reduce_max3A_428 : vector<64xf32> to vector<1x64xf32>
    %swap3A_430 = arith.constant 56 : index
    %swap3A_431 = arith.constant 0 : index
    %swap3A_432 = vector.load %arg8[%swap3A_430, %swap3A_431] : memref<64x64xf32, #tpu.memory_space<vmem>>, vector<1x64xf32>
    tpu.vector_store %arg8[%swap3A_430, %swap3A_431], %broadcast_in_dim3A_429 {strides = array<i32>} : memref<64x64xf32, #tpu.memory_space<vmem>>, vector<1x64xf32>,
    %slice3A_433 = vector.extract_strided_slice %max3A_37 {offsets = [912, 0], sizes = [16, 64], strides = [1, 1]} : vector<1024x64xf32> to vector<16x64xf32>
    %reduce_max3A_434 = arith.constant dense<0xFF800000> : vector<64xf32>
    %reduce_max3A_435 = vector.multi_reduction <maximumf>, %slice3A_433, %reduce_max3A_434 [0] : vector<16x64xf32> to vector<64xf32>
    %broadcast_in_dim3A_436 = vector.shape_cast %reduce_max3A_435 : vector<64xf32> to vector<1x64xf32>
    %swap3A_437 = arith.constant 57 : index
    %swap3A_438 = arith.constant 0 : index
    %swap3A_439 = vector.load %arg8[%swap3A_437, %swap3A_438] : memref<64x64xf32, #tpu.memory_space<vmem>>, vector<1x64xf32>
    tpu.vector_store %arg8[%swap3A_437, %swap3A_438], %broadcast_in_dim3A_436 {strides = array<i32>} : memref<64x64xf32, #tpu.memory_space<vmem>>, vector<1x64xf32>,
    %slice3A_440 = vector.extract_strided_slice %max3A_37 {offsets = [928, 0], sizes = [16, 64], strides = [1, 1]} : vector<1024x64xf32> to vector<16x64xf32>
    %reduce_max3A_441 = arith.constant dense<0xFF800000> : vector<64xf32>
    %reduce_max3A_442 = vector.multi_reduction <maximumf>, %slice3A_440, %reduce_max3A_441 [0] : vector<16x64xf32> to vector<64xf32>
    %broadcast_in_dim3A_443 = vector.shape_cast %reduce_max3A_442 : vector<64xf32> to vector<1x64xf32>
    %swap3A_444 = arith.constant 58 : index
    %swap3A_445 = arith.constant 0 : index
    %swap3A_446 = vector.load %arg8[%swap3A_444, %swap3A_445] : memref<64x64xf32, #tpu.memory_space<vmem>>, vector<1x64xf32>
    tpu.vector_store %arg8[%swap3A_444, %swap3A_445], %broadcast_in_dim3A_443 {strides = array<i32>} : memref<64x64xf32, #tpu.memory_space<vmem>>, vector<1x64xf32>,
    %slice3A_447 = vector.extract_strided_slice %max3A_37 {offsets = [944, 0], sizes = [16, 64], strides = [1, 1]} : vector<1024x64xf32> to vector<16x64xf32>
    %reduce_max3A_448 = arith.constant dense<0xFF800000> : vector<64xf32>
    %reduce_max3A_449 = vector.multi_reduction <maximumf>, %slice3A_447, %reduce_max3A_448 [0] : vector<16x64xf32> to vector<64xf32>
    %broadcast_in_dim3A_450 = vector.shape_cast %reduce_max3A_449 : vector<64xf32> to vector<1x64xf32>
    %swap3A_451 = arith.constant 59 : index
    %swap3A_452 = arith.constant 0 : index
    %swap3A_453 = vector.load %arg8[%swap3A_451, %swap3A_452] : memref<64x64xf32, #tpu.memory_space<vmem>>, vector<1x64xf32>
    tpu.vector_store %arg8[%swap3A_451, %swap3A_452], %broadcast_in_dim3A_450 {strides = array<i32>} : memref<64x64xf32, #tpu.memory_space<vmem>>, vector<1x64xf32>,
    %slice3A_454 = vector.extract_strided_slice %max3A_37 {offsets = [960, 0], sizes = [16, 64], strides = [1, 1]} : vector<1024x64xf32> to vector<16x64xf32>
    %reduce_max3A_455 = arith.constant dense<0xFF800000> : vector<64xf32>
    %reduce_max3A_456 = vector.multi_reduction <maximumf>, %slice3A_454, %reduce_max3A_455 [0] : vector<16x64xf32> to vector<64xf32>
    %broadcast_in_dim3A_457 = vector.shape_cast %reduce_max3A_456 : vector<64xf32> to vector<1x64xf32>
    %swap3A_458 = arith.constant 60 : index
    %swap3A_459 = arith.constant 0 : index
    %swap3A_460 = vector.load %arg8[%swap3A_458, %swap3A_459] : memref<64x64xf32, #tpu.memory_space<vmem>>, vector<1x64xf32>
    tpu.vector_store %arg8[%swap3A_458, %swap3A_459], %broadcast_in_dim3A_457 {strides = array<i32>} : memref<64x64xf32, #tpu.memory_space<vmem>>, vector<1x64xf32>,
    %slice3A_461 = vector.extract_strided_slice %max3A_37 {offsets = [976, 0], sizes = [16, 64], strides = [1, 1]} : vector<1024x64xf32> to vector<16x64xf32>
    %reduce_max3A_462 = arith.constant dense<0xFF800000> : vector<64xf32>
    %reduce_max3A_463 = vector.multi_reduction <maximumf>, %slice3A_461, %reduce_max3A_462 [0] : vector<16x64xf32> to vector<64xf32>
    %broadcast_in_dim3A_464 = vector.shape_cast %reduce_max3A_463 : vector<64xf32> to vector<1x64xf32>
    %swap3A_465 = arith.constant 61 : index
    %swap3A_466 = arith.constant 0 : index
    %swap3A_467 = vector.load %arg8[%swap3A_465, %swap3A_466] : memref<64x64xf32, #tpu.memory_space<vmem>>, vector<1x64xf32>
    tpu.vector_store %arg8[%swap3A_465, %swap3A_466], %broadcast_in_dim3A_464 {strides = array<i32>} : memref<64x64xf32, #tpu.memory_space<vmem>>, vector<1x64xf32>,
    %slice3A_468 = vector.extract_strided_slice %max3A_37 {offsets = [992, 0], sizes = [16, 64], strides = [1, 1]} : vector<1024x64xf32> to vector<16x64xf32>
    %reduce_max3A_469 = arith.constant dense<0xFF800000> : vector<64xf32>
    %reduce_max3A_470 = vector.multi_reduction <maximumf>, %slice3A_468, %reduce_max3A_469 [0] : vector<16x64xf32> to vector<64xf32>
    %broadcast_in_dim3A_471 = vector.shape_cast %reduce_max3A_470 : vector<64xf32> to vector<1x64xf32>
    %swap3A_472 = arith.constant 62 : index
    %swap3A_473 = arith.constant 0 : index
    %swap3A_474 = vector.load %arg8[%swap3A_472, %swap3A_473] : memref<64x64xf32, #tpu.memory_space<vmem>>, vector<1x64xf32>
    tpu.vector_store %arg8[%swap3A_472, %swap3A_473], %broadcast_in_dim3A_471 {strides = array<i32>} : memref<64x64xf32, #tpu.memory_space<vmem>>, vector<1x64xf32>,
    %slice3A_475 = vector.extract_strided_slice %max3A_37 {offsets = [1008, 0], sizes = [16, 64], strides = [1, 1]} : vector<1024x64xf32> to vector<16x64xf32>
    %reduce_max3A_476 = arith.constant dense<0xFF800000> : vector<64xf32>
    %reduce_max3A_477 = vector.multi_reduction <maximumf>, %slice3A_475, %reduce_max3A_476 [0] : vector<16x64xf32> to vector<64xf32>
    %broadcast_in_dim3A_478 = vector.shape_cast %reduce_max3A_477 : vector<64xf32> to vector<1x64xf32>
    %swap3A_479 = arith.constant 63 : index
    %swap3A_480 = arith.constant 0 : index
    %swap3A_481 = vector.load %arg8[%swap3A_479, %swap3A_480] : memref<64x64xf32, #tpu.memory_space<vmem>>, vector<1x64xf32>
    tpu.vector_store %arg8[%swap3A_479, %swap3A_480], %broadcast_in_dim3A_478 {strides = array<i32>} : memref<64x64xf32, #tpu.memory_space<vmem>>, vector<1x64xf32>,
    return
  }
  func.func @transform_0(%arg0: i32) -> (i32, i32) {
    %c0_i32 = arith.constant 0 : i32
    %c0_i32_0 = arith.constant 0 : i32
    return %arg0, %c0_i32 : i32, i32
  }
  func.func @transform_1(%arg0: i32) -> (i32, i32) {
    %c0_i32 = arith.constant 0 : i32
    %c0_i32_0 = arith.constant 0 : i32
    %c0_i32_1 = arith.constant 0 : i32
    return %c0_i32, %c0_i32_0 : i32, i32
  }
  func.func @transform_2(%arg0: i32) -> (i32, i32) {
    %c0_i32 = arith.constant 0 : i32
    %c0_i32_0 = arith.constant 0 : i32
    %c0_i32_1 = arith.constant 0 : i32
    return %c0_i32, %c0_i32_0 : i32, i32
  }
  func.func @transform_3(%arg0: i32) -> (i32, i32) {
    %c0_i32 = arith.constant 0 : i32
    %c0_i32_0 = arith.constant 0 : i32
    %c0_i32_1 = arith.constant 0 : i32
    return %c0_i32, %c0_i32_0 : i32, i32
  }
  func.func @transform_4(%arg0: i32) -> (i32, i32) {
    %c0_i32 = arith.constant 0 : i32
    %c0_i32_0 = arith.constant 0 : i32
    %c0_i32_1 = arith.constant 0 : i32
    return %c0_i32, %c0_i32_0 : i32, i32
  }
  func.func @transform_5(%arg0: i32) -> (i32, i32) {
    %c0_i32 = arith.constant 0 : i32
    %c0_i32_0 = arith.constant 0 : i32
    %c0_i32_1 = arith.constant 0 : i32
    return %c0_i32, %c0_i32_0 : i32, i32
  }
  func.func @transform_6(%arg0: i32) -> (i32, i32) {
    %c0_i32 = arith.constant 0 : i32
    %c0_i32_0 = arith.constant 0 : i32
    %c0_i32_1 = arith.constant 0 : i32
    return %c0_i32, %c0_i32_0 : i32, i32
  }
  func.func @transform_7(%arg0: i32) -> (i32, i32) {
    %c0_i32 = arith.constant 0 : i32
    %c0_i32_0 = arith.constant 0 : i32
    return %arg0, %c0_i32 : i32, i32
  }
}

module attributes {stable_mosaic.version = 14 : i64} {
  func.func @_g1_body(%arg0: i32, %arg1: memref<4096x3xf32, #tpu.memory_space<vmem>>, %arg2: memref<3x64xf32, #tpu.memory_space<vmem>>, %arg3: memref<1x64xf32, #tpu.memory_space<vmem>>, %arg4: memref<64x96xf32, #tpu.memory_space<vmem>>, %arg5: memref<1x96xf32, #tpu.memory_space<vmem>>, %arg6: memref<96x128xf32, #tpu.memory_space<vmem>>, %arg7: memref<1x128xf32, #tpu.memory_space<vmem>>, %arg8: memref<32x128xf32, #tpu.memory_space<vmem>>) attributes {dimension_semantics = [#tpu.dimension_semantics<arbitrary>], iteration_bounds = array<i64: 128>, scalar_prefetch = 0 : i64, scratch_operands = 0 : i64, tpu.core_type = #tpu.core_type<tc>, window_params = [{transform_indices = @transform_0, window_bounds = array<i64: 4096, 3>}, {pipeline_mode = #tpu.pipeline_mode<synchronous>, transform_indices = @transform_1, window_bounds = array<i64: 3, 64>}, {pipeline_mode = #tpu.pipeline_mode<synchronous>, transform_indices = @transform_2, window_bounds = array<i64: 1, 64>}, {pipeline_mode = #tpu.pipeline_mode<synchronous>, transform_indices = @transform_3, window_bounds = array<i64: 64, 96>}, {pipeline_mode = #tpu.pipeline_mode<synchronous>, transform_indices = @transform_4, window_bounds = array<i64: 1, 96>}, {pipeline_mode = #tpu.pipeline_mode<synchronous>, transform_indices = @transform_5, window_bounds = array<i64: 96, 128>}, {pipeline_mode = #tpu.pipeline_mode<synchronous>, transform_indices = @transform_6, window_bounds = array<i64: 1, 128>}, {transform_indices = @transform_7, window_bounds = array<i64: 32, 128>}]} {
    %get3A = arith.constant 0 : index
    %get3A_0 = arith.constant 0 : index
    %get3A_1 = vector.load %arg1[%get3A, %get3A_0] : memref<4096x3xf32, #tpu.memory_space<vmem>>, vector<4096x3xf32>
    %get3A_2 = arith.constant 0 : index
    %get3A_3 = arith.constant 0 : index
    %get3A_4 = vector.load %arg2[%get3A_2, %get3A_3] : memref<3x64xf32, #tpu.memory_space<vmem>>, vector<3x64xf32>
    %dot_general3A = arith.constant dense<0.000000e+00> : vector<4096x64xf32>
    %dot_general3A_5 = tpu.matmul %get3A_1, %get3A_4, %dot_general3A {dimension_numbers = #tpu.dot_dimension_numbers<[1], [0], [0], [1], [0, 0, 1, 1], [], []>, transpose_lhs_hint = false} : vector<4096x3xf32>, vector<3x64xf32>, vector<4096x64xf32> -> vector<4096x64xf32>
    %get3A_6 = arith.constant 0 : index
    %get3A_7 = arith.constant 0 : index
    %get3A_8 = vector.load %arg3[%get3A_6, %get3A_7] : memref<1x64xf32, #tpu.memory_space<vmem>>, vector<1x64xf32>
    %add3A = vector.broadcast %get3A_8 : vector<1x64xf32> to vector<4096x64xf32>
    %add3A_9 = arith.addf %dot_general3A_5, %add3A : vector<4096x64xf32>
    %max3A = arith.constant 0.000000e+00 : f32
    %max3A_10 = vector.broadcast %max3A : f32 to vector<4096x64xf32>
    %max3A_11 = arith.maximumf %add3A_9, %max3A_10 : vector<4096x64xf32>
    %get3A_12 = arith.constant 0 : index
    %get3A_13 = arith.constant 0 : index
    %get3A_14 = vector.load %arg4[%get3A_12, %get3A_13] : memref<64x96xf32, #tpu.memory_space<vmem>>, vector<64x96xf32>
    %dot_general3A_15 = arith.constant dense<0.000000e+00> : vector<4096x96xf32>
    %dot_general3A_16 = tpu.matmul %max3A_11, %get3A_14, %dot_general3A_15 {dimension_numbers = #tpu.dot_dimension_numbers<[1], [0], [0], [1], [0, 0, 1, 1], [], []>, transpose_lhs_hint = false} : vector<4096x64xf32>, vector<64x96xf32>, vector<4096x96xf32> -> vector<4096x96xf32>
    %get3A_17 = arith.constant 0 : index
    %get3A_18 = arith.constant 0 : index
    %get3A_19 = vector.load %arg5[%get3A_17, %get3A_18] : memref<1x96xf32, #tpu.memory_space<vmem>>, vector<1x96xf32>
    %add3A_20 = vector.broadcast %get3A_19 : vector<1x96xf32> to vector<4096x96xf32>
    %add3A_21 = arith.addf %dot_general3A_16, %add3A_20 : vector<4096x96xf32>
    %max3A_22 = arith.constant 0.000000e+00 : f32
    %max3A_23 = vector.broadcast %max3A_22 : f32 to vector<4096x96xf32>
    %max3A_24 = arith.maximumf %add3A_21, %max3A_23 : vector<4096x96xf32>
    %get3A_25 = arith.constant 0 : index
    %get3A_26 = arith.constant 0 : index
    %get3A_27 = vector.load %arg6[%get3A_25, %get3A_26] : memref<96x128xf32, #tpu.memory_space<vmem>>, vector<96x128xf32>
    %dot_general3A_28 = arith.constant dense<0.000000e+00> : vector<4096x128xf32>
    %dot_general3A_29 = tpu.matmul %max3A_24, %get3A_27, %dot_general3A_28 {dimension_numbers = #tpu.dot_dimension_numbers<[1], [0], [0], [1], [0, 0, 1, 1], [], []>, transpose_lhs_hint = false} : vector<4096x96xf32>, vector<96x128xf32>, vector<4096x128xf32> -> vector<4096x128xf32>
    %get3A_30 = arith.constant 0 : index
    %get3A_31 = arith.constant 0 : index
    %get3A_32 = vector.load %arg7[%get3A_30, %get3A_31] : memref<1x128xf32, #tpu.memory_space<vmem>>, vector<1x128xf32>
    %add3A_33 = vector.broadcast %get3A_32 : vector<1x128xf32> to vector<4096x128xf32>
    %add3A_34 = arith.addf %dot_general3A_29, %add3A_33 : vector<4096x128xf32>
    %max3A_35 = arith.constant 0.000000e+00 : f32
    %max3A_36 = vector.broadcast %max3A_35 : f32 to vector<4096x128xf32>
    %max3A_37 = arith.maximumf %add3A_34, %max3A_36 : vector<4096x128xf32>
    %slice3A = vector.extract_strided_slice %max3A_37 {offsets = [0, 0], sizes = [128, 128], strides = [1, 1]} : vector<4096x128xf32> to vector<128x128xf32>
    %reduce_max3A = arith.constant dense<0xFF800000> : vector<128xf32>
    %reduce_max3A_38 = vector.multi_reduction <maximumf>, %slice3A, %reduce_max3A [0] : vector<128x128xf32> to vector<128xf32>
    %broadcast_in_dim3A = vector.shape_cast %reduce_max3A_38 : vector<128xf32> to vector<1x128xf32>
    %swap3A = arith.constant 0 : index
    %swap3A_39 = arith.constant 0 : index
    %swap3A_40 = vector.load %arg8[%swap3A, %swap3A_39] : memref<32x128xf32, #tpu.memory_space<vmem>>, vector<1x128xf32>
    tpu.vector_store %arg8[%swap3A, %swap3A_39], %broadcast_in_dim3A {strides = array<i32>} : memref<32x128xf32, #tpu.memory_space<vmem>>, vector<1x128xf32>,
    %slice3A_41 = vector.extract_strided_slice %max3A_37 {offsets = [128, 0], sizes = [128, 128], strides = [1, 1]} : vector<4096x128xf32> to vector<128x128xf32>
    %reduce_max3A_42 = arith.constant dense<0xFF800000> : vector<128xf32>
    %reduce_max3A_43 = vector.multi_reduction <maximumf>, %slice3A_41, %reduce_max3A_42 [0] : vector<128x128xf32> to vector<128xf32>
    %broadcast_in_dim3A_44 = vector.shape_cast %reduce_max3A_43 : vector<128xf32> to vector<1x128xf32>
    %swap3A_45 = arith.constant 1 : index
    %swap3A_46 = arith.constant 0 : index
    %swap3A_47 = vector.load %arg8[%swap3A_45, %swap3A_46] : memref<32x128xf32, #tpu.memory_space<vmem>>, vector<1x128xf32>
    tpu.vector_store %arg8[%swap3A_45, %swap3A_46], %broadcast_in_dim3A_44 {strides = array<i32>} : memref<32x128xf32, #tpu.memory_space<vmem>>, vector<1x128xf32>,
    %slice3A_48 = vector.extract_strided_slice %max3A_37 {offsets = [256, 0], sizes = [128, 128], strides = [1, 1]} : vector<4096x128xf32> to vector<128x128xf32>
    %reduce_max3A_49 = arith.constant dense<0xFF800000> : vector<128xf32>
    %reduce_max3A_50 = vector.multi_reduction <maximumf>, %slice3A_48, %reduce_max3A_49 [0] : vector<128x128xf32> to vector<128xf32>
    %broadcast_in_dim3A_51 = vector.shape_cast %reduce_max3A_50 : vector<128xf32> to vector<1x128xf32>
    %swap3A_52 = arith.constant 2 : index
    %swap3A_53 = arith.constant 0 : index
    %swap3A_54 = vector.load %arg8[%swap3A_52, %swap3A_53] : memref<32x128xf32, #tpu.memory_space<vmem>>, vector<1x128xf32>
    tpu.vector_store %arg8[%swap3A_52, %swap3A_53], %broadcast_in_dim3A_51 {strides = array<i32>} : memref<32x128xf32, #tpu.memory_space<vmem>>, vector<1x128xf32>,
    %slice3A_55 = vector.extract_strided_slice %max3A_37 {offsets = [384, 0], sizes = [128, 128], strides = [1, 1]} : vector<4096x128xf32> to vector<128x128xf32>
    %reduce_max3A_56 = arith.constant dense<0xFF800000> : vector<128xf32>
    %reduce_max3A_57 = vector.multi_reduction <maximumf>, %slice3A_55, %reduce_max3A_56 [0] : vector<128x128xf32> to vector<128xf32>
    %broadcast_in_dim3A_58 = vector.shape_cast %reduce_max3A_57 : vector<128xf32> to vector<1x128xf32>
    %swap3A_59 = arith.constant 3 : index
    %swap3A_60 = arith.constant 0 : index
    %swap3A_61 = vector.load %arg8[%swap3A_59, %swap3A_60] : memref<32x128xf32, #tpu.memory_space<vmem>>, vector<1x128xf32>
    tpu.vector_store %arg8[%swap3A_59, %swap3A_60], %broadcast_in_dim3A_58 {strides = array<i32>} : memref<32x128xf32, #tpu.memory_space<vmem>>, vector<1x128xf32>,
    %slice3A_62 = vector.extract_strided_slice %max3A_37 {offsets = [512, 0], sizes = [128, 128], strides = [1, 1]} : vector<4096x128xf32> to vector<128x128xf32>
    %reduce_max3A_63 = arith.constant dense<0xFF800000> : vector<128xf32>
    %reduce_max3A_64 = vector.multi_reduction <maximumf>, %slice3A_62, %reduce_max3A_63 [0] : vector<128x128xf32> to vector<128xf32>
    %broadcast_in_dim3A_65 = vector.shape_cast %reduce_max3A_64 : vector<128xf32> to vector<1x128xf32>
    %swap3A_66 = arith.constant 4 : index
    %swap3A_67 = arith.constant 0 : index
    %swap3A_68 = vector.load %arg8[%swap3A_66, %swap3A_67] : memref<32x128xf32, #tpu.memory_space<vmem>>, vector<1x128xf32>
    tpu.vector_store %arg8[%swap3A_66, %swap3A_67], %broadcast_in_dim3A_65 {strides = array<i32>} : memref<32x128xf32, #tpu.memory_space<vmem>>, vector<1x128xf32>,
    %slice3A_69 = vector.extract_strided_slice %max3A_37 {offsets = [640, 0], sizes = [128, 128], strides = [1, 1]} : vector<4096x128xf32> to vector<128x128xf32>
    %reduce_max3A_70 = arith.constant dense<0xFF800000> : vector<128xf32>
    %reduce_max3A_71 = vector.multi_reduction <maximumf>, %slice3A_69, %reduce_max3A_70 [0] : vector<128x128xf32> to vector<128xf32>
    %broadcast_in_dim3A_72 = vector.shape_cast %reduce_max3A_71 : vector<128xf32> to vector<1x128xf32>
    %swap3A_73 = arith.constant 5 : index
    %swap3A_74 = arith.constant 0 : index
    %swap3A_75 = vector.load %arg8[%swap3A_73, %swap3A_74] : memref<32x128xf32, #tpu.memory_space<vmem>>, vector<1x128xf32>
    tpu.vector_store %arg8[%swap3A_73, %swap3A_74], %broadcast_in_dim3A_72 {strides = array<i32>} : memref<32x128xf32, #tpu.memory_space<vmem>>, vector<1x128xf32>,
    %slice3A_76 = vector.extract_strided_slice %max3A_37 {offsets = [768, 0], sizes = [128, 128], strides = [1, 1]} : vector<4096x128xf32> to vector<128x128xf32>
    %reduce_max3A_77 = arith.constant dense<0xFF800000> : vector<128xf32>
    %reduce_max3A_78 = vector.multi_reduction <maximumf>, %slice3A_76, %reduce_max3A_77 [0] : vector<128x128xf32> to vector<128xf32>
    %broadcast_in_dim3A_79 = vector.shape_cast %reduce_max3A_78 : vector<128xf32> to vector<1x128xf32>
    %swap3A_80 = arith.constant 6 : index
    %swap3A_81 = arith.constant 0 : index
    %swap3A_82 = vector.load %arg8[%swap3A_80, %swap3A_81] : memref<32x128xf32, #tpu.memory_space<vmem>>, vector<1x128xf32>
    tpu.vector_store %arg8[%swap3A_80, %swap3A_81], %broadcast_in_dim3A_79 {strides = array<i32>} : memref<32x128xf32, #tpu.memory_space<vmem>>, vector<1x128xf32>,
    %slice3A_83 = vector.extract_strided_slice %max3A_37 {offsets = [896, 0], sizes = [128, 128], strides = [1, 1]} : vector<4096x128xf32> to vector<128x128xf32>
    %reduce_max3A_84 = arith.constant dense<0xFF800000> : vector<128xf32>
    %reduce_max3A_85 = vector.multi_reduction <maximumf>, %slice3A_83, %reduce_max3A_84 [0] : vector<128x128xf32> to vector<128xf32>
    %broadcast_in_dim3A_86 = vector.shape_cast %reduce_max3A_85 : vector<128xf32> to vector<1x128xf32>
    %swap3A_87 = arith.constant 7 : index
    %swap3A_88 = arith.constant 0 : index
    %swap3A_89 = vector.load %arg8[%swap3A_87, %swap3A_88] : memref<32x128xf32, #tpu.memory_space<vmem>>, vector<1x128xf32>
    tpu.vector_store %arg8[%swap3A_87, %swap3A_88], %broadcast_in_dim3A_86 {strides = array<i32>} : memref<32x128xf32, #tpu.memory_space<vmem>>, vector<1x128xf32>,
    %slice3A_90 = vector.extract_strided_slice %max3A_37 {offsets = [1024, 0], sizes = [128, 128], strides = [1, 1]} : vector<4096x128xf32> to vector<128x128xf32>
    %reduce_max3A_91 = arith.constant dense<0xFF800000> : vector<128xf32>
    %reduce_max3A_92 = vector.multi_reduction <maximumf>, %slice3A_90, %reduce_max3A_91 [0] : vector<128x128xf32> to vector<128xf32>
    %broadcast_in_dim3A_93 = vector.shape_cast %reduce_max3A_92 : vector<128xf32> to vector<1x128xf32>
    %swap3A_94 = arith.constant 8 : index
    %swap3A_95 = arith.constant 0 : index
    %swap3A_96 = vector.load %arg8[%swap3A_94, %swap3A_95] : memref<32x128xf32, #tpu.memory_space<vmem>>, vector<1x128xf32>
    tpu.vector_store %arg8[%swap3A_94, %swap3A_95], %broadcast_in_dim3A_93 {strides = array<i32>} : memref<32x128xf32, #tpu.memory_space<vmem>>, vector<1x128xf32>,
    %slice3A_97 = vector.extract_strided_slice %max3A_37 {offsets = [1152, 0], sizes = [128, 128], strides = [1, 1]} : vector<4096x128xf32> to vector<128x128xf32>
    %reduce_max3A_98 = arith.constant dense<0xFF800000> : vector<128xf32>
    %reduce_max3A_99 = vector.multi_reduction <maximumf>, %slice3A_97, %reduce_max3A_98 [0] : vector<128x128xf32> to vector<128xf32>
    %broadcast_in_dim3A_100 = vector.shape_cast %reduce_max3A_99 : vector<128xf32> to vector<1x128xf32>
    %swap3A_101 = arith.constant 9 : index
    %swap3A_102 = arith.constant 0 : index
    %swap3A_103 = vector.load %arg8[%swap3A_101, %swap3A_102] : memref<32x128xf32, #tpu.memory_space<vmem>>, vector<1x128xf32>
    tpu.vector_store %arg8[%swap3A_101, %swap3A_102], %broadcast_in_dim3A_100 {strides = array<i32>} : memref<32x128xf32, #tpu.memory_space<vmem>>, vector<1x128xf32>,
    %slice3A_104 = vector.extract_strided_slice %max3A_37 {offsets = [1280, 0], sizes = [128, 128], strides = [1, 1]} : vector<4096x128xf32> to vector<128x128xf32>
    %reduce_max3A_105 = arith.constant dense<0xFF800000> : vector<128xf32>
    %reduce_max3A_106 = vector.multi_reduction <maximumf>, %slice3A_104, %reduce_max3A_105 [0] : vector<128x128xf32> to vector<128xf32>
    %broadcast_in_dim3A_107 = vector.shape_cast %reduce_max3A_106 : vector<128xf32> to vector<1x128xf32>
    %swap3A_108 = arith.constant 10 : index
    %swap3A_109 = arith.constant 0 : index
    %swap3A_110 = vector.load %arg8[%swap3A_108, %swap3A_109] : memref<32x128xf32, #tpu.memory_space<vmem>>, vector<1x128xf32>
    tpu.vector_store %arg8[%swap3A_108, %swap3A_109], %broadcast_in_dim3A_107 {strides = array<i32>} : memref<32x128xf32, #tpu.memory_space<vmem>>, vector<1x128xf32>,
    %slice3A_111 = vector.extract_strided_slice %max3A_37 {offsets = [1408, 0], sizes = [128, 128], strides = [1, 1]} : vector<4096x128xf32> to vector<128x128xf32>
    %reduce_max3A_112 = arith.constant dense<0xFF800000> : vector<128xf32>
    %reduce_max3A_113 = vector.multi_reduction <maximumf>, %slice3A_111, %reduce_max3A_112 [0] : vector<128x128xf32> to vector<128xf32>
    %broadcast_in_dim3A_114 = vector.shape_cast %reduce_max3A_113 : vector<128xf32> to vector<1x128xf32>
    %swap3A_115 = arith.constant 11 : index
    %swap3A_116 = arith.constant 0 : index
    %swap3A_117 = vector.load %arg8[%swap3A_115, %swap3A_116] : memref<32x128xf32, #tpu.memory_space<vmem>>, vector<1x128xf32>
    tpu.vector_store %arg8[%swap3A_115, %swap3A_116], %broadcast_in_dim3A_114 {strides = array<i32>} : memref<32x128xf32, #tpu.memory_space<vmem>>, vector<1x128xf32>,
    %slice3A_118 = vector.extract_strided_slice %max3A_37 {offsets = [1536, 0], sizes = [128, 128], strides = [1, 1]} : vector<4096x128xf32> to vector<128x128xf32>
    %reduce_max3A_119 = arith.constant dense<0xFF800000> : vector<128xf32>
    %reduce_max3A_120 = vector.multi_reduction <maximumf>, %slice3A_118, %reduce_max3A_119 [0] : vector<128x128xf32> to vector<128xf32>
    %broadcast_in_dim3A_121 = vector.shape_cast %reduce_max3A_120 : vector<128xf32> to vector<1x128xf32>
    %swap3A_122 = arith.constant 12 : index
    %swap3A_123 = arith.constant 0 : index
    %swap3A_124 = vector.load %arg8[%swap3A_122, %swap3A_123] : memref<32x128xf32, #tpu.memory_space<vmem>>, vector<1x128xf32>
    tpu.vector_store %arg8[%swap3A_122, %swap3A_123], %broadcast_in_dim3A_121 {strides = array<i32>} : memref<32x128xf32, #tpu.memory_space<vmem>>, vector<1x128xf32>,
    %slice3A_125 = vector.extract_strided_slice %max3A_37 {offsets = [1664, 0], sizes = [128, 128], strides = [1, 1]} : vector<4096x128xf32> to vector<128x128xf32>
    %reduce_max3A_126 = arith.constant dense<0xFF800000> : vector<128xf32>
    %reduce_max3A_127 = vector.multi_reduction <maximumf>, %slice3A_125, %reduce_max3A_126 [0] : vector<128x128xf32> to vector<128xf32>
    %broadcast_in_dim3A_128 = vector.shape_cast %reduce_max3A_127 : vector<128xf32> to vector<1x128xf32>
    %swap3A_129 = arith.constant 13 : index
    %swap3A_130 = arith.constant 0 : index
    %swap3A_131 = vector.load %arg8[%swap3A_129, %swap3A_130] : memref<32x128xf32, #tpu.memory_space<vmem>>, vector<1x128xf32>
    tpu.vector_store %arg8[%swap3A_129, %swap3A_130], %broadcast_in_dim3A_128 {strides = array<i32>} : memref<32x128xf32, #tpu.memory_space<vmem>>, vector<1x128xf32>,
    %slice3A_132 = vector.extract_strided_slice %max3A_37 {offsets = [1792, 0], sizes = [128, 128], strides = [1, 1]} : vector<4096x128xf32> to vector<128x128xf32>
    %reduce_max3A_133 = arith.constant dense<0xFF800000> : vector<128xf32>
    %reduce_max3A_134 = vector.multi_reduction <maximumf>, %slice3A_132, %reduce_max3A_133 [0] : vector<128x128xf32> to vector<128xf32>
    %broadcast_in_dim3A_135 = vector.shape_cast %reduce_max3A_134 : vector<128xf32> to vector<1x128xf32>
    %swap3A_136 = arith.constant 14 : index
    %swap3A_137 = arith.constant 0 : index
    %swap3A_138 = vector.load %arg8[%swap3A_136, %swap3A_137] : memref<32x128xf32, #tpu.memory_space<vmem>>, vector<1x128xf32>
    tpu.vector_store %arg8[%swap3A_136, %swap3A_137], %broadcast_in_dim3A_135 {strides = array<i32>} : memref<32x128xf32, #tpu.memory_space<vmem>>, vector<1x128xf32>,
    %slice3A_139 = vector.extract_strided_slice %max3A_37 {offsets = [1920, 0], sizes = [128, 128], strides = [1, 1]} : vector<4096x128xf32> to vector<128x128xf32>
    %reduce_max3A_140 = arith.constant dense<0xFF800000> : vector<128xf32>
    %reduce_max3A_141 = vector.multi_reduction <maximumf>, %slice3A_139, %reduce_max3A_140 [0] : vector<128x128xf32> to vector<128xf32>
    %broadcast_in_dim3A_142 = vector.shape_cast %reduce_max3A_141 : vector<128xf32> to vector<1x128xf32>
    %swap3A_143 = arith.constant 15 : index
    %swap3A_144 = arith.constant 0 : index
    %swap3A_145 = vector.load %arg8[%swap3A_143, %swap3A_144] : memref<32x128xf32, #tpu.memory_space<vmem>>, vector<1x128xf32>
    tpu.vector_store %arg8[%swap3A_143, %swap3A_144], %broadcast_in_dim3A_142 {strides = array<i32>} : memref<32x128xf32, #tpu.memory_space<vmem>>, vector<1x128xf32>,
    %slice3A_146 = vector.extract_strided_slice %max3A_37 {offsets = [2048, 0], sizes = [128, 128], strides = [1, 1]} : vector<4096x128xf32> to vector<128x128xf32>
    %reduce_max3A_147 = arith.constant dense<0xFF800000> : vector<128xf32>
    %reduce_max3A_148 = vector.multi_reduction <maximumf>, %slice3A_146, %reduce_max3A_147 [0] : vector<128x128xf32> to vector<128xf32>
    %broadcast_in_dim3A_149 = vector.shape_cast %reduce_max3A_148 : vector<128xf32> to vector<1x128xf32>
    %swap3A_150 = arith.constant 16 : index
    %swap3A_151 = arith.constant 0 : index
    %swap3A_152 = vector.load %arg8[%swap3A_150, %swap3A_151] : memref<32x128xf32, #tpu.memory_space<vmem>>, vector<1x128xf32>
    tpu.vector_store %arg8[%swap3A_150, %swap3A_151], %broadcast_in_dim3A_149 {strides = array<i32>} : memref<32x128xf32, #tpu.memory_space<vmem>>, vector<1x128xf32>,
    %slice3A_153 = vector.extract_strided_slice %max3A_37 {offsets = [2176, 0], sizes = [128, 128], strides = [1, 1]} : vector<4096x128xf32> to vector<128x128xf32>
    %reduce_max3A_154 = arith.constant dense<0xFF800000> : vector<128xf32>
    %reduce_max3A_155 = vector.multi_reduction <maximumf>, %slice3A_153, %reduce_max3A_154 [0] : vector<128x128xf32> to vector<128xf32>
    %broadcast_in_dim3A_156 = vector.shape_cast %reduce_max3A_155 : vector<128xf32> to vector<1x128xf32>
    %swap3A_157 = arith.constant 17 : index
    %swap3A_158 = arith.constant 0 : index
    %swap3A_159 = vector.load %arg8[%swap3A_157, %swap3A_158] : memref<32x128xf32, #tpu.memory_space<vmem>>, vector<1x128xf32>
    tpu.vector_store %arg8[%swap3A_157, %swap3A_158], %broadcast_in_dim3A_156 {strides = array<i32>} : memref<32x128xf32, #tpu.memory_space<vmem>>, vector<1x128xf32>,
    %slice3A_160 = vector.extract_strided_slice %max3A_37 {offsets = [2304, 0], sizes = [128, 128], strides = [1, 1]} : vector<4096x128xf32> to vector<128x128xf32>
    %reduce_max3A_161 = arith.constant dense<0xFF800000> : vector<128xf32>
    %reduce_max3A_162 = vector.multi_reduction <maximumf>, %slice3A_160, %reduce_max3A_161 [0] : vector<128x128xf32> to vector<128xf32>
    %broadcast_in_dim3A_163 = vector.shape_cast %reduce_max3A_162 : vector<128xf32> to vector<1x128xf32>
    %swap3A_164 = arith.constant 18 : index
    %swap3A_165 = arith.constant 0 : index
    %swap3A_166 = vector.load %arg8[%swap3A_164, %swap3A_165] : memref<32x128xf32, #tpu.memory_space<vmem>>, vector<1x128xf32>
    tpu.vector_store %arg8[%swap3A_164, %swap3A_165], %broadcast_in_dim3A_163 {strides = array<i32>} : memref<32x128xf32, #tpu.memory_space<vmem>>, vector<1x128xf32>,
    %slice3A_167 = vector.extract_strided_slice %max3A_37 {offsets = [2432, 0], sizes = [128, 128], strides = [1, 1]} : vector<4096x128xf32> to vector<128x128xf32>
    %reduce_max3A_168 = arith.constant dense<0xFF800000> : vector<128xf32>
    %reduce_max3A_169 = vector.multi_reduction <maximumf>, %slice3A_167, %reduce_max3A_168 [0] : vector<128x128xf32> to vector<128xf32>
    %broadcast_in_dim3A_170 = vector.shape_cast %reduce_max3A_169 : vector<128xf32> to vector<1x128xf32>
    %swap3A_171 = arith.constant 19 : index
    %swap3A_172 = arith.constant 0 : index
    %swap3A_173 = vector.load %arg8[%swap3A_171, %swap3A_172] : memref<32x128xf32, #tpu.memory_space<vmem>>, vector<1x128xf32>
    tpu.vector_store %arg8[%swap3A_171, %swap3A_172], %broadcast_in_dim3A_170 {strides = array<i32>} : memref<32x128xf32, #tpu.memory_space<vmem>>, vector<1x128xf32>,
    %slice3A_174 = vector.extract_strided_slice %max3A_37 {offsets = [2560, 0], sizes = [128, 128], strides = [1, 1]} : vector<4096x128xf32> to vector<128x128xf32>
    %reduce_max3A_175 = arith.constant dense<0xFF800000> : vector<128xf32>
    %reduce_max3A_176 = vector.multi_reduction <maximumf>, %slice3A_174, %reduce_max3A_175 [0] : vector<128x128xf32> to vector<128xf32>
    %broadcast_in_dim3A_177 = vector.shape_cast %reduce_max3A_176 : vector<128xf32> to vector<1x128xf32>
    %swap3A_178 = arith.constant 20 : index
    %swap3A_179 = arith.constant 0 : index
    %swap3A_180 = vector.load %arg8[%swap3A_178, %swap3A_179] : memref<32x128xf32, #tpu.memory_space<vmem>>, vector<1x128xf32>
    tpu.vector_store %arg8[%swap3A_178, %swap3A_179], %broadcast_in_dim3A_177 {strides = array<i32>} : memref<32x128xf32, #tpu.memory_space<vmem>>, vector<1x128xf32>,
    %slice3A_181 = vector.extract_strided_slice %max3A_37 {offsets = [2688, 0], sizes = [128, 128], strides = [1, 1]} : vector<4096x128xf32> to vector<128x128xf32>
    %reduce_max3A_182 = arith.constant dense<0xFF800000> : vector<128xf32>
    %reduce_max3A_183 = vector.multi_reduction <maximumf>, %slice3A_181, %reduce_max3A_182 [0] : vector<128x128xf32> to vector<128xf32>
    %broadcast_in_dim3A_184 = vector.shape_cast %reduce_max3A_183 : vector<128xf32> to vector<1x128xf32>
    %swap3A_185 = arith.constant 21 : index
    %swap3A_186 = arith.constant 0 : index
    %swap3A_187 = vector.load %arg8[%swap3A_185, %swap3A_186] : memref<32x128xf32, #tpu.memory_space<vmem>>, vector<1x128xf32>
    tpu.vector_store %arg8[%swap3A_185, %swap3A_186], %broadcast_in_dim3A_184 {strides = array<i32>} : memref<32x128xf32, #tpu.memory_space<vmem>>, vector<1x128xf32>,
    %slice3A_188 = vector.extract_strided_slice %max3A_37 {offsets = [2816, 0], sizes = [128, 128], strides = [1, 1]} : vector<4096x128xf32> to vector<128x128xf32>
    %reduce_max3A_189 = arith.constant dense<0xFF800000> : vector<128xf32>
    %reduce_max3A_190 = vector.multi_reduction <maximumf>, %slice3A_188, %reduce_max3A_189 [0] : vector<128x128xf32> to vector<128xf32>
    %broadcast_in_dim3A_191 = vector.shape_cast %reduce_max3A_190 : vector<128xf32> to vector<1x128xf32>
    %swap3A_192 = arith.constant 22 : index
    %swap3A_193 = arith.constant 0 : index
    %swap3A_194 = vector.load %arg8[%swap3A_192, %swap3A_193] : memref<32x128xf32, #tpu.memory_space<vmem>>, vector<1x128xf32>
    tpu.vector_store %arg8[%swap3A_192, %swap3A_193], %broadcast_in_dim3A_191 {strides = array<i32>} : memref<32x128xf32, #tpu.memory_space<vmem>>, vector<1x128xf32>,
    %slice3A_195 = vector.extract_strided_slice %max3A_37 {offsets = [2944, 0], sizes = [128, 128], strides = [1, 1]} : vector<4096x128xf32> to vector<128x128xf32>
    %reduce_max3A_196 = arith.constant dense<0xFF800000> : vector<128xf32>
    %reduce_max3A_197 = vector.multi_reduction <maximumf>, %slice3A_195, %reduce_max3A_196 [0] : vector<128x128xf32> to vector<128xf32>
    %broadcast_in_dim3A_198 = vector.shape_cast %reduce_max3A_197 : vector<128xf32> to vector<1x128xf32>
    %swap3A_199 = arith.constant 23 : index
    %swap3A_200 = arith.constant 0 : index
    %swap3A_201 = vector.load %arg8[%swap3A_199, %swap3A_200] : memref<32x128xf32, #tpu.memory_space<vmem>>, vector<1x128xf32>
    tpu.vector_store %arg8[%swap3A_199, %swap3A_200], %broadcast_in_dim3A_198 {strides = array<i32>} : memref<32x128xf32, #tpu.memory_space<vmem>>, vector<1x128xf32>,
    %slice3A_202 = vector.extract_strided_slice %max3A_37 {offsets = [3072, 0], sizes = [128, 128], strides = [1, 1]} : vector<4096x128xf32> to vector<128x128xf32>
    %reduce_max3A_203 = arith.constant dense<0xFF800000> : vector<128xf32>
    %reduce_max3A_204 = vector.multi_reduction <maximumf>, %slice3A_202, %reduce_max3A_203 [0] : vector<128x128xf32> to vector<128xf32>
    %broadcast_in_dim3A_205 = vector.shape_cast %reduce_max3A_204 : vector<128xf32> to vector<1x128xf32>
    %swap3A_206 = arith.constant 24 : index
    %swap3A_207 = arith.constant 0 : index
    %swap3A_208 = vector.load %arg8[%swap3A_206, %swap3A_207] : memref<32x128xf32, #tpu.memory_space<vmem>>, vector<1x128xf32>
    tpu.vector_store %arg8[%swap3A_206, %swap3A_207], %broadcast_in_dim3A_205 {strides = array<i32>} : memref<32x128xf32, #tpu.memory_space<vmem>>, vector<1x128xf32>,
    %slice3A_209 = vector.extract_strided_slice %max3A_37 {offsets = [3200, 0], sizes = [128, 128], strides = [1, 1]} : vector<4096x128xf32> to vector<128x128xf32>
    %reduce_max3A_210 = arith.constant dense<0xFF800000> : vector<128xf32>
    %reduce_max3A_211 = vector.multi_reduction <maximumf>, %slice3A_209, %reduce_max3A_210 [0] : vector<128x128xf32> to vector<128xf32>
    %broadcast_in_dim3A_212 = vector.shape_cast %reduce_max3A_211 : vector<128xf32> to vector<1x128xf32>
    %swap3A_213 = arith.constant 25 : index
    %swap3A_214 = arith.constant 0 : index
    %swap3A_215 = vector.load %arg8[%swap3A_213, %swap3A_214] : memref<32x128xf32, #tpu.memory_space<vmem>>, vector<1x128xf32>
    tpu.vector_store %arg8[%swap3A_213, %swap3A_214], %broadcast_in_dim3A_212 {strides = array<i32>} : memref<32x128xf32, #tpu.memory_space<vmem>>, vector<1x128xf32>,
    %slice3A_216 = vector.extract_strided_slice %max3A_37 {offsets = [3328, 0], sizes = [128, 128], strides = [1, 1]} : vector<4096x128xf32> to vector<128x128xf32>
    %reduce_max3A_217 = arith.constant dense<0xFF800000> : vector<128xf32>
    %reduce_max3A_218 = vector.multi_reduction <maximumf>, %slice3A_216, %reduce_max3A_217 [0] : vector<128x128xf32> to vector<128xf32>
    %broadcast_in_dim3A_219 = vector.shape_cast %reduce_max3A_218 : vector<128xf32> to vector<1x128xf32>
    %swap3A_220 = arith.constant 26 : index
    %swap3A_221 = arith.constant 0 : index
    %swap3A_222 = vector.load %arg8[%swap3A_220, %swap3A_221] : memref<32x128xf32, #tpu.memory_space<vmem>>, vector<1x128xf32>
    tpu.vector_store %arg8[%swap3A_220, %swap3A_221], %broadcast_in_dim3A_219 {strides = array<i32>} : memref<32x128xf32, #tpu.memory_space<vmem>>, vector<1x128xf32>,
    %slice3A_223 = vector.extract_strided_slice %max3A_37 {offsets = [3456, 0], sizes = [128, 128], strides = [1, 1]} : vector<4096x128xf32> to vector<128x128xf32>
    %reduce_max3A_224 = arith.constant dense<0xFF800000> : vector<128xf32>
    %reduce_max3A_225 = vector.multi_reduction <maximumf>, %slice3A_223, %reduce_max3A_224 [0] : vector<128x128xf32> to vector<128xf32>
    %broadcast_in_dim3A_226 = vector.shape_cast %reduce_max3A_225 : vector<128xf32> to vector<1x128xf32>
    %swap3A_227 = arith.constant 27 : index
    %swap3A_228 = arith.constant 0 : index
    %swap3A_229 = vector.load %arg8[%swap3A_227, %swap3A_228] : memref<32x128xf32, #tpu.memory_space<vmem>>, vector<1x128xf32>
    tpu.vector_store %arg8[%swap3A_227, %swap3A_228], %broadcast_in_dim3A_226 {strides = array<i32>} : memref<32x128xf32, #tpu.memory_space<vmem>>, vector<1x128xf32>,
    %slice3A_230 = vector.extract_strided_slice %max3A_37 {offsets = [3584, 0], sizes = [128, 128], strides = [1, 1]} : vector<4096x128xf32> to vector<128x128xf32>
    %reduce_max3A_231 = arith.constant dense<0xFF800000> : vector<128xf32>
    %reduce_max3A_232 = vector.multi_reduction <maximumf>, %slice3A_230, %reduce_max3A_231 [0] : vector<128x128xf32> to vector<128xf32>
    %broadcast_in_dim3A_233 = vector.shape_cast %reduce_max3A_232 : vector<128xf32> to vector<1x128xf32>
    %swap3A_234 = arith.constant 28 : index
    %swap3A_235 = arith.constant 0 : index
    %swap3A_236 = vector.load %arg8[%swap3A_234, %swap3A_235] : memref<32x128xf32, #tpu.memory_space<vmem>>, vector<1x128xf32>
    tpu.vector_store %arg8[%swap3A_234, %swap3A_235], %broadcast_in_dim3A_233 {strides = array<i32>} : memref<32x128xf32, #tpu.memory_space<vmem>>, vector<1x128xf32>,
    %slice3A_237 = vector.extract_strided_slice %max3A_37 {offsets = [3712, 0], sizes = [128, 128], strides = [1, 1]} : vector<4096x128xf32> to vector<128x128xf32>
    %reduce_max3A_238 = arith.constant dense<0xFF800000> : vector<128xf32>
    %reduce_max3A_239 = vector.multi_reduction <maximumf>, %slice3A_237, %reduce_max3A_238 [0] : vector<128x128xf32> to vector<128xf32>
    %broadcast_in_dim3A_240 = vector.shape_cast %reduce_max3A_239 : vector<128xf32> to vector<1x128xf32>
    %swap3A_241 = arith.constant 29 : index
    %swap3A_242 = arith.constant 0 : index
    %swap3A_243 = vector.load %arg8[%swap3A_241, %swap3A_242] : memref<32x128xf32, #tpu.memory_space<vmem>>, vector<1x128xf32>
    tpu.vector_store %arg8[%swap3A_241, %swap3A_242], %broadcast_in_dim3A_240 {strides = array<i32>} : memref<32x128xf32, #tpu.memory_space<vmem>>, vector<1x128xf32>,
    %slice3A_244 = vector.extract_strided_slice %max3A_37 {offsets = [3840, 0], sizes = [128, 128], strides = [1, 1]} : vector<4096x128xf32> to vector<128x128xf32>
    %reduce_max3A_245 = arith.constant dense<0xFF800000> : vector<128xf32>
    %reduce_max3A_246 = vector.multi_reduction <maximumf>, %slice3A_244, %reduce_max3A_245 [0] : vector<128x128xf32> to vector<128xf32>
    %broadcast_in_dim3A_247 = vector.shape_cast %reduce_max3A_246 : vector<128xf32> to vector<1x128xf32>
    %swap3A_248 = arith.constant 30 : index
    %swap3A_249 = arith.constant 0 : index
    %swap3A_250 = vector.load %arg8[%swap3A_248, %swap3A_249] : memref<32x128xf32, #tpu.memory_space<vmem>>, vector<1x128xf32>
    tpu.vector_store %arg8[%swap3A_248, %swap3A_249], %broadcast_in_dim3A_247 {strides = array<i32>} : memref<32x128xf32, #tpu.memory_space<vmem>>, vector<1x128xf32>,
    %slice3A_251 = vector.extract_strided_slice %max3A_37 {offsets = [3968, 0], sizes = [128, 128], strides = [1, 1]} : vector<4096x128xf32> to vector<128x128xf32>
    %reduce_max3A_252 = arith.constant dense<0xFF800000> : vector<128xf32>
    %reduce_max3A_253 = vector.multi_reduction <maximumf>, %slice3A_251, %reduce_max3A_252 [0] : vector<128x128xf32> to vector<128xf32>
    %broadcast_in_dim3A_254 = vector.shape_cast %reduce_max3A_253 : vector<128xf32> to vector<1x128xf32>
    %swap3A_255 = arith.constant 31 : index
    %swap3A_256 = arith.constant 0 : index
    %swap3A_257 = vector.load %arg8[%swap3A_255, %swap3A_256] : memref<32x128xf32, #tpu.memory_space<vmem>>, vector<1x128xf32>
    tpu.vector_store %arg8[%swap3A_255, %swap3A_256], %broadcast_in_dim3A_254 {strides = array<i32>} : memref<32x128xf32, #tpu.memory_space<vmem>>, vector<1x128xf32>,
    return
  }
  func.func @transform_0(%arg0: i32) -> (i32, i32) {
    %c0_i32 = arith.constant 0 : i32
    %c0_i32_0 = arith.constant 0 : i32
    return %arg0, %c0_i32 : i32, i32
  }
  func.func @transform_1(%arg0: i32) -> (i32, i32) {
    %c0_i32 = arith.constant 0 : i32
    %c0_i32_0 = arith.constant 0 : i32
    %c0_i32_1 = arith.constant 0 : i32
    return %c0_i32, %c0_i32_0 : i32, i32
  }
  func.func @transform_2(%arg0: i32) -> (i32, i32) {
    %c0_i32 = arith.constant 0 : i32
    %c0_i32_0 = arith.constant 0 : i32
    %c0_i32_1 = arith.constant 0 : i32
    return %c0_i32, %c0_i32_0 : i32, i32
  }
  func.func @transform_3(%arg0: i32) -> (i32, i32) {
    %c0_i32 = arith.constant 0 : i32
    %c0_i32_0 = arith.constant 0 : i32
    %c0_i32_1 = arith.constant 0 : i32
    return %c0_i32, %c0_i32_0 : i32, i32
  }
  func.func @transform_4(%arg0: i32) -> (i32, i32) {
    %c0_i32 = arith.constant 0 : i32
    %c0_i32_0 = arith.constant 0 : i32
    %c0_i32_1 = arith.constant 0 : i32
    return %c0_i32, %c0_i32_0 : i32, i32
  }
  func.func @transform_5(%arg0: i32) -> (i32, i32) {
    %c0_i32 = arith.constant 0 : i32
    %c0_i32_0 = arith.constant 0 : i32
    %c0_i32_1 = arith.constant 0 : i32
    return %c0_i32, %c0_i32_0 : i32, i32
  }
  func.func @transform_6(%arg0: i32) -> (i32, i32) {
    %c0_i32 = arith.constant 0 : i32
    %c0_i32_0 = arith.constant 0 : i32
    %c0_i32_1 = arith.constant 0 : i32
    return %c0_i32, %c0_i32_0 : i32, i32
  }
  func.func @transform_7(%arg0: i32) -> (i32, i32) {
    %c0_i32 = arith.constant 0 : i32
    %c0_i32_0 = arith.constant 0 : i32
    return %arg0, %c0_i32 : i32, i32
  }
}

module attributes {stable_mosaic.version = 14 : i64} {
  func.func @_g1_body(%arg0: i32, %arg1: memref<1024x3xf32, #tpu.memory_space<vmem>>, %arg2: memref<3x64xf32, #tpu.memory_space<vmem>>, %arg3: memref<1x64xf32, #tpu.memory_space<vmem>>, %arg4: memref<64x64xf32, #tpu.memory_space<vmem>>, %arg5: memref<1x64xf32, #tpu.memory_space<vmem>>, %arg6: memref<64x128xf32, #tpu.memory_space<vmem>>, %arg7: memref<1x128xf32, #tpu.memory_space<vmem>>, %arg8: memref<32x128xf32, #tpu.memory_space<vmem>>) attributes {dimension_semantics = [#tpu.dimension_semantics<arbitrary>], iteration_bounds = array<i64: 128>, scalar_prefetch = 0 : i64, scratch_operands = 0 : i64, tpu.core_type = #tpu.core_type<tc>, window_params = [{transform_indices = @transform_0, window_bounds = array<i64: 1024, 3>}, {pipeline_mode = #tpu.pipeline_mode<synchronous>, transform_indices = @transform_1, window_bounds = array<i64: 3, 64>}, {pipeline_mode = #tpu.pipeline_mode<synchronous>, transform_indices = @transform_2, window_bounds = array<i64: 1, 64>}, {pipeline_mode = #tpu.pipeline_mode<synchronous>, transform_indices = @transform_3, window_bounds = array<i64: 64, 64>}, {pipeline_mode = #tpu.pipeline_mode<synchronous>, transform_indices = @transform_4, window_bounds = array<i64: 1, 64>}, {pipeline_mode = #tpu.pipeline_mode<synchronous>, transform_indices = @transform_5, window_bounds = array<i64: 64, 128>}, {pipeline_mode = #tpu.pipeline_mode<synchronous>, transform_indices = @transform_6, window_bounds = array<i64: 1, 128>}, {transform_indices = @transform_7, window_bounds = array<i64: 32, 128>}]} {
    %get3A = arith.constant 0 : index
    %get3A_0 = arith.constant 0 : index
    %get3A_1 = vector.load %arg1[%get3A, %get3A_0] : memref<1024x3xf32, #tpu.memory_space<vmem>>, vector<1024x3xf32>
    %get3A_2 = arith.constant 0 : index
    %get3A_3 = arith.constant 0 : index
    %get3A_4 = vector.load %arg2[%get3A_2, %get3A_3] : memref<3x64xf32, #tpu.memory_space<vmem>>, vector<3x64xf32>
    %dot_general3A = arith.constant dense<0.000000e+00> : vector<1024x64xf32>
    %dot_general3A_5 = tpu.matmul %get3A_1, %get3A_4, %dot_general3A {dimension_numbers = #tpu.dot_dimension_numbers<[1], [0], [0], [1], [0, 0, 1, 1], [], []>, transpose_lhs_hint = false} : vector<1024x3xf32>, vector<3x64xf32>, vector<1024x64xf32> -> vector<1024x64xf32>
    %get3A_6 = arith.constant 0 : index
    %get3A_7 = arith.constant 0 : index
    %get3A_8 = vector.load %arg3[%get3A_6, %get3A_7] : memref<1x64xf32, #tpu.memory_space<vmem>>, vector<1x64xf32>
    %add3A = vector.broadcast %get3A_8 : vector<1x64xf32> to vector<1024x64xf32>
    %add3A_9 = arith.addf %dot_general3A_5, %add3A : vector<1024x64xf32>
    %max3A = arith.constant 0.000000e+00 : f32
    %max3A_10 = vector.broadcast %max3A : f32 to vector<1024x64xf32>
    %max3A_11 = arith.maximumf %add3A_9, %max3A_10 : vector<1024x64xf32>
    %get3A_12 = arith.constant 0 : index
    %get3A_13 = arith.constant 0 : index
    %get3A_14 = vector.load %arg4[%get3A_12, %get3A_13] : memref<64x64xf32, #tpu.memory_space<vmem>>, vector<64x64xf32>
    %dot_general3A_15 = arith.constant dense<0.000000e+00> : vector<1024x64xf32>
    %dot_general3A_16 = tpu.matmul %max3A_11, %get3A_14, %dot_general3A_15 {dimension_numbers = #tpu.dot_dimension_numbers<[1], [0], [0], [1], [0, 0, 1, 1], [], []>, transpose_lhs_hint = false} : vector<1024x64xf32>, vector<64x64xf32>, vector<1024x64xf32> -> vector<1024x64xf32>
    %get3A_17 = arith.constant 0 : index
    %get3A_18 = arith.constant 0 : index
    %get3A_19 = vector.load %arg5[%get3A_17, %get3A_18] : memref<1x64xf32, #tpu.memory_space<vmem>>, vector<1x64xf32>
    %add3A_20 = vector.broadcast %get3A_19 : vector<1x64xf32> to vector<1024x64xf32>
    %add3A_21 = arith.addf %dot_general3A_16, %add3A_20 : vector<1024x64xf32>
    %max3A_22 = arith.constant 0.000000e+00 : f32
    %max3A_23 = vector.broadcast %max3A_22 : f32 to vector<1024x64xf32>
    %max3A_24 = arith.maximumf %add3A_21, %max3A_23 : vector<1024x64xf32>
    %get3A_25 = arith.constant 0 : index
    %get3A_26 = arith.constant 0 : index
    %get3A_27 = vector.load %arg6[%get3A_25, %get3A_26] : memref<64x128xf32, #tpu.memory_space<vmem>>, vector<64x128xf32>
    %dot_general3A_28 = arith.constant dense<0.000000e+00> : vector<1024x128xf32>
    %dot_general3A_29 = tpu.matmul %max3A_24, %get3A_27, %dot_general3A_28 {dimension_numbers = #tpu.dot_dimension_numbers<[1], [0], [0], [1], [0, 0, 1, 1], [], []>, transpose_lhs_hint = false} : vector<1024x64xf32>, vector<64x128xf32>, vector<1024x128xf32> -> vector<1024x128xf32>
    %get3A_30 = arith.constant 0 : index
    %get3A_31 = arith.constant 0 : index
    %get3A_32 = vector.load %arg7[%get3A_30, %get3A_31] : memref<1x128xf32, #tpu.memory_space<vmem>>, vector<1x128xf32>
    %add3A_33 = vector.broadcast %get3A_32 : vector<1x128xf32> to vector<1024x128xf32>
    %add3A_34 = arith.addf %dot_general3A_29, %add3A_33 : vector<1024x128xf32>
    %max3A_35 = arith.constant 0.000000e+00 : f32
    %max3A_36 = vector.broadcast %max3A_35 : f32 to vector<1024x128xf32>
    %max3A_37 = arith.maximumf %add3A_34, %max3A_36 : vector<1024x128xf32>
    %slice3A = vector.extract_strided_slice %max3A_37 {offsets = [0, 0], sizes = [32, 128], strides = [1, 1]} : vector<1024x128xf32> to vector<32x128xf32>
    %reduce_max3A = arith.constant dense<0xFF800000> : vector<128xf32>
    %reduce_max3A_38 = vector.multi_reduction <maximumf>, %slice3A, %reduce_max3A [0] : vector<32x128xf32> to vector<128xf32>
    %broadcast_in_dim3A = vector.shape_cast %reduce_max3A_38 : vector<128xf32> to vector<1x128xf32>
    %swap3A = arith.constant 0 : index
    %swap3A_39 = arith.constant 0 : index
    %swap3A_40 = vector.load %arg8[%swap3A, %swap3A_39] : memref<32x128xf32, #tpu.memory_space<vmem>>, vector<1x128xf32>
    tpu.vector_store %arg8[%swap3A, %swap3A_39], %broadcast_in_dim3A {strides = array<i32>} : memref<32x128xf32, #tpu.memory_space<vmem>>, vector<1x128xf32>,
    %slice3A_41 = vector.extract_strided_slice %max3A_37 {offsets = [32, 0], sizes = [32, 128], strides = [1, 1]} : vector<1024x128xf32> to vector<32x128xf32>
    %reduce_max3A_42 = arith.constant dense<0xFF800000> : vector<128xf32>
    %reduce_max3A_43 = vector.multi_reduction <maximumf>, %slice3A_41, %reduce_max3A_42 [0] : vector<32x128xf32> to vector<128xf32>
    %broadcast_in_dim3A_44 = vector.shape_cast %reduce_max3A_43 : vector<128xf32> to vector<1x128xf32>
    %swap3A_45 = arith.constant 1 : index
    %swap3A_46 = arith.constant 0 : index
    %swap3A_47 = vector.load %arg8[%swap3A_45, %swap3A_46] : memref<32x128xf32, #tpu.memory_space<vmem>>, vector<1x128xf32>
    tpu.vector_store %arg8[%swap3A_45, %swap3A_46], %broadcast_in_dim3A_44 {strides = array<i32>} : memref<32x128xf32, #tpu.memory_space<vmem>>, vector<1x128xf32>,
    %slice3A_48 = vector.extract_strided_slice %max3A_37 {offsets = [64, 0], sizes = [32, 128], strides = [1, 1]} : vector<1024x128xf32> to vector<32x128xf32>
    %reduce_max3A_49 = arith.constant dense<0xFF800000> : vector<128xf32>
    %reduce_max3A_50 = vector.multi_reduction <maximumf>, %slice3A_48, %reduce_max3A_49 [0] : vector<32x128xf32> to vector<128xf32>
    %broadcast_in_dim3A_51 = vector.shape_cast %reduce_max3A_50 : vector<128xf32> to vector<1x128xf32>
    %swap3A_52 = arith.constant 2 : index
    %swap3A_53 = arith.constant 0 : index
    %swap3A_54 = vector.load %arg8[%swap3A_52, %swap3A_53] : memref<32x128xf32, #tpu.memory_space<vmem>>, vector<1x128xf32>
    tpu.vector_store %arg8[%swap3A_52, %swap3A_53], %broadcast_in_dim3A_51 {strides = array<i32>} : memref<32x128xf32, #tpu.memory_space<vmem>>, vector<1x128xf32>,
    %slice3A_55 = vector.extract_strided_slice %max3A_37 {offsets = [96, 0], sizes = [32, 128], strides = [1, 1]} : vector<1024x128xf32> to vector<32x128xf32>
    %reduce_max3A_56 = arith.constant dense<0xFF800000> : vector<128xf32>
    %reduce_max3A_57 = vector.multi_reduction <maximumf>, %slice3A_55, %reduce_max3A_56 [0] : vector<32x128xf32> to vector<128xf32>
    %broadcast_in_dim3A_58 = vector.shape_cast %reduce_max3A_57 : vector<128xf32> to vector<1x128xf32>
    %swap3A_59 = arith.constant 3 : index
    %swap3A_60 = arith.constant 0 : index
    %swap3A_61 = vector.load %arg8[%swap3A_59, %swap3A_60] : memref<32x128xf32, #tpu.memory_space<vmem>>, vector<1x128xf32>
    tpu.vector_store %arg8[%swap3A_59, %swap3A_60], %broadcast_in_dim3A_58 {strides = array<i32>} : memref<32x128xf32, #tpu.memory_space<vmem>>, vector<1x128xf32>,
    %slice3A_62 = vector.extract_strided_slice %max3A_37 {offsets = [128, 0], sizes = [32, 128], strides = [1, 1]} : vector<1024x128xf32> to vector<32x128xf32>
    %reduce_max3A_63 = arith.constant dense<0xFF800000> : vector<128xf32>
    %reduce_max3A_64 = vector.multi_reduction <maximumf>, %slice3A_62, %reduce_max3A_63 [0] : vector<32x128xf32> to vector<128xf32>
    %broadcast_in_dim3A_65 = vector.shape_cast %reduce_max3A_64 : vector<128xf32> to vector<1x128xf32>
    %swap3A_66 = arith.constant 4 : index
    %swap3A_67 = arith.constant 0 : index
    %swap3A_68 = vector.load %arg8[%swap3A_66, %swap3A_67] : memref<32x128xf32, #tpu.memory_space<vmem>>, vector<1x128xf32>
    tpu.vector_store %arg8[%swap3A_66, %swap3A_67], %broadcast_in_dim3A_65 {strides = array<i32>} : memref<32x128xf32, #tpu.memory_space<vmem>>, vector<1x128xf32>,
    %slice3A_69 = vector.extract_strided_slice %max3A_37 {offsets = [160, 0], sizes = [32, 128], strides = [1, 1]} : vector<1024x128xf32> to vector<32x128xf32>
    %reduce_max3A_70 = arith.constant dense<0xFF800000> : vector<128xf32>
    %reduce_max3A_71 = vector.multi_reduction <maximumf>, %slice3A_69, %reduce_max3A_70 [0] : vector<32x128xf32> to vector<128xf32>
    %broadcast_in_dim3A_72 = vector.shape_cast %reduce_max3A_71 : vector<128xf32> to vector<1x128xf32>
    %swap3A_73 = arith.constant 5 : index
    %swap3A_74 = arith.constant 0 : index
    %swap3A_75 = vector.load %arg8[%swap3A_73, %swap3A_74] : memref<32x128xf32, #tpu.memory_space<vmem>>, vector<1x128xf32>
    tpu.vector_store %arg8[%swap3A_73, %swap3A_74], %broadcast_in_dim3A_72 {strides = array<i32>} : memref<32x128xf32, #tpu.memory_space<vmem>>, vector<1x128xf32>,
    %slice3A_76 = vector.extract_strided_slice %max3A_37 {offsets = [192, 0], sizes = [32, 128], strides = [1, 1]} : vector<1024x128xf32> to vector<32x128xf32>
    %reduce_max3A_77 = arith.constant dense<0xFF800000> : vector<128xf32>
    %reduce_max3A_78 = vector.multi_reduction <maximumf>, %slice3A_76, %reduce_max3A_77 [0] : vector<32x128xf32> to vector<128xf32>
    %broadcast_in_dim3A_79 = vector.shape_cast %reduce_max3A_78 : vector<128xf32> to vector<1x128xf32>
    %swap3A_80 = arith.constant 6 : index
    %swap3A_81 = arith.constant 0 : index
    %swap3A_82 = vector.load %arg8[%swap3A_80, %swap3A_81] : memref<32x128xf32, #tpu.memory_space<vmem>>, vector<1x128xf32>
    tpu.vector_store %arg8[%swap3A_80, %swap3A_81], %broadcast_in_dim3A_79 {strides = array<i32>} : memref<32x128xf32, #tpu.memory_space<vmem>>, vector<1x128xf32>,
    %slice3A_83 = vector.extract_strided_slice %max3A_37 {offsets = [224, 0], sizes = [32, 128], strides = [1, 1]} : vector<1024x128xf32> to vector<32x128xf32>
    %reduce_max3A_84 = arith.constant dense<0xFF800000> : vector<128xf32>
    %reduce_max3A_85 = vector.multi_reduction <maximumf>, %slice3A_83, %reduce_max3A_84 [0] : vector<32x128xf32> to vector<128xf32>
    %broadcast_in_dim3A_86 = vector.shape_cast %reduce_max3A_85 : vector<128xf32> to vector<1x128xf32>
    %swap3A_87 = arith.constant 7 : index
    %swap3A_88 = arith.constant 0 : index
    %swap3A_89 = vector.load %arg8[%swap3A_87, %swap3A_88] : memref<32x128xf32, #tpu.memory_space<vmem>>, vector<1x128xf32>
    tpu.vector_store %arg8[%swap3A_87, %swap3A_88], %broadcast_in_dim3A_86 {strides = array<i32>} : memref<32x128xf32, #tpu.memory_space<vmem>>, vector<1x128xf32>,
    %slice3A_90 = vector.extract_strided_slice %max3A_37 {offsets = [256, 0], sizes = [32, 128], strides = [1, 1]} : vector<1024x128xf32> to vector<32x128xf32>
    %reduce_max3A_91 = arith.constant dense<0xFF800000> : vector<128xf32>
    %reduce_max3A_92 = vector.multi_reduction <maximumf>, %slice3A_90, %reduce_max3A_91 [0] : vector<32x128xf32> to vector<128xf32>
    %broadcast_in_dim3A_93 = vector.shape_cast %reduce_max3A_92 : vector<128xf32> to vector<1x128xf32>
    %swap3A_94 = arith.constant 8 : index
    %swap3A_95 = arith.constant 0 : index
    %swap3A_96 = vector.load %arg8[%swap3A_94, %swap3A_95] : memref<32x128xf32, #tpu.memory_space<vmem>>, vector<1x128xf32>
    tpu.vector_store %arg8[%swap3A_94, %swap3A_95], %broadcast_in_dim3A_93 {strides = array<i32>} : memref<32x128xf32, #tpu.memory_space<vmem>>, vector<1x128xf32>,
    %slice3A_97 = vector.extract_strided_slice %max3A_37 {offsets = [288, 0], sizes = [32, 128], strides = [1, 1]} : vector<1024x128xf32> to vector<32x128xf32>
    %reduce_max3A_98 = arith.constant dense<0xFF800000> : vector<128xf32>
    %reduce_max3A_99 = vector.multi_reduction <maximumf>, %slice3A_97, %reduce_max3A_98 [0] : vector<32x128xf32> to vector<128xf32>
    %broadcast_in_dim3A_100 = vector.shape_cast %reduce_max3A_99 : vector<128xf32> to vector<1x128xf32>
    %swap3A_101 = arith.constant 9 : index
    %swap3A_102 = arith.constant 0 : index
    %swap3A_103 = vector.load %arg8[%swap3A_101, %swap3A_102] : memref<32x128xf32, #tpu.memory_space<vmem>>, vector<1x128xf32>
    tpu.vector_store %arg8[%swap3A_101, %swap3A_102], %broadcast_in_dim3A_100 {strides = array<i32>} : memref<32x128xf32, #tpu.memory_space<vmem>>, vector<1x128xf32>,
    %slice3A_104 = vector.extract_strided_slice %max3A_37 {offsets = [320, 0], sizes = [32, 128], strides = [1, 1]} : vector<1024x128xf32> to vector<32x128xf32>
    %reduce_max3A_105 = arith.constant dense<0xFF800000> : vector<128xf32>
    %reduce_max3A_106 = vector.multi_reduction <maximumf>, %slice3A_104, %reduce_max3A_105 [0] : vector<32x128xf32> to vector<128xf32>
    %broadcast_in_dim3A_107 = vector.shape_cast %reduce_max3A_106 : vector<128xf32> to vector<1x128xf32>
    %swap3A_108 = arith.constant 10 : index
    %swap3A_109 = arith.constant 0 : index
    %swap3A_110 = vector.load %arg8[%swap3A_108, %swap3A_109] : memref<32x128xf32, #tpu.memory_space<vmem>>, vector<1x128xf32>
    tpu.vector_store %arg8[%swap3A_108, %swap3A_109], %broadcast_in_dim3A_107 {strides = array<i32>} : memref<32x128xf32, #tpu.memory_space<vmem>>, vector<1x128xf32>,
    %slice3A_111 = vector.extract_strided_slice %max3A_37 {offsets = [352, 0], sizes = [32, 128], strides = [1, 1]} : vector<1024x128xf32> to vector<32x128xf32>
    %reduce_max3A_112 = arith.constant dense<0xFF800000> : vector<128xf32>
    %reduce_max3A_113 = vector.multi_reduction <maximumf>, %slice3A_111, %reduce_max3A_112 [0] : vector<32x128xf32> to vector<128xf32>
    %broadcast_in_dim3A_114 = vector.shape_cast %reduce_max3A_113 : vector<128xf32> to vector<1x128xf32>
    %swap3A_115 = arith.constant 11 : index
    %swap3A_116 = arith.constant 0 : index
    %swap3A_117 = vector.load %arg8[%swap3A_115, %swap3A_116] : memref<32x128xf32, #tpu.memory_space<vmem>>, vector<1x128xf32>
    tpu.vector_store %arg8[%swap3A_115, %swap3A_116], %broadcast_in_dim3A_114 {strides = array<i32>} : memref<32x128xf32, #tpu.memory_space<vmem>>, vector<1x128xf32>,
    %slice3A_118 = vector.extract_strided_slice %max3A_37 {offsets = [384, 0], sizes = [32, 128], strides = [1, 1]} : vector<1024x128xf32> to vector<32x128xf32>
    %reduce_max3A_119 = arith.constant dense<0xFF800000> : vector<128xf32>
    %reduce_max3A_120 = vector.multi_reduction <maximumf>, %slice3A_118, %reduce_max3A_119 [0] : vector<32x128xf32> to vector<128xf32>
    %broadcast_in_dim3A_121 = vector.shape_cast %reduce_max3A_120 : vector<128xf32> to vector<1x128xf32>
    %swap3A_122 = arith.constant 12 : index
    %swap3A_123 = arith.constant 0 : index
    %swap3A_124 = vector.load %arg8[%swap3A_122, %swap3A_123] : memref<32x128xf32, #tpu.memory_space<vmem>>, vector<1x128xf32>
    tpu.vector_store %arg8[%swap3A_122, %swap3A_123], %broadcast_in_dim3A_121 {strides = array<i32>} : memref<32x128xf32, #tpu.memory_space<vmem>>, vector<1x128xf32>,
    %slice3A_125 = vector.extract_strided_slice %max3A_37 {offsets = [416, 0], sizes = [32, 128], strides = [1, 1]} : vector<1024x128xf32> to vector<32x128xf32>
    %reduce_max3A_126 = arith.constant dense<0xFF800000> : vector<128xf32>
    %reduce_max3A_127 = vector.multi_reduction <maximumf>, %slice3A_125, %reduce_max3A_126 [0] : vector<32x128xf32> to vector<128xf32>
    %broadcast_in_dim3A_128 = vector.shape_cast %reduce_max3A_127 : vector<128xf32> to vector<1x128xf32>
    %swap3A_129 = arith.constant 13 : index
    %swap3A_130 = arith.constant 0 : index
    %swap3A_131 = vector.load %arg8[%swap3A_129, %swap3A_130] : memref<32x128xf32, #tpu.memory_space<vmem>>, vector<1x128xf32>
    tpu.vector_store %arg8[%swap3A_129, %swap3A_130], %broadcast_in_dim3A_128 {strides = array<i32>} : memref<32x128xf32, #tpu.memory_space<vmem>>, vector<1x128xf32>,
    %slice3A_132 = vector.extract_strided_slice %max3A_37 {offsets = [448, 0], sizes = [32, 128], strides = [1, 1]} : vector<1024x128xf32> to vector<32x128xf32>
    %reduce_max3A_133 = arith.constant dense<0xFF800000> : vector<128xf32>
    %reduce_max3A_134 = vector.multi_reduction <maximumf>, %slice3A_132, %reduce_max3A_133 [0] : vector<32x128xf32> to vector<128xf32>
    %broadcast_in_dim3A_135 = vector.shape_cast %reduce_max3A_134 : vector<128xf32> to vector<1x128xf32>
    %swap3A_136 = arith.constant 14 : index
    %swap3A_137 = arith.constant 0 : index
    %swap3A_138 = vector.load %arg8[%swap3A_136, %swap3A_137] : memref<32x128xf32, #tpu.memory_space<vmem>>, vector<1x128xf32>
    tpu.vector_store %arg8[%swap3A_136, %swap3A_137], %broadcast_in_dim3A_135 {strides = array<i32>} : memref<32x128xf32, #tpu.memory_space<vmem>>, vector<1x128xf32>,
    %slice3A_139 = vector.extract_strided_slice %max3A_37 {offsets = [480, 0], sizes = [32, 128], strides = [1, 1]} : vector<1024x128xf32> to vector<32x128xf32>
    %reduce_max3A_140 = arith.constant dense<0xFF800000> : vector<128xf32>
    %reduce_max3A_141 = vector.multi_reduction <maximumf>, %slice3A_139, %reduce_max3A_140 [0] : vector<32x128xf32> to vector<128xf32>
    %broadcast_in_dim3A_142 = vector.shape_cast %reduce_max3A_141 : vector<128xf32> to vector<1x128xf32>
    %swap3A_143 = arith.constant 15 : index
    %swap3A_144 = arith.constant 0 : index
    %swap3A_145 = vector.load %arg8[%swap3A_143, %swap3A_144] : memref<32x128xf32, #tpu.memory_space<vmem>>, vector<1x128xf32>
    tpu.vector_store %arg8[%swap3A_143, %swap3A_144], %broadcast_in_dim3A_142 {strides = array<i32>} : memref<32x128xf32, #tpu.memory_space<vmem>>, vector<1x128xf32>,
    %slice3A_146 = vector.extract_strided_slice %max3A_37 {offsets = [512, 0], sizes = [32, 128], strides = [1, 1]} : vector<1024x128xf32> to vector<32x128xf32>
    %reduce_max3A_147 = arith.constant dense<0xFF800000> : vector<128xf32>
    %reduce_max3A_148 = vector.multi_reduction <maximumf>, %slice3A_146, %reduce_max3A_147 [0] : vector<32x128xf32> to vector<128xf32>
    %broadcast_in_dim3A_149 = vector.shape_cast %reduce_max3A_148 : vector<128xf32> to vector<1x128xf32>
    %swap3A_150 = arith.constant 16 : index
    %swap3A_151 = arith.constant 0 : index
    %swap3A_152 = vector.load %arg8[%swap3A_150, %swap3A_151] : memref<32x128xf32, #tpu.memory_space<vmem>>, vector<1x128xf32>
    tpu.vector_store %arg8[%swap3A_150, %swap3A_151], %broadcast_in_dim3A_149 {strides = array<i32>} : memref<32x128xf32, #tpu.memory_space<vmem>>, vector<1x128xf32>,
    %slice3A_153 = vector.extract_strided_slice %max3A_37 {offsets = [544, 0], sizes = [32, 128], strides = [1, 1]} : vector<1024x128xf32> to vector<32x128xf32>
    %reduce_max3A_154 = arith.constant dense<0xFF800000> : vector<128xf32>
    %reduce_max3A_155 = vector.multi_reduction <maximumf>, %slice3A_153, %reduce_max3A_154 [0] : vector<32x128xf32> to vector<128xf32>
    %broadcast_in_dim3A_156 = vector.shape_cast %reduce_max3A_155 : vector<128xf32> to vector<1x128xf32>
    %swap3A_157 = arith.constant 17 : index
    %swap3A_158 = arith.constant 0 : index
    %swap3A_159 = vector.load %arg8[%swap3A_157, %swap3A_158] : memref<32x128xf32, #tpu.memory_space<vmem>>, vector<1x128xf32>
    tpu.vector_store %arg8[%swap3A_157, %swap3A_158], %broadcast_in_dim3A_156 {strides = array<i32>} : memref<32x128xf32, #tpu.memory_space<vmem>>, vector<1x128xf32>,
    %slice3A_160 = vector.extract_strided_slice %max3A_37 {offsets = [576, 0], sizes = [32, 128], strides = [1, 1]} : vector<1024x128xf32> to vector<32x128xf32>
    %reduce_max3A_161 = arith.constant dense<0xFF800000> : vector<128xf32>
    %reduce_max3A_162 = vector.multi_reduction <maximumf>, %slice3A_160, %reduce_max3A_161 [0] : vector<32x128xf32> to vector<128xf32>
    %broadcast_in_dim3A_163 = vector.shape_cast %reduce_max3A_162 : vector<128xf32> to vector<1x128xf32>
    %swap3A_164 = arith.constant 18 : index
    %swap3A_165 = arith.constant 0 : index
    %swap3A_166 = vector.load %arg8[%swap3A_164, %swap3A_165] : memref<32x128xf32, #tpu.memory_space<vmem>>, vector<1x128xf32>
    tpu.vector_store %arg8[%swap3A_164, %swap3A_165], %broadcast_in_dim3A_163 {strides = array<i32>} : memref<32x128xf32, #tpu.memory_space<vmem>>, vector<1x128xf32>,
    %slice3A_167 = vector.extract_strided_slice %max3A_37 {offsets = [608, 0], sizes = [32, 128], strides = [1, 1]} : vector<1024x128xf32> to vector<32x128xf32>
    %reduce_max3A_168 = arith.constant dense<0xFF800000> : vector<128xf32>
    %reduce_max3A_169 = vector.multi_reduction <maximumf>, %slice3A_167, %reduce_max3A_168 [0] : vector<32x128xf32> to vector<128xf32>
    %broadcast_in_dim3A_170 = vector.shape_cast %reduce_max3A_169 : vector<128xf32> to vector<1x128xf32>
    %swap3A_171 = arith.constant 19 : index
    %swap3A_172 = arith.constant 0 : index
    %swap3A_173 = vector.load %arg8[%swap3A_171, %swap3A_172] : memref<32x128xf32, #tpu.memory_space<vmem>>, vector<1x128xf32>
    tpu.vector_store %arg8[%swap3A_171, %swap3A_172], %broadcast_in_dim3A_170 {strides = array<i32>} : memref<32x128xf32, #tpu.memory_space<vmem>>, vector<1x128xf32>,
    %slice3A_174 = vector.extract_strided_slice %max3A_37 {offsets = [640, 0], sizes = [32, 128], strides = [1, 1]} : vector<1024x128xf32> to vector<32x128xf32>
    %reduce_max3A_175 = arith.constant dense<0xFF800000> : vector<128xf32>
    %reduce_max3A_176 = vector.multi_reduction <maximumf>, %slice3A_174, %reduce_max3A_175 [0] : vector<32x128xf32> to vector<128xf32>
    %broadcast_in_dim3A_177 = vector.shape_cast %reduce_max3A_176 : vector<128xf32> to vector<1x128xf32>
    %swap3A_178 = arith.constant 20 : index
    %swap3A_179 = arith.constant 0 : index
    %swap3A_180 = vector.load %arg8[%swap3A_178, %swap3A_179] : memref<32x128xf32, #tpu.memory_space<vmem>>, vector<1x128xf32>
    tpu.vector_store %arg8[%swap3A_178, %swap3A_179], %broadcast_in_dim3A_177 {strides = array<i32>} : memref<32x128xf32, #tpu.memory_space<vmem>>, vector<1x128xf32>,
    %slice3A_181 = vector.extract_strided_slice %max3A_37 {offsets = [672, 0], sizes = [32, 128], strides = [1, 1]} : vector<1024x128xf32> to vector<32x128xf32>
    %reduce_max3A_182 = arith.constant dense<0xFF800000> : vector<128xf32>
    %reduce_max3A_183 = vector.multi_reduction <maximumf>, %slice3A_181, %reduce_max3A_182 [0] : vector<32x128xf32> to vector<128xf32>
    %broadcast_in_dim3A_184 = vector.shape_cast %reduce_max3A_183 : vector<128xf32> to vector<1x128xf32>
    %swap3A_185 = arith.constant 21 : index
    %swap3A_186 = arith.constant 0 : index
    %swap3A_187 = vector.load %arg8[%swap3A_185, %swap3A_186] : memref<32x128xf32, #tpu.memory_space<vmem>>, vector<1x128xf32>
    tpu.vector_store %arg8[%swap3A_185, %swap3A_186], %broadcast_in_dim3A_184 {strides = array<i32>} : memref<32x128xf32, #tpu.memory_space<vmem>>, vector<1x128xf32>,
    %slice3A_188 = vector.extract_strided_slice %max3A_37 {offsets = [704, 0], sizes = [32, 128], strides = [1, 1]} : vector<1024x128xf32> to vector<32x128xf32>
    %reduce_max3A_189 = arith.constant dense<0xFF800000> : vector<128xf32>
    %reduce_max3A_190 = vector.multi_reduction <maximumf>, %slice3A_188, %reduce_max3A_189 [0] : vector<32x128xf32> to vector<128xf32>
    %broadcast_in_dim3A_191 = vector.shape_cast %reduce_max3A_190 : vector<128xf32> to vector<1x128xf32>
    %swap3A_192 = arith.constant 22 : index
    %swap3A_193 = arith.constant 0 : index
    %swap3A_194 = vector.load %arg8[%swap3A_192, %swap3A_193] : memref<32x128xf32, #tpu.memory_space<vmem>>, vector<1x128xf32>
    tpu.vector_store %arg8[%swap3A_192, %swap3A_193], %broadcast_in_dim3A_191 {strides = array<i32>} : memref<32x128xf32, #tpu.memory_space<vmem>>, vector<1x128xf32>,
    %slice3A_195 = vector.extract_strided_slice %max3A_37 {offsets = [736, 0], sizes = [32, 128], strides = [1, 1]} : vector<1024x128xf32> to vector<32x128xf32>
    %reduce_max3A_196 = arith.constant dense<0xFF800000> : vector<128xf32>
    %reduce_max3A_197 = vector.multi_reduction <maximumf>, %slice3A_195, %reduce_max3A_196 [0] : vector<32x128xf32> to vector<128xf32>
    %broadcast_in_dim3A_198 = vector.shape_cast %reduce_max3A_197 : vector<128xf32> to vector<1x128xf32>
    %swap3A_199 = arith.constant 23 : index
    %swap3A_200 = arith.constant 0 : index
    %swap3A_201 = vector.load %arg8[%swap3A_199, %swap3A_200] : memref<32x128xf32, #tpu.memory_space<vmem>>, vector<1x128xf32>
    tpu.vector_store %arg8[%swap3A_199, %swap3A_200], %broadcast_in_dim3A_198 {strides = array<i32>} : memref<32x128xf32, #tpu.memory_space<vmem>>, vector<1x128xf32>,
    %slice3A_202 = vector.extract_strided_slice %max3A_37 {offsets = [768, 0], sizes = [32, 128], strides = [1, 1]} : vector<1024x128xf32> to vector<32x128xf32>
    %reduce_max3A_203 = arith.constant dense<0xFF800000> : vector<128xf32>
    %reduce_max3A_204 = vector.multi_reduction <maximumf>, %slice3A_202, %reduce_max3A_203 [0] : vector<32x128xf32> to vector<128xf32>
    %broadcast_in_dim3A_205 = vector.shape_cast %reduce_max3A_204 : vector<128xf32> to vector<1x128xf32>
    %swap3A_206 = arith.constant 24 : index
    %swap3A_207 = arith.constant 0 : index
    %swap3A_208 = vector.load %arg8[%swap3A_206, %swap3A_207] : memref<32x128xf32, #tpu.memory_space<vmem>>, vector<1x128xf32>
    tpu.vector_store %arg8[%swap3A_206, %swap3A_207], %broadcast_in_dim3A_205 {strides = array<i32>} : memref<32x128xf32, #tpu.memory_space<vmem>>, vector<1x128xf32>,
    %slice3A_209 = vector.extract_strided_slice %max3A_37 {offsets = [800, 0], sizes = [32, 128], strides = [1, 1]} : vector<1024x128xf32> to vector<32x128xf32>
    %reduce_max3A_210 = arith.constant dense<0xFF800000> : vector<128xf32>
    %reduce_max3A_211 = vector.multi_reduction <maximumf>, %slice3A_209, %reduce_max3A_210 [0] : vector<32x128xf32> to vector<128xf32>
    %broadcast_in_dim3A_212 = vector.shape_cast %reduce_max3A_211 : vector<128xf32> to vector<1x128xf32>
    %swap3A_213 = arith.constant 25 : index
    %swap3A_214 = arith.constant 0 : index
    %swap3A_215 = vector.load %arg8[%swap3A_213, %swap3A_214] : memref<32x128xf32, #tpu.memory_space<vmem>>, vector<1x128xf32>
    tpu.vector_store %arg8[%swap3A_213, %swap3A_214], %broadcast_in_dim3A_212 {strides = array<i32>} : memref<32x128xf32, #tpu.memory_space<vmem>>, vector<1x128xf32>,
    %slice3A_216 = vector.extract_strided_slice %max3A_37 {offsets = [832, 0], sizes = [32, 128], strides = [1, 1]} : vector<1024x128xf32> to vector<32x128xf32>
    %reduce_max3A_217 = arith.constant dense<0xFF800000> : vector<128xf32>
    %reduce_max3A_218 = vector.multi_reduction <maximumf>, %slice3A_216, %reduce_max3A_217 [0] : vector<32x128xf32> to vector<128xf32>
    %broadcast_in_dim3A_219 = vector.shape_cast %reduce_max3A_218 : vector<128xf32> to vector<1x128xf32>
    %swap3A_220 = arith.constant 26 : index
    %swap3A_221 = arith.constant 0 : index
    %swap3A_222 = vector.load %arg8[%swap3A_220, %swap3A_221] : memref<32x128xf32, #tpu.memory_space<vmem>>, vector<1x128xf32>
    tpu.vector_store %arg8[%swap3A_220, %swap3A_221], %broadcast_in_dim3A_219 {strides = array<i32>} : memref<32x128xf32, #tpu.memory_space<vmem>>, vector<1x128xf32>,
    %slice3A_223 = vector.extract_strided_slice %max3A_37 {offsets = [864, 0], sizes = [32, 128], strides = [1, 1]} : vector<1024x128xf32> to vector<32x128xf32>
    %reduce_max3A_224 = arith.constant dense<0xFF800000> : vector<128xf32>
    %reduce_max3A_225 = vector.multi_reduction <maximumf>, %slice3A_223, %reduce_max3A_224 [0] : vector<32x128xf32> to vector<128xf32>
    %broadcast_in_dim3A_226 = vector.shape_cast %reduce_max3A_225 : vector<128xf32> to vector<1x128xf32>
    %swap3A_227 = arith.constant 27 : index
    %swap3A_228 = arith.constant 0 : index
    %swap3A_229 = vector.load %arg8[%swap3A_227, %swap3A_228] : memref<32x128xf32, #tpu.memory_space<vmem>>, vector<1x128xf32>
    tpu.vector_store %arg8[%swap3A_227, %swap3A_228], %broadcast_in_dim3A_226 {strides = array<i32>} : memref<32x128xf32, #tpu.memory_space<vmem>>, vector<1x128xf32>,
    %slice3A_230 = vector.extract_strided_slice %max3A_37 {offsets = [896, 0], sizes = [32, 128], strides = [1, 1]} : vector<1024x128xf32> to vector<32x128xf32>
    %reduce_max3A_231 = arith.constant dense<0xFF800000> : vector<128xf32>
    %reduce_max3A_232 = vector.multi_reduction <maximumf>, %slice3A_230, %reduce_max3A_231 [0] : vector<32x128xf32> to vector<128xf32>
    %broadcast_in_dim3A_233 = vector.shape_cast %reduce_max3A_232 : vector<128xf32> to vector<1x128xf32>
    %swap3A_234 = arith.constant 28 : index
    %swap3A_235 = arith.constant 0 : index
    %swap3A_236 = vector.load %arg8[%swap3A_234, %swap3A_235] : memref<32x128xf32, #tpu.memory_space<vmem>>, vector<1x128xf32>
    tpu.vector_store %arg8[%swap3A_234, %swap3A_235], %broadcast_in_dim3A_233 {strides = array<i32>} : memref<32x128xf32, #tpu.memory_space<vmem>>, vector<1x128xf32>,
    %slice3A_237 = vector.extract_strided_slice %max3A_37 {offsets = [928, 0], sizes = [32, 128], strides = [1, 1]} : vector<1024x128xf32> to vector<32x128xf32>
    %reduce_max3A_238 = arith.constant dense<0xFF800000> : vector<128xf32>
    %reduce_max3A_239 = vector.multi_reduction <maximumf>, %slice3A_237, %reduce_max3A_238 [0] : vector<32x128xf32> to vector<128xf32>
    %broadcast_in_dim3A_240 = vector.shape_cast %reduce_max3A_239 : vector<128xf32> to vector<1x128xf32>
    %swap3A_241 = arith.constant 29 : index
    %swap3A_242 = arith.constant 0 : index
    %swap3A_243 = vector.load %arg8[%swap3A_241, %swap3A_242] : memref<32x128xf32, #tpu.memory_space<vmem>>, vector<1x128xf32>
    tpu.vector_store %arg8[%swap3A_241, %swap3A_242], %broadcast_in_dim3A_240 {strides = array<i32>} : memref<32x128xf32, #tpu.memory_space<vmem>>, vector<1x128xf32>,
    %slice3A_244 = vector.extract_strided_slice %max3A_37 {offsets = [960, 0], sizes = [32, 128], strides = [1, 1]} : vector<1024x128xf32> to vector<32x128xf32>
    %reduce_max3A_245 = arith.constant dense<0xFF800000> : vector<128xf32>
    %reduce_max3A_246 = vector.multi_reduction <maximumf>, %slice3A_244, %reduce_max3A_245 [0] : vector<32x128xf32> to vector<128xf32>
    %broadcast_in_dim3A_247 = vector.shape_cast %reduce_max3A_246 : vector<128xf32> to vector<1x128xf32>
    %swap3A_248 = arith.constant 30 : index
    %swap3A_249 = arith.constant 0 : index
    %swap3A_250 = vector.load %arg8[%swap3A_248, %swap3A_249] : memref<32x128xf32, #tpu.memory_space<vmem>>, vector<1x128xf32>
    tpu.vector_store %arg8[%swap3A_248, %swap3A_249], %broadcast_in_dim3A_247 {strides = array<i32>} : memref<32x128xf32, #tpu.memory_space<vmem>>, vector<1x128xf32>,
    %slice3A_251 = vector.extract_strided_slice %max3A_37 {offsets = [992, 0], sizes = [32, 128], strides = [1, 1]} : vector<1024x128xf32> to vector<32x128xf32>
    %reduce_max3A_252 = arith.constant dense<0xFF800000> : vector<128xf32>
    %reduce_max3A_253 = vector.multi_reduction <maximumf>, %slice3A_251, %reduce_max3A_252 [0] : vector<32x128xf32> to vector<128xf32>
    %broadcast_in_dim3A_254 = vector.shape_cast %reduce_max3A_253 : vector<128xf32> to vector<1x128xf32>
    %swap3A_255 = arith.constant 31 : index
    %swap3A_256 = arith.constant 0 : index
    %swap3A_257 = vector.load %arg8[%swap3A_255, %swap3A_256] : memref<32x128xf32, #tpu.memory_space<vmem>>, vector<1x128xf32>
    tpu.vector_store %arg8[%swap3A_255, %swap3A_256], %broadcast_in_dim3A_254 {strides = array<i32>} : memref<32x128xf32, #tpu.memory_space<vmem>>, vector<1x128xf32>,
    return
  }
  func.func @transform_0(%arg0: i32) -> (i32, i32) {
    %c0_i32 = arith.constant 0 : i32
    %c0_i32_0 = arith.constant 0 : i32
    return %arg0, %c0_i32 : i32, i32
  }
  func.func @transform_1(%arg0: i32) -> (i32, i32) {
    %c0_i32 = arith.constant 0 : i32
    %c0_i32_0 = arith.constant 0 : i32
    %c0_i32_1 = arith.constant 0 : i32
    return %c0_i32, %c0_i32_0 : i32, i32
  }
  func.func @transform_2(%arg0: i32) -> (i32, i32) {
    %c0_i32 = arith.constant 0 : i32
    %c0_i32_0 = arith.constant 0 : i32
    %c0_i32_1 = arith.constant 0 : i32
    return %c0_i32, %c0_i32_0 : i32, i32
  }
  func.func @transform_3(%arg0: i32) -> (i32, i32) {
    %c0_i32 = arith.constant 0 : i32
    %c0_i32_0 = arith.constant 0 : i32
    %c0_i32_1 = arith.constant 0 : i32
    return %c0_i32, %c0_i32_0 : i32, i32
  }
  func.func @transform_4(%arg0: i32) -> (i32, i32) {
    %c0_i32 = arith.constant 0 : i32
    %c0_i32_0 = arith.constant 0 : i32
    %c0_i32_1 = arith.constant 0 : i32
    return %c0_i32, %c0_i32_0 : i32, i32
  }
  func.func @transform_5(%arg0: i32) -> (i32, i32) {
    %c0_i32 = arith.constant 0 : i32
    %c0_i32_0 = arith.constant 0 : i32
    %c0_i32_1 = arith.constant 0 : i32
    return %c0_i32, %c0_i32_0 : i32, i32
  }
  func.func @transform_6(%arg0: i32) -> (i32, i32) {
    %c0_i32 = arith.constant 0 : i32
    %c0_i32_0 = arith.constant 0 : i32
    %c0_i32_1 = arith.constant 0 : i32
    return %c0_i32, %c0_i32_0 : i32, i32
  }
  func.func @transform_7(%arg0: i32) -> (i32, i32) {
    %c0_i32 = arith.constant 0 : i32
    %c0_i32_0 = arith.constant 0 : i32
    return %arg0, %c0_i32 : i32, i32
  }
}

module attributes {stable_mosaic.version = 14 : i64} {
  func.func @_mlp_stack_body(%arg0: i32, %arg1: memref<512x323xf32, #tpu.memory_space<vmem>>, %arg2: memref<323x64xf32, #tpu.memory_space<vmem>>, %arg3: memref<1x64xf32, #tpu.memory_space<vmem>>, %arg4: memref<512x64xf32, #tpu.memory_space<vmem>>) attributes {dimension_semantics = [#tpu.dimension_semantics<arbitrary>], iteration_bounds = array<i64: 8>, scalar_prefetch = 0 : i64, scratch_operands = 0 : i64, tpu.core_type = #tpu.core_type<tc>, window_params = [{transform_indices = @transform_0, window_bounds = array<i64: 512, 323>}, {pipeline_mode = #tpu.pipeline_mode<synchronous>, transform_indices = @transform_1, window_bounds = array<i64: 323, 64>}, {pipeline_mode = #tpu.pipeline_mode<synchronous>, transform_indices = @transform_2, window_bounds = array<i64: 1, 64>}, {transform_indices = @transform_3, window_bounds = array<i64: 512, 64>}]} {
    %get3A = arith.constant 0 : index
    %get3A_0 = arith.constant 0 : index
    %get3A_1 = vector.load %arg1[%get3A, %get3A_0] : memref<512x323xf32, #tpu.memory_space<vmem>>, vector<512x323xf32>
    %get3A_2 = arith.constant 0 : index
    %get3A_3 = arith.constant 0 : index
    %get3A_4 = vector.load %arg2[%get3A_2, %get3A_3] : memref<323x64xf32, #tpu.memory_space<vmem>>, vector<323x64xf32>
    %get3A_5 = arith.constant 0 : index
    %get3A_6 = arith.constant 0 : index
    %get3A_7 = vector.load %arg3[%get3A_5, %get3A_6] : memref<1x64xf32, #tpu.memory_space<vmem>>, vector<1x64xf32>
    %dot_general3A = arith.constant dense<0.000000e+00> : vector<512x64xf32>
    %dot_general3A_8 = tpu.matmul %get3A_1, %get3A_4, %dot_general3A {dimension_numbers = #tpu.dot_dimension_numbers<[1], [0], [0], [1], [0, 0, 1, 1], [], []>, transpose_lhs_hint = false} : vector<512x323xf32>, vector<323x64xf32>, vector<512x64xf32> -> vector<512x64xf32>
    %add3A = vector.broadcast %get3A_7 : vector<1x64xf32> to vector<512x64xf32>
    %add3A_9 = arith.addf %dot_general3A_8, %add3A : vector<512x64xf32>
    %swap3A = arith.constant 0 : index
    %swap3A_10 = arith.constant 0 : index
    %swap3A_11 = vector.load %arg4[%swap3A, %swap3A_10] : memref<512x64xf32, #tpu.memory_space<vmem>>, vector<512x64xf32>
    tpu.vector_store %arg4[%swap3A, %swap3A_10], %add3A_9 {strides = array<i32>} : memref<512x64xf32, #tpu.memory_space<vmem>>, vector<512x64xf32>,
    return
  }
  func.func @transform_0(%arg0: i32) -> (i32, i32) {
    %c0_i32 = arith.constant 0 : i32
    %c0_i32_0 = arith.constant 0 : i32
    return %arg0, %c0_i32 : i32, i32
  }
  func.func @transform_1(%arg0: i32) -> (i32, i32) {
    %c0_i32 = arith.constant 0 : i32
    %c0_i32_0 = arith.constant 0 : i32
    %c0_i32_1 = arith.constant 0 : i32
    return %c0_i32, %c0_i32_0 : i32, i32
  }
  func.func @transform_2(%arg0: i32) -> (i32, i32) {
    %c0_i32 = arith.constant 0 : i32
    %c0_i32_0 = arith.constant 0 : i32
    %c0_i32_1 = arith.constant 0 : i32
    return %c0_i32, %c0_i32_0 : i32, i32
  }
  func.func @transform_3(%arg0: i32) -> (i32, i32) {
    %c0_i32 = arith.constant 0 : i32
    %c0_i32_0 = arith.constant 0 : i32
    return %arg0, %c0_i32 : i32, i32
  }
}

module attributes {stable_mosaic.version = 14 : i64} {
  func.func @_mlp_stack_body(%arg0: i32, %arg1: memref<512x323xf32, #tpu.memory_space<vmem>>, %arg2: memref<323x128xf32, #tpu.memory_space<vmem>>, %arg3: memref<1x128xf32, #tpu.memory_space<vmem>>, %arg4: memref<512x128xf32, #tpu.memory_space<vmem>>) attributes {dimension_semantics = [#tpu.dimension_semantics<arbitrary>], iteration_bounds = array<i64: 8>, scalar_prefetch = 0 : i64, scratch_operands = 0 : i64, tpu.core_type = #tpu.core_type<tc>, window_params = [{transform_indices = @transform_0, window_bounds = array<i64: 512, 323>}, {pipeline_mode = #tpu.pipeline_mode<synchronous>, transform_indices = @transform_1, window_bounds = array<i64: 323, 128>}, {pipeline_mode = #tpu.pipeline_mode<synchronous>, transform_indices = @transform_2, window_bounds = array<i64: 1, 128>}, {transform_indices = @transform_3, window_bounds = array<i64: 512, 128>}]} {
    %get3A = arith.constant 0 : index
    %get3A_0 = arith.constant 0 : index
    %get3A_1 = vector.load %arg1[%get3A, %get3A_0] : memref<512x323xf32, #tpu.memory_space<vmem>>, vector<512x323xf32>
    %get3A_2 = arith.constant 0 : index
    %get3A_3 = arith.constant 0 : index
    %get3A_4 = vector.load %arg2[%get3A_2, %get3A_3] : memref<323x128xf32, #tpu.memory_space<vmem>>, vector<323x128xf32>
    %get3A_5 = arith.constant 0 : index
    %get3A_6 = arith.constant 0 : index
    %get3A_7 = vector.load %arg3[%get3A_5, %get3A_6] : memref<1x128xf32, #tpu.memory_space<vmem>>, vector<1x128xf32>
    %dot_general3A = arith.constant dense<0.000000e+00> : vector<512x128xf32>
    %dot_general3A_8 = tpu.matmul %get3A_1, %get3A_4, %dot_general3A {dimension_numbers = #tpu.dot_dimension_numbers<[1], [0], [0], [1], [0, 0, 1, 1], [], []>, transpose_lhs_hint = false} : vector<512x323xf32>, vector<323x128xf32>, vector<512x128xf32> -> vector<512x128xf32>
    %add3A = vector.broadcast %get3A_7 : vector<1x128xf32> to vector<512x128xf32>
    %add3A_9 = arith.addf %dot_general3A_8, %add3A : vector<512x128xf32>
    %swap3A = arith.constant 0 : index
    %swap3A_10 = arith.constant 0 : index
    %swap3A_11 = vector.load %arg4[%swap3A, %swap3A_10] : memref<512x128xf32, #tpu.memory_space<vmem>>, vector<512x128xf32>
    tpu.vector_store %arg4[%swap3A, %swap3A_10], %add3A_9 {strides = array<i32>} : memref<512x128xf32, #tpu.memory_space<vmem>>, vector<512x128xf32>,
    return
  }
  func.func @transform_0(%arg0: i32) -> (i32, i32) {
    %c0_i32 = arith.constant 0 : i32
    %c0_i32_0 = arith.constant 0 : i32
    return %arg0, %c0_i32 : i32, i32
  }
  func.func @transform_1(%arg0: i32) -> (i32, i32) {
    %c0_i32 = arith.constant 0 : i32
    %c0_i32_0 = arith.constant 0 : i32
    %c0_i32_1 = arith.constant 0 : i32
    return %c0_i32, %c0_i32_0 : i32, i32
  }
  func.func @transform_2(%arg0: i32) -> (i32, i32) {
    %c0_i32 = arith.constant 0 : i32
    %c0_i32_0 = arith.constant 0 : i32
    %c0_i32_1 = arith.constant 0 : i32
    return %c0_i32, %c0_i32_0 : i32, i32
  }
  func.func @transform_3(%arg0: i32) -> (i32, i32) {
    %c0_i32 = arith.constant 0 : i32
    %c0_i32_0 = arith.constant 0 : i32
    return %arg0, %c0_i32 : i32, i32
  }
}

module attributes {stable_mosaic.version = 14 : i64} {
  func.func @_g2_body(%arg0: i32, %arg1: i32, %arg2: memref<1x512x128xf32, #tpu.memory_space<vmem>>, %arg3: memref<1x4x128xf32, #tpu.memory_space<vmem>>, %arg4: memref<512x1xi32, #tpu.memory_space<vmem>>, %arg5: memref<128x128xf32, #tpu.memory_space<vmem>>, %arg6: memref<1x128xf32, #tpu.memory_space<vmem>>, %arg7: memref<128x256xf32, #tpu.memory_space<vmem>>, %arg8: memref<1x256xf32, #tpu.memory_space<vmem>>, %arg9: memref<1x4x256xf32, #tpu.memory_space<vmem>>) attributes {dimension_semantics = [#tpu.dimension_semantics<arbitrary>, #tpu.dimension_semantics<arbitrary>], iteration_bounds = array<i64: 8, 32>, scalar_prefetch = 0 : i64, scratch_operands = 0 : i64, tpu.core_type = #tpu.core_type<tc>, window_params = [{transform_indices = @transform_0, window_bounds = array<i64: 1, 512, 128>}, {transform_indices = @transform_1, window_bounds = array<i64: 1, 4, 128>}, {transform_indices = @transform_2, window_bounds = array<i64: 512, 1>}, {pipeline_mode = #tpu.pipeline_mode<synchronous>, transform_indices = @transform_3, window_bounds = array<i64: 128, 128>}, {pipeline_mode = #tpu.pipeline_mode<synchronous>, transform_indices = @transform_4, window_bounds = array<i64: 1, 128>}, {pipeline_mode = #tpu.pipeline_mode<synchronous>, transform_indices = @transform_5, window_bounds = array<i64: 128, 256>}, {pipeline_mode = #tpu.pipeline_mode<synchronous>, transform_indices = @transform_6, window_bounds = array<i64: 1, 256>}, {transform_indices = @transform_7, window_bounds = array<i64: 1, 4, 256>}]} {
    %get3A = arith.constant 0 : index
    %get3A_0 = arith.constant 0 : index
    %get3A_1 = arith.constant 0 : index
    %get3A_2 = vector.load %arg2[%get3A, %get3A_0, %get3A_1] : memref<1x512x128xf32, #tpu.memory_space<vmem>>, vector<1x512x128xf32>
    %get3A_3 = vector.shape_cast %get3A_2 : vector<1x512x128xf32> to vector<512x128xf32>
    %get3A_4 = arith.constant 0 : index
    %get3A_5 = arith.constant 0 : index
    %get3A_6 = vector.load %arg4[%get3A_4, %get3A_5] : memref<512x1xi32, #tpu.memory_space<vmem>>, vector<512x1xi32>
    %iota3A = tpu.iota {dimensions = array<i32: 1>} : vector<512x512xi32>
    %eq3A = vector.broadcast %get3A_6 : vector<512x1xi32> to vector<512x512xi32>
    %eq3A_7 = arith.cmpi eq, %eq3A, %iota3A : vector<512x512xi32>
    %jit3A = arith.constant 1.000000e+00 : f32
    %jit3A_8 = arith.constant 0.000000e+00 : f32
    %broadcast_in_dim3A = vector.broadcast %jit3A : f32 to vector<512x512xf32>
    %broadcast_in_dim3A_9 = vector.broadcast %jit3A_8 : f32 to vector<512x512xf32>
    %select_n3A = arith.select %eq3A_7, %broadcast_in_dim3A, %broadcast_in_dim3A_9 : vector<512x512xi1>, vector<512x512xf32>
    %dot_general3A = arith.constant dense<0.000000e+00> : vector<512x128xf32>
    %dot_general3A_10 = tpu.matmul %select_n3A, %get3A_3, %dot_general3A {dimension_numbers = #tpu.dot_dimension_numbers<[1], [0], [0], [1], [0, 0, 1, 1], [], []>, transpose_lhs_hint = false} : vector<512x512xf32>, vector<512x128xf32>, vector<512x128xf32> -> vector<512x128xf32>
    %iota3A_11 = tpu.iota {dimensions = array<i32: 0>} : vector<512x1xi32>
    %jit3A_12 = arith.constant 128 : i32
    %div3A = vector.broadcast %jit3A_12 : i32 to vector<512x1xi32>
    %div3A_13 = arith.divsi %iota3A_11, %div3A : vector<512x1xi32>
    %sign3A = arith.constant 0 : i32
    %sign3A_14 = vector.broadcast %sign3A : i32 to vector<512x1xi32>
    %sign3A_15 = arith.cmpi sgt, %iota3A_11, %sign3A_14 : vector<512x1xi32>
    %sign3A_16 = arith.extui %sign3A_15 : vector<512x1xi1> to vector<512x1xi32>
    %sign3A_17 = arith.constant 0 : i32
    %sign3A_18 = vector.broadcast %sign3A_17 : i32 to vector<512x1xi32>
    %sign3A_19 = arith.cmpi slt, %iota3A_11, %sign3A_18 : vector<512x1xi32>
    %sign3A_20 = arith.extui %sign3A_19 : vector<512x1xi1> to vector<512x1xi32>
    %sign3A_21 = arith.subi %sign3A_16, %sign3A_20 : vector<512x1xi32>
    %sign3A_22 = arith.constant 0 : i32
    %sign3A_23 = arith.cmpi sgt, %jit3A_12, %sign3A_22 : i32
    %sign3A_24 = arith.extui %sign3A_23 : i1 to i32
    %sign3A_25 = arith.constant 0 : i32
    %sign3A_26 = arith.cmpi slt, %jit3A_12, %sign3A_25 : i32
    %sign3A_27 = arith.extui %sign3A_26 : i1 to i32
    %sign3A_28 = arith.subi %sign3A_24, %sign3A_27 : i32
    %ne3A = vector.broadcast %sign3A_28 : i32 to vector<512x1xi32>
    %ne3A_29 = arith.cmpi ne, %sign3A_21, %ne3A : vector<512x1xi32>
    %rem3A = vector.broadcast %jit3A_12 : i32 to vector<512x1xi32>
    %rem3A_30 = arith.remsi %iota3A_11, %rem3A : vector<512x1xi32>
    %ne3A_31 = arith.constant 0 : i32
    %ne3A_32 = vector.broadcast %ne3A_31 : i32 to vector<512x1xi32>
    %ne3A_33 = arith.cmpi ne, %rem3A_30, %ne3A_32 : vector<512x1xi32>
    %and3A = arith.andi %ne3A_29, %ne3A_33 : vector<512x1xi1>
    %sub3A = arith.constant 1 : i32
    %sub3A_34 = vector.broadcast %sub3A : i32 to vector<512x1xi32>
    %sub3A_35 = arith.subi %div3A_13, %sub3A_34 : vector<512x1xi32>
    %select_n3A_36 = arith.select %and3A, %sub3A_35, %div3A_13 : vector<512x1xi1>, vector<512x1xi32>
    %iota3A_37 = tpu.iota {dimensions = array<i32: 1>} : vector<512x4xi32>
    %eq3A_38 = vector.broadcast %select_n3A_36 : vector<512x1xi32> to vector<512x4xi32>
    %eq3A_39 = arith.cmpi eq, %eq3A_38, %iota3A_37 : vector<512x4xi32>
    %jit3A_40 = arith.constant 1.000000e+00 : f32
    %jit3A_41 = arith.constant 0.000000e+00 : f32
    %broadcast_in_dim3A_42 = vector.broadcast %jit3A_40 : f32 to vector<512x4xf32>
    %broadcast_in_dim3A_43 = vector.broadcast %jit3A_41 : f32 to vector<512x4xf32>
    %select_n3A_44 = arith.select %eq3A_39, %broadcast_in_dim3A_42, %broadcast_in_dim3A_43 : vector<512x4xi1>, vector<512x4xf32>
    %get3A_45 = arith.constant 0 : index
    %get3A_46 = arith.constant 0 : index
    %get3A_47 = arith.constant 0 : index
    %get3A_48 = vector.load %arg3[%get3A_45, %get3A_46, %get3A_47] : memref<1x4x128xf32, #tpu.memory_space<vmem>>, vector<1x4x128xf32>
    %get3A_49 = vector.shape_cast %get3A_48 : vector<1x4x128xf32> to vector<4x128xf32>
    %dot_general3A_50 = arith.constant dense<0.000000e+00> : vector<512x128xf32>
    %dot_general3A_51 = tpu.matmul %select_n3A_44, %get3A_49, %dot_general3A_50 {dimension_numbers = #tpu.dot_dimension_numbers<[1], [0], [0], [1], [0, 0, 1, 1], [], []>, transpose_lhs_hint = false} : vector<512x4xf32>, vector<4x128xf32>, vector<512x128xf32> -> vector<512x128xf32>
    %sub3A_52 = arith.subf %dot_general3A_10, %dot_general3A_51 : vector<512x128xf32>
    %max3A = arith.constant 0.000000e+00 : f32
    %max3A_53 = vector.broadcast %max3A : f32 to vector<512x128xf32>
    %max3A_54 = arith.maximumf %sub3A_52, %max3A_53 : vector<512x128xf32>
    %get3A_55 = arith.constant 0 : index
    %get3A_56 = arith.constant 0 : index
    %get3A_57 = vector.load %arg5[%get3A_55, %get3A_56] : memref<128x128xf32, #tpu.memory_space<vmem>>, vector<128x128xf32>
    %dot_general3A_58 = arith.constant dense<0.000000e+00> : vector<512x128xf32>
    %dot_general3A_59 = tpu.matmul %max3A_54, %get3A_57, %dot_general3A_58 {dimension_numbers = #tpu.dot_dimension_numbers<[1], [0], [0], [1], [0, 0, 1, 1], [], []>, transpose_lhs_hint = false} : vector<512x128xf32>, vector<128x128xf32>, vector<512x128xf32> -> vector<512x128xf32>
    %get3A_60 = arith.constant 0 : index
    %get3A_61 = arith.constant 0 : index
    %get3A_62 = vector.load %arg6[%get3A_60, %get3A_61] : memref<1x128xf32, #tpu.memory_space<vmem>>, vector<1x128xf32>
    %add3A = vector.broadcast %get3A_62 : vector<1x128xf32> to vector<512x128xf32>
    %add3A_63 = arith.addf %dot_general3A_59, %add3A : vector<512x128xf32>
    %max3A_64 = arith.constant 0.000000e+00 : f32
    %max3A_65 = vector.broadcast %max3A_64 : f32 to vector<512x128xf32>
    %max3A_66 = arith.maximumf %add3A_63, %max3A_65 : vector<512x128xf32>
    %get3A_67 = arith.constant 0 : index
    %get3A_68 = arith.constant 0 : index
    %get3A_69 = vector.load %arg7[%get3A_67, %get3A_68] : memref<128x256xf32, #tpu.memory_space<vmem>>, vector<128x256xf32>
    %dot_general3A_70 = arith.constant dense<0.000000e+00> : vector<512x256xf32>
    %dot_general3A_71 = tpu.matmul %max3A_66, %get3A_69, %dot_general3A_70 {dimension_numbers = #tpu.dot_dimension_numbers<[1], [0], [0], [1], [0, 0, 1, 1], [], []>, transpose_lhs_hint = false} : vector<512x128xf32>, vector<128x256xf32>, vector<512x256xf32> -> vector<512x256xf32>
    %get3A_72 = arith.constant 0 : index
    %get3A_73 = arith.constant 0 : index
    %get3A_74 = vector.load %arg8[%get3A_72, %get3A_73] : memref<1x256xf32, #tpu.memory_space<vmem>>, vector<1x256xf32>
    %add3A_75 = vector.broadcast %get3A_74 : vector<1x256xf32> to vector<512x256xf32>
    %add3A_76 = arith.addf %dot_general3A_71, %add3A_75 : vector<512x256xf32>
    %max3A_77 = arith.constant 0.000000e+00 : f32
    %max3A_78 = vector.broadcast %max3A_77 : f32 to vector<512x256xf32>
    %max3A_79 = arith.maximumf %add3A_76, %max3A_78 : vector<512x256xf32>
    %slice3A = vector.extract_strided_slice %max3A_79 {offsets = [0, 0], sizes = [128, 256], strides = [1, 1]} : vector<512x256xf32> to vector<128x256xf32>
    %reduce_max3A = arith.constant dense<0xFF800000> : vector<256xf32>
    %reduce_max3A_80 = vector.multi_reduction <maximumf>, %slice3A, %reduce_max3A [0] : vector<128x256xf32> to vector<256xf32>
    %broadcast_in_dim3A_81 = vector.shape_cast %reduce_max3A_80 : vector<256xf32> to vector<1x256xf32>
    %swap3A = arith.constant 0 : index
    %swap3A_82 = arith.constant 0 : index
    %swap3A_83 = arith.constant 0 : index
    %swap3A_84 = vector.load %arg9[%swap3A, %swap3A_82, %swap3A_83] : memref<1x4x256xf32, #tpu.memory_space<vmem>>, vector<1x1x256xf32>
    %swap3A_85 = vector.shape_cast %swap3A_84 : vector<1x1x256xf32> to vector<1x256xf32>
    %swap3A_86 = vector.shape_cast %broadcast_in_dim3A_81 : vector<1x256xf32> to vector<1x1x256xf32>
    tpu.vector_store %arg9[%swap3A, %swap3A_82, %swap3A_83], %swap3A_86 {strides = array<i32>} : memref<1x4x256xf32, #tpu.memory_space<vmem>>, vector<1x1x256xf32>,
    %slice3A_87 = vector.extract_strided_slice %max3A_79 {offsets = [128, 0], sizes = [128, 256], strides = [1, 1]} : vector<512x256xf32> to vector<128x256xf32>
    %reduce_max3A_88 = arith.constant dense<0xFF800000> : vector<256xf32>
    %reduce_max3A_89 = vector.multi_reduction <maximumf>, %slice3A_87, %reduce_max3A_88 [0] : vector<128x256xf32> to vector<256xf32>
    %broadcast_in_dim3A_90 = vector.shape_cast %reduce_max3A_89 : vector<256xf32> to vector<1x256xf32>
    %swap3A_91 = arith.constant 0 : index
    %swap3A_92 = arith.constant 1 : index
    %swap3A_93 = arith.constant 0 : index
    %swap3A_94 = vector.load %arg9[%swap3A_91, %swap3A_92, %swap3A_93] : memref<1x4x256xf32, #tpu.memory_space<vmem>>, vector<1x1x256xf32>
    %swap3A_95 = vector.shape_cast %swap3A_94 : vector<1x1x256xf32> to vector<1x256xf32>
    %swap3A_96 = vector.shape_cast %broadcast_in_dim3A_90 : vector<1x256xf32> to vector<1x1x256xf32>
    tpu.vector_store %arg9[%swap3A_91, %swap3A_92, %swap3A_93], %swap3A_96 {strides = array<i32>} : memref<1x4x256xf32, #tpu.memory_space<vmem>>, vector<1x1x256xf32>,
    %slice3A_97 = vector.extract_strided_slice %max3A_79 {offsets = [256, 0], sizes = [128, 256], strides = [1, 1]} : vector<512x256xf32> to vector<128x256xf32>
    %reduce_max3A_98 = arith.constant dense<0xFF800000> : vector<256xf32>
    %reduce_max3A_99 = vector.multi_reduction <maximumf>, %slice3A_97, %reduce_max3A_98 [0] : vector<128x256xf32> to vector<256xf32>
    %broadcast_in_dim3A_100 = vector.shape_cast %reduce_max3A_99 : vector<256xf32> to vector<1x256xf32>
    %swap3A_101 = arith.constant 0 : index
    %swap3A_102 = arith.constant 2 : index
    %swap3A_103 = arith.constant 0 : index
    %swap3A_104 = vector.load %arg9[%swap3A_101, %swap3A_102, %swap3A_103] : memref<1x4x256xf32, #tpu.memory_space<vmem>>, vector<1x1x256xf32>
    %swap3A_105 = vector.shape_cast %swap3A_104 : vector<1x1x256xf32> to vector<1x256xf32>
    %swap3A_106 = vector.shape_cast %broadcast_in_dim3A_100 : vector<1x256xf32> to vector<1x1x256xf32>
    tpu.vector_store %arg9[%swap3A_101, %swap3A_102, %swap3A_103], %swap3A_106 {strides = array<i32>} : memref<1x4x256xf32, #tpu.memory_space<vmem>>, vector<1x1x256xf32>,
    %slice3A_107 = vector.extract_strided_slice %max3A_79 {offsets = [384, 0], sizes = [128, 256], strides = [1, 1]} : vector<512x256xf32> to vector<128x256xf32>
    %reduce_max3A_108 = arith.constant dense<0xFF800000> : vector<256xf32>
    %reduce_max3A_109 = vector.multi_reduction <maximumf>, %slice3A_107, %reduce_max3A_108 [0] : vector<128x256xf32> to vector<256xf32>
    %broadcast_in_dim3A_110 = vector.shape_cast %reduce_max3A_109 : vector<256xf32> to vector<1x256xf32>
    %swap3A_111 = arith.constant 0 : index
    %swap3A_112 = arith.constant 3 : index
    %swap3A_113 = arith.constant 0 : index
    %swap3A_114 = vector.load %arg9[%swap3A_111, %swap3A_112, %swap3A_113] : memref<1x4x256xf32, #tpu.memory_space<vmem>>, vector<1x1x256xf32>
    %swap3A_115 = vector.shape_cast %swap3A_114 : vector<1x1x256xf32> to vector<1x256xf32>
    %swap3A_116 = vector.shape_cast %broadcast_in_dim3A_110 : vector<1x256xf32> to vector<1x1x256xf32>
    tpu.vector_store %arg9[%swap3A_111, %swap3A_112, %swap3A_113], %swap3A_116 {strides = array<i32>} : memref<1x4x256xf32, #tpu.memory_space<vmem>>, vector<1x1x256xf32>,
    return
  }
  func.func @transform_0(%arg0: i32, %arg1: i32) -> (i32, i32, i32) {
    %c0_i32 = arith.constant 0 : i32
    %c0_i32_0 = arith.constant 0 : i32
    %c0_i32_1 = arith.constant 0 : i32
    return %arg0, %c0_i32, %c0_i32_0 : i32, i32, i32
  }
  func.func @transform_1(%arg0: i32, %arg1: i32) -> (i32, i32, i32) {
    %mul3A = arith.constant 32 : i32
    %mul3A_0 = arith.muli %arg0, %mul3A : i32
    %add3A = arith.addi %mul3A_0, %arg1 : i32
    %c0_i32 = arith.constant 0 : i32
    %c0_i32_1 = arith.constant 0 : i32
    %c0_i32_2 = arith.constant 0 : i32
    return %add3A, %c0_i32, %c0_i32_1 : i32, i32, i32
  }
  func.func @transform_2(%arg0: i32, %arg1: i32) -> (i32, i32) {
    %mul3A = arith.constant 32 : i32
    %mul3A_0 = arith.muli %arg0, %mul3A : i32
    %add3A = arith.addi %mul3A_0, %arg1 : i32
    %c0_i32 = arith.constant 0 : i32
    %c0_i32_1 = arith.constant 0 : i32
    return %add3A, %c0_i32 : i32, i32
  }
  func.func @transform_3(%arg0: i32, %arg1: i32) -> (i32, i32) {
    %c0_i32 = arith.constant 0 : i32
    %c0_i32_0 = arith.constant 0 : i32
    %c0_i32_1 = arith.constant 0 : i32
    return %c0_i32, %c0_i32_0 : i32, i32
  }
  func.func @transform_4(%arg0: i32, %arg1: i32) -> (i32, i32) {
    %c0_i32 = arith.constant 0 : i32
    %c0_i32_0 = arith.constant 0 : i32
    %c0_i32_1 = arith.constant 0 : i32
    return %c0_i32, %c0_i32_0 : i32, i32
  }
  func.func @transform_5(%arg0: i32, %arg1: i32) -> (i32, i32) {
    %c0_i32 = arith.constant 0 : i32
    %c0_i32_0 = arith.constant 0 : i32
    %c0_i32_1 = arith.constant 0 : i32
    return %c0_i32, %c0_i32_0 : i32, i32
  }
  func.func @transform_6(%arg0: i32, %arg1: i32) -> (i32, i32) {
    %c0_i32 = arith.constant 0 : i32
    %c0_i32_0 = arith.constant 0 : i32
    %c0_i32_1 = arith.constant 0 : i32
    return %c0_i32, %c0_i32_0 : i32, i32
  }
  func.func @transform_7(%arg0: i32, %arg1: i32) -> (i32, i32, i32) {
    %mul3A = arith.constant 32 : i32
    %mul3A_0 = arith.muli %arg0, %mul3A : i32
    %add3A = arith.addi %mul3A_0, %arg1 : i32
    %c0_i32 = arith.constant 0 : i32
    %c0_i32_1 = arith.constant 0 : i32
    %c0_i32_2 = arith.constant 0 : i32
    return %add3A, %c0_i32, %c0_i32_1 : i32, i32, i32
  }
}

module attributes {stable_mosaic.version = 14 : i64} {
  func.func @_g2_body(%arg0: i32, %arg1: i32, %arg2: memref<1x512x64xf32, #tpu.memory_space<vmem>>, %arg3: memref<1x16x64xf32, #tpu.memory_space<vmem>>, %arg4: memref<512x1xi32, #tpu.memory_space<vmem>>, %arg5: memref<64x64xf32, #tpu.memory_space<vmem>>, %arg6: memref<1x64xf32, #tpu.memory_space<vmem>>, %arg7: memref<64x128xf32, #tpu.memory_space<vmem>>, %arg8: memref<1x128xf32, #tpu.memory_space<vmem>>, %arg9: memref<1x16x128xf32, #tpu.memory_space<vmem>>) attributes {dimension_semantics = [#tpu.dimension_semantics<arbitrary>, #tpu.dimension_semantics<arbitrary>], iteration_bounds = array<i64: 8, 8>, scalar_prefetch = 0 : i64, scratch_operands = 0 : i64, tpu.core_type = #tpu.core_type<tc>, window_params = [{transform_indices = @transform_0, window_bounds = array<i64: 1, 512, 64>}, {transform_indices = @transform_1, window_bounds = array<i64: 1, 16, 64>}, {transform_indices = @transform_2, window_bounds = array<i64: 512, 1>}, {pipeline_mode = #tpu.pipeline_mode<synchronous>, transform_indices = @transform_3, window_bounds = array<i64: 64, 64>}, {pipeline_mode = #tpu.pipeline_mode<synchronous>, transform_indices = @transform_4, window_bounds = array<i64: 1, 64>}, {pipeline_mode = #tpu.pipeline_mode<synchronous>, transform_indices = @transform_5, window_bounds = array<i64: 64, 128>}, {pipeline_mode = #tpu.pipeline_mode<synchronous>, transform_indices = @transform_6, window_bounds = array<i64: 1, 128>}, {transform_indices = @transform_7, window_bounds = array<i64: 1, 16, 128>}]} {
    %get3A = arith.constant 0 : index
    %get3A_0 = arith.constant 0 : index
    %get3A_1 = arith.constant 0 : index
    %get3A_2 = vector.load %arg2[%get3A, %get3A_0, %get3A_1] : memref<1x512x64xf32, #tpu.memory_space<vmem>>, vector<1x512x64xf32>
    %get3A_3 = vector.shape_cast %get3A_2 : vector<1x512x64xf32> to vector<512x64xf32>
    %get3A_4 = arith.constant 0 : index
    %get3A_5 = arith.constant 0 : index
    %get3A_6 = vector.load %arg4[%get3A_4, %get3A_5] : memref<512x1xi32, #tpu.memory_space<vmem>>, vector<512x1xi32>
    %iota3A = tpu.iota {dimensions = array<i32: 1>} : vector<512x512xi32>
    %eq3A = vector.broadcast %get3A_6 : vector<512x1xi32> to vector<512x512xi32>
    %eq3A_7 = arith.cmpi eq, %eq3A, %iota3A : vector<512x512xi32>
    %jit3A = arith.constant 1.000000e+00 : f32
    %jit3A_8 = arith.constant 0.000000e+00 : f32
    %broadcast_in_dim3A = vector.broadcast %jit3A : f32 to vector<512x512xf32>
    %broadcast_in_dim3A_9 = vector.broadcast %jit3A_8 : f32 to vector<512x512xf32>
    %select_n3A = arith.select %eq3A_7, %broadcast_in_dim3A, %broadcast_in_dim3A_9 : vector<512x512xi1>, vector<512x512xf32>
    %dot_general3A = arith.constant dense<0.000000e+00> : vector<512x64xf32>
    %dot_general3A_10 = tpu.matmul %select_n3A, %get3A_3, %dot_general3A {dimension_numbers = #tpu.dot_dimension_numbers<[1], [0], [0], [1], [0, 0, 1, 1], [], []>, transpose_lhs_hint = false} : vector<512x512xf32>, vector<512x64xf32>, vector<512x64xf32> -> vector<512x64xf32>
    %iota3A_11 = tpu.iota {dimensions = array<i32: 0>} : vector<512x1xi32>
    %jit3A_12 = arith.constant 32 : i32
    %div3A = vector.broadcast %jit3A_12 : i32 to vector<512x1xi32>
    %div3A_13 = arith.divsi %iota3A_11, %div3A : vector<512x1xi32>
    %sign3A = arith.constant 0 : i32
    %sign3A_14 = vector.broadcast %sign3A : i32 to vector<512x1xi32>
    %sign3A_15 = arith.cmpi sgt, %iota3A_11, %sign3A_14 : vector<512x1xi32>
    %sign3A_16 = arith.extui %sign3A_15 : vector<512x1xi1> to vector<512x1xi32>
    %sign3A_17 = arith.constant 0 : i32
    %sign3A_18 = vector.broadcast %sign3A_17 : i32 to vector<512x1xi32>
    %sign3A_19 = arith.cmpi slt, %iota3A_11, %sign3A_18 : vector<512x1xi32>
    %sign3A_20 = arith.extui %sign3A_19 : vector<512x1xi1> to vector<512x1xi32>
    %sign3A_21 = arith.subi %sign3A_16, %sign3A_20 : vector<512x1xi32>
    %sign3A_22 = arith.constant 0 : i32
    %sign3A_23 = arith.cmpi sgt, %jit3A_12, %sign3A_22 : i32
    %sign3A_24 = arith.extui %sign3A_23 : i1 to i32
    %sign3A_25 = arith.constant 0 : i32
    %sign3A_26 = arith.cmpi slt, %jit3A_12, %sign3A_25 : i32
    %sign3A_27 = arith.extui %sign3A_26 : i1 to i32
    %sign3A_28 = arith.subi %sign3A_24, %sign3A_27 : i32
    %ne3A = vector.broadcast %sign3A_28 : i32 to vector<512x1xi32>
    %ne3A_29 = arith.cmpi ne, %sign3A_21, %ne3A : vector<512x1xi32>
    %rem3A = vector.broadcast %jit3A_12 : i32 to vector<512x1xi32>
    %rem3A_30 = arith.remsi %iota3A_11, %rem3A : vector<512x1xi32>
    %ne3A_31 = arith.constant 0 : i32
    %ne3A_32 = vector.broadcast %ne3A_31 : i32 to vector<512x1xi32>
    %ne3A_33 = arith.cmpi ne, %rem3A_30, %ne3A_32 : vector<512x1xi32>
    %and3A = arith.andi %ne3A_29, %ne3A_33 : vector<512x1xi1>
    %sub3A = arith.constant 1 : i32
    %sub3A_34 = vector.broadcast %sub3A : i32 to vector<512x1xi32>
    %sub3A_35 = arith.subi %div3A_13, %sub3A_34 : vector<512x1xi32>
    %select_n3A_36 = arith.select %and3A, %sub3A_35, %div3A_13 : vector<512x1xi1>, vector<512x1xi32>
    %iota3A_37 = tpu.iota {dimensions = array<i32: 1>} : vector<512x16xi32>
    %eq3A_38 = vector.broadcast %select_n3A_36 : vector<512x1xi32> to vector<512x16xi32>
    %eq3A_39 = arith.cmpi eq, %eq3A_38, %iota3A_37 : vector<512x16xi32>
    %jit3A_40 = arith.constant 1.000000e+00 : f32
    %jit3A_41 = arith.constant 0.000000e+00 : f32
    %broadcast_in_dim3A_42 = vector.broadcast %jit3A_40 : f32 to vector<512x16xf32>
    %broadcast_in_dim3A_43 = vector.broadcast %jit3A_41 : f32 to vector<512x16xf32>
    %select_n3A_44 = arith.select %eq3A_39, %broadcast_in_dim3A_42, %broadcast_in_dim3A_43 : vector<512x16xi1>, vector<512x16xf32>
    %get3A_45 = arith.constant 0 : index
    %get3A_46 = arith.constant 0 : index
    %get3A_47 = arith.constant 0 : index
    %get3A_48 = vector.load %arg3[%get3A_45, %get3A_46, %get3A_47] : memref<1x16x64xf32, #tpu.memory_space<vmem>>, vector<1x16x64xf32>
    %get3A_49 = vector.shape_cast %get3A_48 : vector<1x16x64xf32> to vector<16x64xf32>
    %dot_general3A_50 = arith.constant dense<0.000000e+00> : vector<512x64xf32>
    %dot_general3A_51 = tpu.matmul %select_n3A_44, %get3A_49, %dot_general3A_50 {dimension_numbers = #tpu.dot_dimension_numbers<[1], [0], [0], [1], [0, 0, 1, 1], [], []>, transpose_lhs_hint = false} : vector<512x16xf32>, vector<16x64xf32>, vector<512x64xf32> -> vector<512x64xf32>
    %sub3A_52 = arith.subf %dot_general3A_10, %dot_general3A_51 : vector<512x64xf32>
    %max3A = arith.constant 0.000000e+00 : f32
    %max3A_53 = vector.broadcast %max3A : f32 to vector<512x64xf32>
    %max3A_54 = arith.maximumf %sub3A_52, %max3A_53 : vector<512x64xf32>
    %get3A_55 = arith.constant 0 : index
    %get3A_56 = arith.constant 0 : index
    %get3A_57 = vector.load %arg5[%get3A_55, %get3A_56] : memref<64x64xf32, #tpu.memory_space<vmem>>, vector<64x64xf32>
    %dot_general3A_58 = arith.constant dense<0.000000e+00> : vector<512x64xf32>
    %dot_general3A_59 = tpu.matmul %max3A_54, %get3A_57, %dot_general3A_58 {dimension_numbers = #tpu.dot_dimension_numbers<[1], [0], [0], [1], [0, 0, 1, 1], [], []>, transpose_lhs_hint = false} : vector<512x64xf32>, vector<64x64xf32>, vector<512x64xf32> -> vector<512x64xf32>
    %get3A_60 = arith.constant 0 : index
    %get3A_61 = arith.constant 0 : index
    %get3A_62 = vector.load %arg6[%get3A_60, %get3A_61] : memref<1x64xf32, #tpu.memory_space<vmem>>, vector<1x64xf32>
    %add3A = vector.broadcast %get3A_62 : vector<1x64xf32> to vector<512x64xf32>
    %add3A_63 = arith.addf %dot_general3A_59, %add3A : vector<512x64xf32>
    %max3A_64 = arith.constant 0.000000e+00 : f32
    %max3A_65 = vector.broadcast %max3A_64 : f32 to vector<512x64xf32>
    %max3A_66 = arith.maximumf %add3A_63, %max3A_65 : vector<512x64xf32>
    %get3A_67 = arith.constant 0 : index
    %get3A_68 = arith.constant 0 : index
    %get3A_69 = vector.load %arg7[%get3A_67, %get3A_68] : memref<64x128xf32, #tpu.memory_space<vmem>>, vector<64x128xf32>
    %dot_general3A_70 = arith.constant dense<0.000000e+00> : vector<512x128xf32>
    %dot_general3A_71 = tpu.matmul %max3A_66, %get3A_69, %dot_general3A_70 {dimension_numbers = #tpu.dot_dimension_numbers<[1], [0], [0], [1], [0, 0, 1, 1], [], []>, transpose_lhs_hint = false} : vector<512x64xf32>, vector<64x128xf32>, vector<512x128xf32> -> vector<512x128xf32>
    %get3A_72 = arith.constant 0 : index
    %get3A_73 = arith.constant 0 : index
    %get3A_74 = vector.load %arg8[%get3A_72, %get3A_73] : memref<1x128xf32, #tpu.memory_space<vmem>>, vector<1x128xf32>
    %add3A_75 = vector.broadcast %get3A_74 : vector<1x128xf32> to vector<512x128xf32>
    %add3A_76 = arith.addf %dot_general3A_71, %add3A_75 : vector<512x128xf32>
    %max3A_77 = arith.constant 0.000000e+00 : f32
    %max3A_78 = vector.broadcast %max3A_77 : f32 to vector<512x128xf32>
    %max3A_79 = arith.maximumf %add3A_76, %max3A_78 : vector<512x128xf32>
    %slice3A = vector.extract_strided_slice %max3A_79 {offsets = [0, 0], sizes = [32, 128], strides = [1, 1]} : vector<512x128xf32> to vector<32x128xf32>
    %reduce_max3A = arith.constant dense<0xFF800000> : vector<128xf32>
    %reduce_max3A_80 = vector.multi_reduction <maximumf>, %slice3A, %reduce_max3A [0] : vector<32x128xf32> to vector<128xf32>
    %broadcast_in_dim3A_81 = vector.shape_cast %reduce_max3A_80 : vector<128xf32> to vector<1x128xf32>
    %swap3A = arith.constant 0 : index
    %swap3A_82 = arith.constant 0 : index
    %swap3A_83 = arith.constant 0 : index
    %swap3A_84 = vector.load %arg9[%swap3A, %swap3A_82, %swap3A_83] : memref<1x16x128xf32, #tpu.memory_space<vmem>>, vector<1x1x128xf32>
    %swap3A_85 = vector.shape_cast %swap3A_84 : vector<1x1x128xf32> to vector<1x128xf32>
    %swap3A_86 = vector.shape_cast %broadcast_in_dim3A_81 : vector<1x128xf32> to vector<1x1x128xf32>
    tpu.vector_store %arg9[%swap3A, %swap3A_82, %swap3A_83], %swap3A_86 {strides = array<i32>} : memref<1x16x128xf32, #tpu.memory_space<vmem>>, vector<1x1x128xf32>,
    %slice3A_87 = vector.extract_strided_slice %max3A_79 {offsets = [32, 0], sizes = [32, 128], strides = [1, 1]} : vector<512x128xf32> to vector<32x128xf32>
    %reduce_max3A_88 = arith.constant dense<0xFF800000> : vector<128xf32>
    %reduce_max3A_89 = vector.multi_reduction <maximumf>, %slice3A_87, %reduce_max3A_88 [0] : vector<32x128xf32> to vector<128xf32>
    %broadcast_in_dim3A_90 = vector.shape_cast %reduce_max3A_89 : vector<128xf32> to vector<1x128xf32>
    %swap3A_91 = arith.constant 0 : index
    %swap3A_92 = arith.constant 1 : index
    %swap3A_93 = arith.constant 0 : index
    %swap3A_94 = vector.load %arg9[%swap3A_91, %swap3A_92, %swap3A_93] : memref<1x16x128xf32, #tpu.memory_space<vmem>>, vector<1x1x128xf32>
    %swap3A_95 = vector.shape_cast %swap3A_94 : vector<1x1x128xf32> to vector<1x128xf32>
    %swap3A_96 = vector.shape_cast %broadcast_in_dim3A_90 : vector<1x128xf32> to vector<1x1x128xf32>
    tpu.vector_store %arg9[%swap3A_91, %swap3A_92, %swap3A_93], %swap3A_96 {strides = array<i32>} : memref<1x16x128xf32, #tpu.memory_space<vmem>>, vector<1x1x128xf32>,
    %slice3A_97 = vector.extract_strided_slice %max3A_79 {offsets = [64, 0], sizes = [32, 128], strides = [1, 1]} : vector<512x128xf32> to vector<32x128xf32>
    %reduce_max3A_98 = arith.constant dense<0xFF800000> : vector<128xf32>
    %reduce_max3A_99 = vector.multi_reduction <maximumf>, %slice3A_97, %reduce_max3A_98 [0] : vector<32x128xf32> to vector<128xf32>
    %broadcast_in_dim3A_100 = vector.shape_cast %reduce_max3A_99 : vector<128xf32> to vector<1x128xf32>
    %swap3A_101 = arith.constant 0 : index
    %swap3A_102 = arith.constant 2 : index
    %swap3A_103 = arith.constant 0 : index
    %swap3A_104 = vector.load %arg9[%swap3A_101, %swap3A_102, %swap3A_103] : memref<1x16x128xf32, #tpu.memory_space<vmem>>, vector<1x1x128xf32>
    %swap3A_105 = vector.shape_cast %swap3A_104 : vector<1x1x128xf32> to vector<1x128xf32>
    %swap3A_106 = vector.shape_cast %broadcast_in_dim3A_100 : vector<1x128xf32> to vector<1x1x128xf32>
    tpu.vector_store %arg9[%swap3A_101, %swap3A_102, %swap3A_103], %swap3A_106 {strides = array<i32>} : memref<1x16x128xf32, #tpu.memory_space<vmem>>, vector<1x1x128xf32>,
    %slice3A_107 = vector.extract_strided_slice %max3A_79 {offsets = [96, 0], sizes = [32, 128], strides = [1, 1]} : vector<512x128xf32> to vector<32x128xf32>
    %reduce_max3A_108 = arith.constant dense<0xFF800000> : vector<128xf32>
    %reduce_max3A_109 = vector.multi_reduction <maximumf>, %slice3A_107, %reduce_max3A_108 [0] : vector<32x128xf32> to vector<128xf32>
    %broadcast_in_dim3A_110 = vector.shape_cast %reduce_max3A_109 : vector<128xf32> to vector<1x128xf32>
    %swap3A_111 = arith.constant 0 : index
    %swap3A_112 = arith.constant 3 : index
    %swap3A_113 = arith.constant 0 : index
    %swap3A_114 = vector.load %arg9[%swap3A_111, %swap3A_112, %swap3A_113] : memref<1x16x128xf32, #tpu.memory_space<vmem>>, vector<1x1x128xf32>
    %swap3A_115 = vector.shape_cast %swap3A_114 : vector<1x1x128xf32> to vector<1x128xf32>
    %swap3A_116 = vector.shape_cast %broadcast_in_dim3A_110 : vector<1x128xf32> to vector<1x1x128xf32>
    tpu.vector_store %arg9[%swap3A_111, %swap3A_112, %swap3A_113], %swap3A_116 {strides = array<i32>} : memref<1x16x128xf32, #tpu.memory_space<vmem>>, vector<1x1x128xf32>,
    %slice3A_117 = vector.extract_strided_slice %max3A_79 {offsets = [128, 0], sizes = [32, 128], strides = [1, 1]} : vector<512x128xf32> to vector<32x128xf32>
    %reduce_max3A_118 = arith.constant dense<0xFF800000> : vector<128xf32>
    %reduce_max3A_119 = vector.multi_reduction <maximumf>, %slice3A_117, %reduce_max3A_118 [0] : vector<32x128xf32> to vector<128xf32>
    %broadcast_in_dim3A_120 = vector.shape_cast %reduce_max3A_119 : vector<128xf32> to vector<1x128xf32>
    %swap3A_121 = arith.constant 0 : index
    %swap3A_122 = arith.constant 4 : index
    %swap3A_123 = arith.constant 0 : index
    %swap3A_124 = vector.load %arg9[%swap3A_121, %swap3A_122, %swap3A_123] : memref<1x16x128xf32, #tpu.memory_space<vmem>>, vector<1x1x128xf32>
    %swap3A_125 = vector.shape_cast %swap3A_124 : vector<1x1x128xf32> to vector<1x128xf32>
    %swap3A_126 = vector.shape_cast %broadcast_in_dim3A_120 : vector<1x128xf32> to vector<1x1x128xf32>
    tpu.vector_store %arg9[%swap3A_121, %swap3A_122, %swap3A_123], %swap3A_126 {strides = array<i32>} : memref<1x16x128xf32, #tpu.memory_space<vmem>>, vector<1x1x128xf32>,
    %slice3A_127 = vector.extract_strided_slice %max3A_79 {offsets = [160, 0], sizes = [32, 128], strides = [1, 1]} : vector<512x128xf32> to vector<32x128xf32>
    %reduce_max3A_128 = arith.constant dense<0xFF800000> : vector<128xf32>
    %reduce_max3A_129 = vector.multi_reduction <maximumf>, %slice3A_127, %reduce_max3A_128 [0] : vector<32x128xf32> to vector<128xf32>
    %broadcast_in_dim3A_130 = vector.shape_cast %reduce_max3A_129 : vector<128xf32> to vector<1x128xf32>
    %swap3A_131 = arith.constant 0 : index
    %swap3A_132 = arith.constant 5 : index
    %swap3A_133 = arith.constant 0 : index
    %swap3A_134 = vector.load %arg9[%swap3A_131, %swap3A_132, %swap3A_133] : memref<1x16x128xf32, #tpu.memory_space<vmem>>, vector<1x1x128xf32>
    %swap3A_135 = vector.shape_cast %swap3A_134 : vector<1x1x128xf32> to vector<1x128xf32>
    %swap3A_136 = vector.shape_cast %broadcast_in_dim3A_130 : vector<1x128xf32> to vector<1x1x128xf32>
    tpu.vector_store %arg9[%swap3A_131, %swap3A_132, %swap3A_133], %swap3A_136 {strides = array<i32>} : memref<1x16x128xf32, #tpu.memory_space<vmem>>, vector<1x1x128xf32>,
    %slice3A_137 = vector.extract_strided_slice %max3A_79 {offsets = [192, 0], sizes = [32, 128], strides = [1, 1]} : vector<512x128xf32> to vector<32x128xf32>
    %reduce_max3A_138 = arith.constant dense<0xFF800000> : vector<128xf32>
    %reduce_max3A_139 = vector.multi_reduction <maximumf>, %slice3A_137, %reduce_max3A_138 [0] : vector<32x128xf32> to vector<128xf32>
    %broadcast_in_dim3A_140 = vector.shape_cast %reduce_max3A_139 : vector<128xf32> to vector<1x128xf32>
    %swap3A_141 = arith.constant 0 : index
    %swap3A_142 = arith.constant 6 : index
    %swap3A_143 = arith.constant 0 : index
    %swap3A_144 = vector.load %arg9[%swap3A_141, %swap3A_142, %swap3A_143] : memref<1x16x128xf32, #tpu.memory_space<vmem>>, vector<1x1x128xf32>
    %swap3A_145 = vector.shape_cast %swap3A_144 : vector<1x1x128xf32> to vector<1x128xf32>
    %swap3A_146 = vector.shape_cast %broadcast_in_dim3A_140 : vector<1x128xf32> to vector<1x1x128xf32>
    tpu.vector_store %arg9[%swap3A_141, %swap3A_142, %swap3A_143], %swap3A_146 {strides = array<i32>} : memref<1x16x128xf32, #tpu.memory_space<vmem>>, vector<1x1x128xf32>,
    %slice3A_147 = vector.extract_strided_slice %max3A_79 {offsets = [224, 0], sizes = [32, 128], strides = [1, 1]} : vector<512x128xf32> to vector<32x128xf32>
    %reduce_max3A_148 = arith.constant dense<0xFF800000> : vector<128xf32>
    %reduce_max3A_149 = vector.multi_reduction <maximumf>, %slice3A_147, %reduce_max3A_148 [0] : vector<32x128xf32> to vector<128xf32>
    %broadcast_in_dim3A_150 = vector.shape_cast %reduce_max3A_149 : vector<128xf32> to vector<1x128xf32>
    %swap3A_151 = arith.constant 0 : index
    %swap3A_152 = arith.constant 7 : index
    %swap3A_153 = arith.constant 0 : index
    %swap3A_154 = vector.load %arg9[%swap3A_151, %swap3A_152, %swap3A_153] : memref<1x16x128xf32, #tpu.memory_space<vmem>>, vector<1x1x128xf32>
    %swap3A_155 = vector.shape_cast %swap3A_154 : vector<1x1x128xf32> to vector<1x128xf32>
    %swap3A_156 = vector.shape_cast %broadcast_in_dim3A_150 : vector<1x128xf32> to vector<1x1x128xf32>
    tpu.vector_store %arg9[%swap3A_151, %swap3A_152, %swap3A_153], %swap3A_156 {strides = array<i32>} : memref<1x16x128xf32, #tpu.memory_space<vmem>>, vector<1x1x128xf32>,
    %slice3A_157 = vector.extract_strided_slice %max3A_79 {offsets = [256, 0], sizes = [32, 128], strides = [1, 1]} : vector<512x128xf32> to vector<32x128xf32>
    %reduce_max3A_158 = arith.constant dense<0xFF800000> : vector<128xf32>
    %reduce_max3A_159 = vector.multi_reduction <maximumf>, %slice3A_157, %reduce_max3A_158 [0] : vector<32x128xf32> to vector<128xf32>
    %broadcast_in_dim3A_160 = vector.shape_cast %reduce_max3A_159 : vector<128xf32> to vector<1x128xf32>
    %swap3A_161 = arith.constant 0 : index
    %swap3A_162 = arith.constant 8 : index
    %swap3A_163 = arith.constant 0 : index
    %swap3A_164 = vector.load %arg9[%swap3A_161, %swap3A_162, %swap3A_163] : memref<1x16x128xf32, #tpu.memory_space<vmem>>, vector<1x1x128xf32>
    %swap3A_165 = vector.shape_cast %swap3A_164 : vector<1x1x128xf32> to vector<1x128xf32>
    %swap3A_166 = vector.shape_cast %broadcast_in_dim3A_160 : vector<1x128xf32> to vector<1x1x128xf32>
    tpu.vector_store %arg9[%swap3A_161, %swap3A_162, %swap3A_163], %swap3A_166 {strides = array<i32>} : memref<1x16x128xf32, #tpu.memory_space<vmem>>, vector<1x1x128xf32>,
    %slice3A_167 = vector.extract_strided_slice %max3A_79 {offsets = [288, 0], sizes = [32, 128], strides = [1, 1]} : vector<512x128xf32> to vector<32x128xf32>
    %reduce_max3A_168 = arith.constant dense<0xFF800000> : vector<128xf32>
    %reduce_max3A_169 = vector.multi_reduction <maximumf>, %slice3A_167, %reduce_max3A_168 [0] : vector<32x128xf32> to vector<128xf32>
    %broadcast_in_dim3A_170 = vector.shape_cast %reduce_max3A_169 : vector<128xf32> to vector<1x128xf32>
    %swap3A_171 = arith.constant 0 : index
    %swap3A_172 = arith.constant 9 : index
    %swap3A_173 = arith.constant 0 : index
    %swap3A_174 = vector.load %arg9[%swap3A_171, %swap3A_172, %swap3A_173] : memref<1x16x128xf32, #tpu.memory_space<vmem>>, vector<1x1x128xf32>
    %swap3A_175 = vector.shape_cast %swap3A_174 : vector<1x1x128xf32> to vector<1x128xf32>
    %swap3A_176 = vector.shape_cast %broadcast_in_dim3A_170 : vector<1x128xf32> to vector<1x1x128xf32>
    tpu.vector_store %arg9[%swap3A_171, %swap3A_172, %swap3A_173], %swap3A_176 {strides = array<i32>} : memref<1x16x128xf32, #tpu.memory_space<vmem>>, vector<1x1x128xf32>,
    %slice3A_177 = vector.extract_strided_slice %max3A_79 {offsets = [320, 0], sizes = [32, 128], strides = [1, 1]} : vector<512x128xf32> to vector<32x128xf32>
    %reduce_max3A_178 = arith.constant dense<0xFF800000> : vector<128xf32>
    %reduce_max3A_179 = vector.multi_reduction <maximumf>, %slice3A_177, %reduce_max3A_178 [0] : vector<32x128xf32> to vector<128xf32>
    %broadcast_in_dim3A_180 = vector.shape_cast %reduce_max3A_179 : vector<128xf32> to vector<1x128xf32>
    %swap3A_181 = arith.constant 0 : index
    %swap3A_182 = arith.constant 10 : index
    %swap3A_183 = arith.constant 0 : index
    %swap3A_184 = vector.load %arg9[%swap3A_181, %swap3A_182, %swap3A_183] : memref<1x16x128xf32, #tpu.memory_space<vmem>>, vector<1x1x128xf32>
    %swap3A_185 = vector.shape_cast %swap3A_184 : vector<1x1x128xf32> to vector<1x128xf32>
    %swap3A_186 = vector.shape_cast %broadcast_in_dim3A_180 : vector<1x128xf32> to vector<1x1x128xf32>
    tpu.vector_store %arg9[%swap3A_181, %swap3A_182, %swap3A_183], %swap3A_186 {strides = array<i32>} : memref<1x16x128xf32, #tpu.memory_space<vmem>>, vector<1x1x128xf32>,
    %slice3A_187 = vector.extract_strided_slice %max3A_79 {offsets = [352, 0], sizes = [32, 128], strides = [1, 1]} : vector<512x128xf32> to vector<32x128xf32>
    %reduce_max3A_188 = arith.constant dense<0xFF800000> : vector<128xf32>
    %reduce_max3A_189 = vector.multi_reduction <maximumf>, %slice3A_187, %reduce_max3A_188 [0] : vector<32x128xf32> to vector<128xf32>
    %broadcast_in_dim3A_190 = vector.shape_cast %reduce_max3A_189 : vector<128xf32> to vector<1x128xf32>
    %swap3A_191 = arith.constant 0 : index
    %swap3A_192 = arith.constant 11 : index
    %swap3A_193 = arith.constant 0 : index
    %swap3A_194 = vector.load %arg9[%swap3A_191, %swap3A_192, %swap3A_193] : memref<1x16x128xf32, #tpu.memory_space<vmem>>, vector<1x1x128xf32>
    %swap3A_195 = vector.shape_cast %swap3A_194 : vector<1x1x128xf32> to vector<1x128xf32>
    %swap3A_196 = vector.shape_cast %broadcast_in_dim3A_190 : vector<1x128xf32> to vector<1x1x128xf32>
    tpu.vector_store %arg9[%swap3A_191, %swap3A_192, %swap3A_193], %swap3A_196 {strides = array<i32>} : memref<1x16x128xf32, #tpu.memory_space<vmem>>, vector<1x1x128xf32>,
    %slice3A_197 = vector.extract_strided_slice %max3A_79 {offsets = [384, 0], sizes = [32, 128], strides = [1, 1]} : vector<512x128xf32> to vector<32x128xf32>
    %reduce_max3A_198 = arith.constant dense<0xFF800000> : vector<128xf32>
    %reduce_max3A_199 = vector.multi_reduction <maximumf>, %slice3A_197, %reduce_max3A_198 [0] : vector<32x128xf32> to vector<128xf32>
    %broadcast_in_dim3A_200 = vector.shape_cast %reduce_max3A_199 : vector<128xf32> to vector<1x128xf32>
    %swap3A_201 = arith.constant 0 : index
    %swap3A_202 = arith.constant 12 : index
    %swap3A_203 = arith.constant 0 : index
    %swap3A_204 = vector.load %arg9[%swap3A_201, %swap3A_202, %swap3A_203] : memref<1x16x128xf32, #tpu.memory_space<vmem>>, vector<1x1x128xf32>
    %swap3A_205 = vector.shape_cast %swap3A_204 : vector<1x1x128xf32> to vector<1x128xf32>
    %swap3A_206 = vector.shape_cast %broadcast_in_dim3A_200 : vector<1x128xf32> to vector<1x1x128xf32>
    tpu.vector_store %arg9[%swap3A_201, %swap3A_202, %swap3A_203], %swap3A_206 {strides = array<i32>} : memref<1x16x128xf32, #tpu.memory_space<vmem>>, vector<1x1x128xf32>,
    %slice3A_207 = vector.extract_strided_slice %max3A_79 {offsets = [416, 0], sizes = [32, 128], strides = [1, 1]} : vector<512x128xf32> to vector<32x128xf32>
    %reduce_max3A_208 = arith.constant dense<0xFF800000> : vector<128xf32>
    %reduce_max3A_209 = vector.multi_reduction <maximumf>, %slice3A_207, %reduce_max3A_208 [0] : vector<32x128xf32> to vector<128xf32>
    %broadcast_in_dim3A_210 = vector.shape_cast %reduce_max3A_209 : vector<128xf32> to vector<1x128xf32>
    %swap3A_211 = arith.constant 0 : index
    %swap3A_212 = arith.constant 13 : index
    %swap3A_213 = arith.constant 0 : index
    %swap3A_214 = vector.load %arg9[%swap3A_211, %swap3A_212, %swap3A_213] : memref<1x16x128xf32, #tpu.memory_space<vmem>>, vector<1x1x128xf32>
    %swap3A_215 = vector.shape_cast %swap3A_214 : vector<1x1x128xf32> to vector<1x128xf32>
    %swap3A_216 = vector.shape_cast %broadcast_in_dim3A_210 : vector<1x128xf32> to vector<1x1x128xf32>
    tpu.vector_store %arg9[%swap3A_211, %swap3A_212, %swap3A_213], %swap3A_216 {strides = array<i32>} : memref<1x16x128xf32, #tpu.memory_space<vmem>>, vector<1x1x128xf32>,
    %slice3A_217 = vector.extract_strided_slice %max3A_79 {offsets = [448, 0], sizes = [32, 128], strides = [1, 1]} : vector<512x128xf32> to vector<32x128xf32>
    %reduce_max3A_218 = arith.constant dense<0xFF800000> : vector<128xf32>
    %reduce_max3A_219 = vector.multi_reduction <maximumf>, %slice3A_217, %reduce_max3A_218 [0] : vector<32x128xf32> to vector<128xf32>
    %broadcast_in_dim3A_220 = vector.shape_cast %reduce_max3A_219 : vector<128xf32> to vector<1x128xf32>
    %swap3A_221 = arith.constant 0 : index
    %swap3A_222 = arith.constant 14 : index
    %swap3A_223 = arith.constant 0 : index
    %swap3A_224 = vector.load %arg9[%swap3A_221, %swap3A_222, %swap3A_223] : memref<1x16x128xf32, #tpu.memory_space<vmem>>, vector<1x1x128xf32>
    %swap3A_225 = vector.shape_cast %swap3A_224 : vector<1x1x128xf32> to vector<1x128xf32>
    %swap3A_226 = vector.shape_cast %broadcast_in_dim3A_220 : vector<1x128xf32> to vector<1x1x128xf32>
    tpu.vector_store %arg9[%swap3A_221, %swap3A_222, %swap3A_223], %swap3A_226 {strides = array<i32>} : memref<1x16x128xf32, #tpu.memory_space<vmem>>, vector<1x1x128xf32>,
    %slice3A_227 = vector.extract_strided_slice %max3A_79 {offsets = [480, 0], sizes = [32, 128], strides = [1, 1]} : vector<512x128xf32> to vector<32x128xf32>
    %reduce_max3A_228 = arith.constant dense<0xFF800000> : vector<128xf32>
    %reduce_max3A_229 = vector.multi_reduction <maximumf>, %slice3A_227, %reduce_max3A_228 [0] : vector<32x128xf32> to vector<128xf32>
    %broadcast_in_dim3A_230 = vector.shape_cast %reduce_max3A_229 : vector<128xf32> to vector<1x128xf32>
    %swap3A_231 = arith.constant 0 : index
    %swap3A_232 = arith.constant 15 : index
    %swap3A_233 = arith.constant 0 : index
    %swap3A_234 = vector.load %arg9[%swap3A_231, %swap3A_232, %swap3A_233] : memref<1x16x128xf32, #tpu.memory_space<vmem>>, vector<1x1x128xf32>
    %swap3A_235 = vector.shape_cast %swap3A_234 : vector<1x1x128xf32> to vector<1x128xf32>
    %swap3A_236 = vector.shape_cast %broadcast_in_dim3A_230 : vector<1x128xf32> to vector<1x1x128xf32>
    tpu.vector_store %arg9[%swap3A_231, %swap3A_232, %swap3A_233], %swap3A_236 {strides = array<i32>} : memref<1x16x128xf32, #tpu.memory_space<vmem>>, vector<1x1x128xf32>,
    return
  }
  func.func @transform_0(%arg0: i32, %arg1: i32) -> (i32, i32, i32) {
    %c0_i32 = arith.constant 0 : i32
    %c0_i32_0 = arith.constant 0 : i32
    %c0_i32_1 = arith.constant 0 : i32
    return %arg0, %c0_i32, %c0_i32_0 : i32, i32, i32
  }
  func.func @transform_1(%arg0: i32, %arg1: i32) -> (i32, i32, i32) {
    %mul3A = arith.constant 8 : i32
    %mul3A_0 = arith.muli %arg0, %mul3A : i32
    %add3A = arith.addi %mul3A_0, %arg1 : i32
    %c0_i32 = arith.constant 0 : i32
    %c0_i32_1 = arith.constant 0 : i32
    %c0_i32_2 = arith.constant 0 : i32
    return %add3A, %c0_i32, %c0_i32_1 : i32, i32, i32
  }
  func.func @transform_2(%arg0: i32, %arg1: i32) -> (i32, i32) {
    %mul3A = arith.constant 8 : i32
    %mul3A_0 = arith.muli %arg0, %mul3A : i32
    %add3A = arith.addi %mul3A_0, %arg1 : i32
    %c0_i32 = arith.constant 0 : i32
    %c0_i32_1 = arith.constant 0 : i32
    return %add3A, %c0_i32 : i32, i32
  }
  func.func @transform_3(%arg0: i32, %arg1: i32) -> (i32, i32) {
    %c0_i32 = arith.constant 0 : i32
    %c0_i32_0 = arith.constant 0 : i32
    %c0_i32_1 = arith.constant 0 : i32
    return %c0_i32, %c0_i32_0 : i32, i32
  }
  func.func @transform_4(%arg0: i32, %arg1: i32) -> (i32, i32) {
    %c0_i32 = arith.constant 0 : i32
    %c0_i32_0 = arith.constant 0 : i32
    %c0_i32_1 = arith.constant 0 : i32
    return %c0_i32, %c0_i32_0 : i32, i32
  }
  func.func @transform_5(%arg0: i32, %arg1: i32) -> (i32, i32) {
    %c0_i32 = arith.constant 0 : i32
    %c0_i32_0 = arith.constant 0 : i32
    %c0_i32_1 = arith.constant 0 : i32
    return %c0_i32, %c0_i32_0 : i32, i32
  }
  func.func @transform_6(%arg0: i32, %arg1: i32) -> (i32, i32) {
    %c0_i32 = arith.constant 0 : i32
    %c0_i32_0 = arith.constant 0 : i32
    %c0_i32_1 = arith.constant 0 : i32
    return %c0_i32, %c0_i32_0 : i32, i32
  }
  func.func @transform_7(%arg0: i32, %arg1: i32) -> (i32, i32, i32) {
    %mul3A = arith.constant 8 : i32
    %mul3A_0 = arith.muli %arg0, %mul3A : i32
    %add3A = arith.addi %mul3A_0, %arg1 : i32
    %c0_i32 = arith.constant 0 : i32
    %c0_i32_1 = arith.constant 0 : i32
    %c0_i32_2 = arith.constant 0 : i32
    return %add3A, %c0_i32, %c0_i32_1 : i32, i32, i32
  }
}

module attributes {stable_mosaic.version = 14 : i64} {
  func.func @_g2_body(%arg0: i32, %arg1: i32, %arg2: memref<1x512x128xf32, #tpu.memory_space<vmem>>, %arg3: memref<1x8x128xf32, #tpu.memory_space<vmem>>, %arg4: memref<512x1xi32, #tpu.memory_space<vmem>>, %arg5: memref<128x128xf32, #tpu.memory_space<vmem>>, %arg6: memref<1x128xf32, #tpu.memory_space<vmem>>, %arg7: memref<128x256xf32, #tpu.memory_space<vmem>>, %arg8: memref<1x256xf32, #tpu.memory_space<vmem>>, %arg9: memref<1x8x256xf32, #tpu.memory_space<vmem>>) attributes {dimension_semantics = [#tpu.dimension_semantics<arbitrary>, #tpu.dimension_semantics<arbitrary>], iteration_bounds = array<i64: 8, 16>, scalar_prefetch = 0 : i64, scratch_operands = 0 : i64, tpu.core_type = #tpu.core_type<tc>, window_params = [{transform_indices = @transform_0, window_bounds = array<i64: 1, 512, 128>}, {transform_indices = @transform_1, window_bounds = array<i64: 1, 8, 128>}, {transform_indices = @transform_2, window_bounds = array<i64: 512, 1>}, {pipeline_mode = #tpu.pipeline_mode<synchronous>, transform_indices = @transform_3, window_bounds = array<i64: 128, 128>}, {pipeline_mode = #tpu.pipeline_mode<synchronous>, transform_indices = @transform_4, window_bounds = array<i64: 1, 128>}, {pipeline_mode = #tpu.pipeline_mode<synchronous>, transform_indices = @transform_5, window_bounds = array<i64: 128, 256>}, {pipeline_mode = #tpu.pipeline_mode<synchronous>, transform_indices = @transform_6, window_bounds = array<i64: 1, 256>}, {transform_indices = @transform_7, window_bounds = array<i64: 1, 8, 256>}]} {
    %get3A = arith.constant 0 : index
    %get3A_0 = arith.constant 0 : index
    %get3A_1 = arith.constant 0 : index
    %get3A_2 = vector.load %arg2[%get3A, %get3A_0, %get3A_1] : memref<1x512x128xf32, #tpu.memory_space<vmem>>, vector<1x512x128xf32>
    %get3A_3 = vector.shape_cast %get3A_2 : vector<1x512x128xf32> to vector<512x128xf32>
    %get3A_4 = arith.constant 0 : index
    %get3A_5 = arith.constant 0 : index
    %get3A_6 = vector.load %arg4[%get3A_4, %get3A_5] : memref<512x1xi32, #tpu.memory_space<vmem>>, vector<512x1xi32>
    %iota3A = tpu.iota {dimensions = array<i32: 1>} : vector<512x512xi32>
    %eq3A = vector.broadcast %get3A_6 : vector<512x1xi32> to vector<512x512xi32>
    %eq3A_7 = arith.cmpi eq, %eq3A, %iota3A : vector<512x512xi32>
    %jit3A = arith.constant 1.000000e+00 : f32
    %jit3A_8 = arith.constant 0.000000e+00 : f32
    %broadcast_in_dim3A = vector.broadcast %jit3A : f32 to vector<512x512xf32>
    %broadcast_in_dim3A_9 = vector.broadcast %jit3A_8 : f32 to vector<512x512xf32>
    %select_n3A = arith.select %eq3A_7, %broadcast_in_dim3A, %broadcast_in_dim3A_9 : vector<512x512xi1>, vector<512x512xf32>
    %dot_general3A = arith.constant dense<0.000000e+00> : vector<512x128xf32>
    %dot_general3A_10 = tpu.matmul %select_n3A, %get3A_3, %dot_general3A {dimension_numbers = #tpu.dot_dimension_numbers<[1], [0], [0], [1], [0, 0, 1, 1], [], []>, transpose_lhs_hint = false} : vector<512x512xf32>, vector<512x128xf32>, vector<512x128xf32> -> vector<512x128xf32>
    %iota3A_11 = tpu.iota {dimensions = array<i32: 0>} : vector<512x1xi32>
    %jit3A_12 = arith.constant 64 : i32
    %div3A = vector.broadcast %jit3A_12 : i32 to vector<512x1xi32>
    %div3A_13 = arith.divsi %iota3A_11, %div3A : vector<512x1xi32>
    %sign3A = arith.constant 0 : i32
    %sign3A_14 = vector.broadcast %sign3A : i32 to vector<512x1xi32>
    %sign3A_15 = arith.cmpi sgt, %iota3A_11, %sign3A_14 : vector<512x1xi32>
    %sign3A_16 = arith.extui %sign3A_15 : vector<512x1xi1> to vector<512x1xi32>
    %sign3A_17 = arith.constant 0 : i32
    %sign3A_18 = vector.broadcast %sign3A_17 : i32 to vector<512x1xi32>
    %sign3A_19 = arith.cmpi slt, %iota3A_11, %sign3A_18 : vector<512x1xi32>
    %sign3A_20 = arith.extui %sign3A_19 : vector<512x1xi1> to vector<512x1xi32>
    %sign3A_21 = arith.subi %sign3A_16, %sign3A_20 : vector<512x1xi32>
    %sign3A_22 = arith.constant 0 : i32
    %sign3A_23 = arith.cmpi sgt, %jit3A_12, %sign3A_22 : i32
    %sign3A_24 = arith.extui %sign3A_23 : i1 to i32
    %sign3A_25 = arith.constant 0 : i32
    %sign3A_26 = arith.cmpi slt, %jit3A_12, %sign3A_25 : i32
    %sign3A_27 = arith.extui %sign3A_26 : i1 to i32
    %sign3A_28 = arith.subi %sign3A_24, %sign3A_27 : i32
    %ne3A = vector.broadcast %sign3A_28 : i32 to vector<512x1xi32>
    %ne3A_29 = arith.cmpi ne, %sign3A_21, %ne3A : vector<512x1xi32>
    %rem3A = vector.broadcast %jit3A_12 : i32 to vector<512x1xi32>
    %rem3A_30 = arith.remsi %iota3A_11, %rem3A : vector<512x1xi32>
    %ne3A_31 = arith.constant 0 : i32
    %ne3A_32 = vector.broadcast %ne3A_31 : i32 to vector<512x1xi32>
    %ne3A_33 = arith.cmpi ne, %rem3A_30, %ne3A_32 : vector<512x1xi32>
    %and3A = arith.andi %ne3A_29, %ne3A_33 : vector<512x1xi1>
    %sub3A = arith.constant 1 : i32
    %sub3A_34 = vector.broadcast %sub3A : i32 to vector<512x1xi32>
    %sub3A_35 = arith.subi %div3A_13, %sub3A_34 : vector<512x1xi32>
    %select_n3A_36 = arith.select %and3A, %sub3A_35, %div3A_13 : vector<512x1xi1>, vector<512x1xi32>
    %iota3A_37 = tpu.iota {dimensions = array<i32: 1>} : vector<512x8xi32>
    %eq3A_38 = vector.broadcast %select_n3A_36 : vector<512x1xi32> to vector<512x8xi32>
    %eq3A_39 = arith.cmpi eq, %eq3A_38, %iota3A_37 : vector<512x8xi32>
    %jit3A_40 = arith.constant 1.000000e+00 : f32
    %jit3A_41 = arith.constant 0.000000e+00 : f32
    %broadcast_in_dim3A_42 = vector.broadcast %jit3A_40 : f32 to vector<512x8xf32>
    %broadcast_in_dim3A_43 = vector.broadcast %jit3A_41 : f32 to vector<512x8xf32>
    %select_n3A_44 = arith.select %eq3A_39, %broadcast_in_dim3A_42, %broadcast_in_dim3A_43 : vector<512x8xi1>, vector<512x8xf32>
    %get3A_45 = arith.constant 0 : index
    %get3A_46 = arith.constant 0 : index
    %get3A_47 = arith.constant 0 : index
    %get3A_48 = vector.load %arg3[%get3A_45, %get3A_46, %get3A_47] : memref<1x8x128xf32, #tpu.memory_space<vmem>>, vector<1x8x128xf32>
    %get3A_49 = vector.shape_cast %get3A_48 : vector<1x8x128xf32> to vector<8x128xf32>
    %dot_general3A_50 = arith.constant dense<0.000000e+00> : vector<512x128xf32>
    %dot_general3A_51 = tpu.matmul %select_n3A_44, %get3A_49, %dot_general3A_50 {dimension_numbers = #tpu.dot_dimension_numbers<[1], [0], [0], [1], [0, 0, 1, 1], [], []>, transpose_lhs_hint = false} : vector<512x8xf32>, vector<8x128xf32>, vector<512x128xf32> -> vector<512x128xf32>
    %sub3A_52 = arith.subf %dot_general3A_10, %dot_general3A_51 : vector<512x128xf32>
    %max3A = arith.constant 0.000000e+00 : f32
    %max3A_53 = vector.broadcast %max3A : f32 to vector<512x128xf32>
    %max3A_54 = arith.maximumf %sub3A_52, %max3A_53 : vector<512x128xf32>
    %get3A_55 = arith.constant 0 : index
    %get3A_56 = arith.constant 0 : index
    %get3A_57 = vector.load %arg5[%get3A_55, %get3A_56] : memref<128x128xf32, #tpu.memory_space<vmem>>, vector<128x128xf32>
    %dot_general3A_58 = arith.constant dense<0.000000e+00> : vector<512x128xf32>
    %dot_general3A_59 = tpu.matmul %max3A_54, %get3A_57, %dot_general3A_58 {dimension_numbers = #tpu.dot_dimension_numbers<[1], [0], [0], [1], [0, 0, 1, 1], [], []>, transpose_lhs_hint = false} : vector<512x128xf32>, vector<128x128xf32>, vector<512x128xf32> -> vector<512x128xf32>
    %get3A_60 = arith.constant 0 : index
    %get3A_61 = arith.constant 0 : index
    %get3A_62 = vector.load %arg6[%get3A_60, %get3A_61] : memref<1x128xf32, #tpu.memory_space<vmem>>, vector<1x128xf32>
    %add3A = vector.broadcast %get3A_62 : vector<1x128xf32> to vector<512x128xf32>
    %add3A_63 = arith.addf %dot_general3A_59, %add3A : vector<512x128xf32>
    %max3A_64 = arith.constant 0.000000e+00 : f32
    %max3A_65 = vector.broadcast %max3A_64 : f32 to vector<512x128xf32>
    %max3A_66 = arith.maximumf %add3A_63, %max3A_65 : vector<512x128xf32>
    %get3A_67 = arith.constant 0 : index
    %get3A_68 = arith.constant 0 : index
    %get3A_69 = vector.load %arg7[%get3A_67, %get3A_68] : memref<128x256xf32, #tpu.memory_space<vmem>>, vector<128x256xf32>
    %dot_general3A_70 = arith.constant dense<0.000000e+00> : vector<512x256xf32>
    %dot_general3A_71 = tpu.matmul %max3A_66, %get3A_69, %dot_general3A_70 {dimension_numbers = #tpu.dot_dimension_numbers<[1], [0], [0], [1], [0, 0, 1, 1], [], []>, transpose_lhs_hint = false} : vector<512x128xf32>, vector<128x256xf32>, vector<512x256xf32> -> vector<512x256xf32>
    %get3A_72 = arith.constant 0 : index
    %get3A_73 = arith.constant 0 : index
    %get3A_74 = vector.load %arg8[%get3A_72, %get3A_73] : memref<1x256xf32, #tpu.memory_space<vmem>>, vector<1x256xf32>
    %add3A_75 = vector.broadcast %get3A_74 : vector<1x256xf32> to vector<512x256xf32>
    %add3A_76 = arith.addf %dot_general3A_71, %add3A_75 : vector<512x256xf32>
    %max3A_77 = arith.constant 0.000000e+00 : f32
    %max3A_78 = vector.broadcast %max3A_77 : f32 to vector<512x256xf32>
    %max3A_79 = arith.maximumf %add3A_76, %max3A_78 : vector<512x256xf32>
    %slice3A = vector.extract_strided_slice %max3A_79 {offsets = [0, 0], sizes = [64, 256], strides = [1, 1]} : vector<512x256xf32> to vector<64x256xf32>
    %reduce_max3A = arith.constant dense<0xFF800000> : vector<256xf32>
    %reduce_max3A_80 = vector.multi_reduction <maximumf>, %slice3A, %reduce_max3A [0] : vector<64x256xf32> to vector<256xf32>
    %broadcast_in_dim3A_81 = vector.shape_cast %reduce_max3A_80 : vector<256xf32> to vector<1x256xf32>
    %swap3A = arith.constant 0 : index
    %swap3A_82 = arith.constant 0 : index
    %swap3A_83 = arith.constant 0 : index
    %swap3A_84 = vector.load %arg9[%swap3A, %swap3A_82, %swap3A_83] : memref<1x8x256xf32, #tpu.memory_space<vmem>>, vector<1x1x256xf32>
    %swap3A_85 = vector.shape_cast %swap3A_84 : vector<1x1x256xf32> to vector<1x256xf32>
    %swap3A_86 = vector.shape_cast %broadcast_in_dim3A_81 : vector<1x256xf32> to vector<1x1x256xf32>
    tpu.vector_store %arg9[%swap3A, %swap3A_82, %swap3A_83], %swap3A_86 {strides = array<i32>} : memref<1x8x256xf32, #tpu.memory_space<vmem>>, vector<1x1x256xf32>,
    %slice3A_87 = vector.extract_strided_slice %max3A_79 {offsets = [64, 0], sizes = [64, 256], strides = [1, 1]} : vector<512x256xf32> to vector<64x256xf32>
    %reduce_max3A_88 = arith.constant dense<0xFF800000> : vector<256xf32>
    %reduce_max3A_89 = vector.multi_reduction <maximumf>, %slice3A_87, %reduce_max3A_88 [0] : vector<64x256xf32> to vector<256xf32>
    %broadcast_in_dim3A_90 = vector.shape_cast %reduce_max3A_89 : vector<256xf32> to vector<1x256xf32>
    %swap3A_91 = arith.constant 0 : index
    %swap3A_92 = arith.constant 1 : index
    %swap3A_93 = arith.constant 0 : index
    %swap3A_94 = vector.load %arg9[%swap3A_91, %swap3A_92, %swap3A_93] : memref<1x8x256xf32, #tpu.memory_space<vmem>>, vector<1x1x256xf32>
    %swap3A_95 = vector.shape_cast %swap3A_94 : vector<1x1x256xf32> to vector<1x256xf32>
    %swap3A_96 = vector.shape_cast %broadcast_in_dim3A_90 : vector<1x256xf32> to vector<1x1x256xf32>
    tpu.vector_store %arg9[%swap3A_91, %swap3A_92, %swap3A_93], %swap3A_96 {strides = array<i32>} : memref<1x8x256xf32, #tpu.memory_space<vmem>>, vector<1x1x256xf32>,
    %slice3A_97 = vector.extract_strided_slice %max3A_79 {offsets = [128, 0], sizes = [64, 256], strides = [1, 1]} : vector<512x256xf32> to vector<64x256xf32>
    %reduce_max3A_98 = arith.constant dense<0xFF800000> : vector<256xf32>
    %reduce_max3A_99 = vector.multi_reduction <maximumf>, %slice3A_97, %reduce_max3A_98 [0] : vector<64x256xf32> to vector<256xf32>
    %broadcast_in_dim3A_100 = vector.shape_cast %reduce_max3A_99 : vector<256xf32> to vector<1x256xf32>
    %swap3A_101 = arith.constant 0 : index
    %swap3A_102 = arith.constant 2 : index
    %swap3A_103 = arith.constant 0 : index
    %swap3A_104 = vector.load %arg9[%swap3A_101, %swap3A_102, %swap3A_103] : memref<1x8x256xf32, #tpu.memory_space<vmem>>, vector<1x1x256xf32>
    %swap3A_105 = vector.shape_cast %swap3A_104 : vector<1x1x256xf32> to vector<1x256xf32>
    %swap3A_106 = vector.shape_cast %broadcast_in_dim3A_100 : vector<1x256xf32> to vector<1x1x256xf32>
    tpu.vector_store %arg9[%swap3A_101, %swap3A_102, %swap3A_103], %swap3A_106 {strides = array<i32>} : memref<1x8x256xf32, #tpu.memory_space<vmem>>, vector<1x1x256xf32>,
    %slice3A_107 = vector.extract_strided_slice %max3A_79 {offsets = [192, 0], sizes = [64, 256], strides = [1, 1]} : vector<512x256xf32> to vector<64x256xf32>
    %reduce_max3A_108 = arith.constant dense<0xFF800000> : vector<256xf32>
    %reduce_max3A_109 = vector.multi_reduction <maximumf>, %slice3A_107, %reduce_max3A_108 [0] : vector<64x256xf32> to vector<256xf32>
    %broadcast_in_dim3A_110 = vector.shape_cast %reduce_max3A_109 : vector<256xf32> to vector<1x256xf32>
    %swap3A_111 = arith.constant 0 : index
    %swap3A_112 = arith.constant 3 : index
    %swap3A_113 = arith.constant 0 : index
    %swap3A_114 = vector.load %arg9[%swap3A_111, %swap3A_112, %swap3A_113] : memref<1x8x256xf32, #tpu.memory_space<vmem>>, vector<1x1x256xf32>
    %swap3A_115 = vector.shape_cast %swap3A_114 : vector<1x1x256xf32> to vector<1x256xf32>
    %swap3A_116 = vector.shape_cast %broadcast_in_dim3A_110 : vector<1x256xf32> to vector<1x1x256xf32>
    tpu.vector_store %arg9[%swap3A_111, %swap3A_112, %swap3A_113], %swap3A_116 {strides = array<i32>} : memref<1x8x256xf32, #tpu.memory_space<vmem>>, vector<1x1x256xf32>,
    %slice3A_117 = vector.extract_strided_slice %max3A_79 {offsets = [256, 0], sizes = [64, 256], strides = [1, 1]} : vector<512x256xf32> to vector<64x256xf32>
    %reduce_max3A_118 = arith.constant dense<0xFF800000> : vector<256xf32>
    %reduce_max3A_119 = vector.multi_reduction <maximumf>, %slice3A_117, %reduce_max3A_118 [0] : vector<64x256xf32> to vector<256xf32>
    %broadcast_in_dim3A_120 = vector.shape_cast %reduce_max3A_119 : vector<256xf32> to vector<1x256xf32>
    %swap3A_121 = arith.constant 0 : index
    %swap3A_122 = arith.constant 4 : index
    %swap3A_123 = arith.constant 0 : index
    %swap3A_124 = vector.load %arg9[%swap3A_121, %swap3A_122, %swap3A_123] : memref<1x8x256xf32, #tpu.memory_space<vmem>>, vector<1x1x256xf32>
    %swap3A_125 = vector.shape_cast %swap3A_124 : vector<1x1x256xf32> to vector<1x256xf32>
    %swap3A_126 = vector.shape_cast %broadcast_in_dim3A_120 : vector<1x256xf32> to vector<1x1x256xf32>
    tpu.vector_store %arg9[%swap3A_121, %swap3A_122, %swap3A_123], %swap3A_126 {strides = array<i32>} : memref<1x8x256xf32, #tpu.memory_space<vmem>>, vector<1x1x256xf32>,
    %slice3A_127 = vector.extract_strided_slice %max3A_79 {offsets = [320, 0], sizes = [64, 256], strides = [1, 1]} : vector<512x256xf32> to vector<64x256xf32>
    %reduce_max3A_128 = arith.constant dense<0xFF800000> : vector<256xf32>
    %reduce_max3A_129 = vector.multi_reduction <maximumf>, %slice3A_127, %reduce_max3A_128 [0] : vector<64x256xf32> to vector<256xf32>
    %broadcast_in_dim3A_130 = vector.shape_cast %reduce_max3A_129 : vector<256xf32> to vector<1x256xf32>
    %swap3A_131 = arith.constant 0 : index
    %swap3A_132 = arith.constant 5 : index
    %swap3A_133 = arith.constant 0 : index
    %swap3A_134 = vector.load %arg9[%swap3A_131, %swap3A_132, %swap3A_133] : memref<1x8x256xf32, #tpu.memory_space<vmem>>, vector<1x1x256xf32>
    %swap3A_135 = vector.shape_cast %swap3A_134 : vector<1x1x256xf32> to vector<1x256xf32>
    %swap3A_136 = vector.shape_cast %broadcast_in_dim3A_130 : vector<1x256xf32> to vector<1x1x256xf32>
    tpu.vector_store %arg9[%swap3A_131, %swap3A_132, %swap3A_133], %swap3A_136 {strides = array<i32>} : memref<1x8x256xf32, #tpu.memory_space<vmem>>, vector<1x1x256xf32>,
    %slice3A_137 = vector.extract_strided_slice %max3A_79 {offsets = [384, 0], sizes = [64, 256], strides = [1, 1]} : vector<512x256xf32> to vector<64x256xf32>
    %reduce_max3A_138 = arith.constant dense<0xFF800000> : vector<256xf32>
    %reduce_max3A_139 = vector.multi_reduction <maximumf>, %slice3A_137, %reduce_max3A_138 [0] : vector<64x256xf32> to vector<256xf32>
    %broadcast_in_dim3A_140 = vector.shape_cast %reduce_max3A_139 : vector<256xf32> to vector<1x256xf32>
    %swap3A_141 = arith.constant 0 : index
    %swap3A_142 = arith.constant 6 : index
    %swap3A_143 = arith.constant 0 : index
    %swap3A_144 = vector.load %arg9[%swap3A_141, %swap3A_142, %swap3A_143] : memref<1x8x256xf32, #tpu.memory_space<vmem>>, vector<1x1x256xf32>
    %swap3A_145 = vector.shape_cast %swap3A_144 : vector<1x1x256xf32> to vector<1x256xf32>
    %swap3A_146 = vector.shape_cast %broadcast_in_dim3A_140 : vector<1x256xf32> to vector<1x1x256xf32>
    tpu.vector_store %arg9[%swap3A_141, %swap3A_142, %swap3A_143], %swap3A_146 {strides = array<i32>} : memref<1x8x256xf32, #tpu.memory_space<vmem>>, vector<1x1x256xf32>,
    %slice3A_147 = vector.extract_strided_slice %max3A_79 {offsets = [448, 0], sizes = [64, 256], strides = [1, 1]} : vector<512x256xf32> to vector<64x256xf32>
    %reduce_max3A_148 = arith.constant dense<0xFF800000> : vector<256xf32>
    %reduce_max3A_149 = vector.multi_reduction <maximumf>, %slice3A_147, %reduce_max3A_148 [0] : vector<64x256xf32> to vector<256xf32>
    %broadcast_in_dim3A_150 = vector.shape_cast %reduce_max3A_149 : vector<256xf32> to vector<1x256xf32>
    %swap3A_151 = arith.constant 0 : index
    %swap3A_152 = arith.constant 7 : index
    %swap3A_153 = arith.constant 0 : index
    %swap3A_154 = vector.load %arg9[%swap3A_151, %swap3A_152, %swap3A_153] : memref<1x8x256xf32, #tpu.memory_space<vmem>>, vector<1x1x256xf32>
    %swap3A_155 = vector.shape_cast %swap3A_154 : vector<1x1x256xf32> to vector<1x256xf32>
    %swap3A_156 = vector.shape_cast %broadcast_in_dim3A_150 : vector<1x256xf32> to vector<1x1x256xf32>
    tpu.vector_store %arg9[%swap3A_151, %swap3A_152, %swap3A_153], %swap3A_156 {strides = array<i32>} : memref<1x8x256xf32, #tpu.memory_space<vmem>>, vector<1x1x256xf32>,
    return
  }
  func.func @transform_0(%arg0: i32, %arg1: i32) -> (i32, i32, i32) {
    %c0_i32 = arith.constant 0 : i32
    %c0_i32_0 = arith.constant 0 : i32
    %c0_i32_1 = arith.constant 0 : i32
    return %arg0, %c0_i32, %c0_i32_0 : i32, i32, i32
  }
  func.func @transform_1(%arg0: i32, %arg1: i32) -> (i32, i32, i32) {
    %mul3A = arith.constant 16 : i32
    %mul3A_0 = arith.muli %arg0, %mul3A : i32
    %add3A = arith.addi %mul3A_0, %arg1 : i32
    %c0_i32 = arith.constant 0 : i32
    %c0_i32_1 = arith.constant 0 : i32
    %c0_i32_2 = arith.constant 0 : i32
    return %add3A, %c0_i32, %c0_i32_1 : i32, i32, i32
  }
  func.func @transform_2(%arg0: i32, %arg1: i32) -> (i32, i32) {
    %mul3A = arith.constant 16 : i32
    %mul3A_0 = arith.muli %arg0, %mul3A : i32
    %add3A = arith.addi %mul3A_0, %arg1 : i32
    %c0_i32 = arith.constant 0 : i32
    %c0_i32_1 = arith.constant 0 : i32
    return %add3A, %c0_i32 : i32, i32
  }
  func.func @transform_3(%arg0: i32, %arg1: i32) -> (i32, i32) {
    %c0_i32 = arith.constant 0 : i32
    %c0_i32_0 = arith.constant 0 : i32
    %c0_i32_1 = arith.constant 0 : i32
    return %c0_i32, %c0_i32_0 : i32, i32
  }
  func.func @transform_4(%arg0: i32, %arg1: i32) -> (i32, i32) {
    %c0_i32 = arith.constant 0 : i32
    %c0_i32_0 = arith.constant 0 : i32
    %c0_i32_1 = arith.constant 0 : i32
    return %c0_i32, %c0_i32_0 : i32, i32
  }
  func.func @transform_5(%arg0: i32, %arg1: i32) -> (i32, i32) {
    %c0_i32 = arith.constant 0 : i32
    %c0_i32_0 = arith.constant 0 : i32
    %c0_i32_1 = arith.constant 0 : i32
    return %c0_i32, %c0_i32_0 : i32, i32
  }
  func.func @transform_6(%arg0: i32, %arg1: i32) -> (i32, i32) {
    %c0_i32 = arith.constant 0 : i32
    %c0_i32_0 = arith.constant 0 : i32
    %c0_i32_1 = arith.constant 0 : i32
    return %c0_i32, %c0_i32_0 : i32, i32
  }
  func.func @transform_7(%arg0: i32, %arg1: i32) -> (i32, i32, i32) {
    %mul3A = arith.constant 16 : i32
    %mul3A_0 = arith.muli %arg0, %mul3A : i32
    %add3A = arith.addi %mul3A_0, %arg1 : i32
    %c0_i32 = arith.constant 0 : i32
    %c0_i32_1 = arith.constant 0 : i32
    %c0_i32_2 = arith.constant 0 : i32
    return %add3A, %c0_i32, %c0_i32_1 : i32, i32, i32
  }
}

module attributes {stable_mosaic.version = 14 : i64} {
  func.func @_mlp_stack_body(%arg0: i32, %arg1: memref<1x128x643xf32, #tpu.memory_space<vmem>>, %arg2: memref<643x256xf32, #tpu.memory_space<vmem>>, %arg3: memref<1x256xf32, #tpu.memory_space<vmem>>, %arg4: memref<256x512xf32, #tpu.memory_space<vmem>>, %arg5: memref<1x512xf32, #tpu.memory_space<vmem>>, %arg6: memref<512x1024xf32, #tpu.memory_space<vmem>>, %arg7: memref<1x1024xf32, #tpu.memory_space<vmem>>, %arg8: memref<1x1x1024xf32, #tpu.memory_space<vmem>>) attributes {dimension_semantics = [#tpu.dimension_semantics<arbitrary>], iteration_bounds = array<i64: 8>, scalar_prefetch = 0 : i64, scratch_operands = 0 : i64, tpu.core_type = #tpu.core_type<tc>, window_params = [{transform_indices = @transform_0, window_bounds = array<i64: 1, 128, 643>}, {pipeline_mode = #tpu.pipeline_mode<synchronous>, transform_indices = @transform_1, window_bounds = array<i64: 643, 256>}, {pipeline_mode = #tpu.pipeline_mode<synchronous>, transform_indices = @transform_2, window_bounds = array<i64: 1, 256>}, {pipeline_mode = #tpu.pipeline_mode<synchronous>, transform_indices = @transform_3, window_bounds = array<i64: 256, 512>}, {pipeline_mode = #tpu.pipeline_mode<synchronous>, transform_indices = @transform_4, window_bounds = array<i64: 1, 512>}, {pipeline_mode = #tpu.pipeline_mode<synchronous>, transform_indices = @transform_5, window_bounds = array<i64: 512, 1024>}, {pipeline_mode = #tpu.pipeline_mode<synchronous>, transform_indices = @transform_6, window_bounds = array<i64: 1, 1024>}, {transform_indices = @transform_7, window_bounds = array<i64: 1, 1, 1024>}]} {
    %get3A = arith.constant 0 : index
    %get3A_0 = arith.constant 0 : index
    %get3A_1 = arith.constant 0 : index
    %get3A_2 = vector.load %arg1[%get3A, %get3A_0, %get3A_1] : memref<1x128x643xf32, #tpu.memory_space<vmem>>, vector<1x128x643xf32>
    %get3A_3 = vector.shape_cast %get3A_2 : vector<1x128x643xf32> to vector<128x643xf32>
    %get3A_4 = arith.constant 0 : index
    %get3A_5 = arith.constant 0 : index
    %get3A_6 = vector.load %arg2[%get3A_4, %get3A_5] : memref<643x256xf32, #tpu.memory_space<vmem>>, vector<643x256xf32>
    %get3A_7 = arith.constant 0 : index
    %get3A_8 = arith.constant 0 : index
    %get3A_9 = vector.load %arg3[%get3A_7, %get3A_8] : memref<1x256xf32, #tpu.memory_space<vmem>>, vector<1x256xf32>
    %dot_general3A = arith.constant dense<0.000000e+00> : vector<128x256xf32>
    %dot_general3A_10 = tpu.matmul %get3A_3, %get3A_6, %dot_general3A {dimension_numbers = #tpu.dot_dimension_numbers<[1], [0], [0], [1], [0, 0, 1, 1], [], []>, transpose_lhs_hint = false} : vector<128x643xf32>, vector<643x256xf32>, vector<128x256xf32> -> vector<128x256xf32>
    %add3A = vector.broadcast %get3A_9 : vector<1x256xf32> to vector<128x256xf32>
    %add3A_11 = arith.addf %dot_general3A_10, %add3A : vector<128x256xf32>
    %max3A = arith.constant 0.000000e+00 : f32
    %max3A_12 = vector.broadcast %max3A : f32 to vector<128x256xf32>
    %max3A_13 = arith.maximumf %add3A_11, %max3A_12 : vector<128x256xf32>
    %get3A_14 = arith.constant 0 : index
    %get3A_15 = arith.constant 0 : index
    %get3A_16 = vector.load %arg4[%get3A_14, %get3A_15] : memref<256x512xf32, #tpu.memory_space<vmem>>, vector<256x512xf32>
    %get3A_17 = arith.constant 0 : index
    %get3A_18 = arith.constant 0 : index
    %get3A_19 = vector.load %arg5[%get3A_17, %get3A_18] : memref<1x512xf32, #tpu.memory_space<vmem>>, vector<1x512xf32>
    %dot_general3A_20 = arith.constant dense<0.000000e+00> : vector<128x512xf32>
    %dot_general3A_21 = tpu.matmul %max3A_13, %get3A_16, %dot_general3A_20 {dimension_numbers = #tpu.dot_dimension_numbers<[1], [0], [0], [1], [0, 0, 1, 1], [], []>, transpose_lhs_hint = false} : vector<128x256xf32>, vector<256x512xf32>, vector<128x512xf32> -> vector<128x512xf32>
    %add3A_22 = vector.broadcast %get3A_19 : vector<1x512xf32> to vector<128x512xf32>
    %add3A_23 = arith.addf %dot_general3A_21, %add3A_22 : vector<128x512xf32>
    %max3A_24 = arith.constant 0.000000e+00 : f32
    %max3A_25 = vector.broadcast %max3A_24 : f32 to vector<128x512xf32>
    %max3A_26 = arith.maximumf %add3A_23, %max3A_25 : vector<128x512xf32>
    %get3A_27 = arith.constant 0 : index
    %get3A_28 = arith.constant 0 : index
    %get3A_29 = vector.load %arg6[%get3A_27, %get3A_28] : memref<512x1024xf32, #tpu.memory_space<vmem>>, vector<512x1024xf32>
    %get3A_30 = arith.constant 0 : index
    %get3A_31 = arith.constant 0 : index
    %get3A_32 = vector.load %arg7[%get3A_30, %get3A_31] : memref<1x1024xf32, #tpu.memory_space<vmem>>, vector<1x1024xf32>
    %dot_general3A_33 = arith.constant dense<0.000000e+00> : vector<128x1024xf32>
    %dot_general3A_34 = tpu.matmul %max3A_26, %get3A_29, %dot_general3A_33 {dimension_numbers = #tpu.dot_dimension_numbers<[1], [0], [0], [1], [0, 0, 1, 1], [], []>, transpose_lhs_hint = false} : vector<128x512xf32>, vector<512x1024xf32>, vector<128x1024xf32> -> vector<128x1024xf32>
    %add3A_35 = vector.broadcast %get3A_32 : vector<1x1024xf32> to vector<128x1024xf32>
    %add3A_36 = arith.addf %dot_general3A_34, %add3A_35 : vector<128x1024xf32>
    %max3A_37 = arith.constant 0.000000e+00 : f32
    %max3A_38 = vector.broadcast %max3A_37 : f32 to vector<128x1024xf32>
    %max3A_39 = arith.maximumf %add3A_36, %max3A_38 : vector<128x1024xf32>
    %reduce_max3A = arith.constant dense<0xFF800000> : vector<1024xf32>
    %reduce_max3A_40 = vector.multi_reduction <maximumf>, %max3A_39, %reduce_max3A [0] : vector<128x1024xf32> to vector<1024xf32>
    %broadcast_in_dim3A = vector.shape_cast %reduce_max3A_40 : vector<1024xf32> to vector<1x1024xf32>
    %swap3A = arith.constant 0 : index
    %swap3A_41 = arith.constant 0 : index
    %swap3A_42 = arith.constant 0 : index
    %swap3A_43 = vector.load %arg8[%swap3A, %swap3A_41, %swap3A_42] : memref<1x1x1024xf32, #tpu.memory_space<vmem>>, vector<1x1x1024xf32>
    %swap3A_44 = vector.shape_cast %swap3A_43 : vector<1x1x1024xf32> to vector<1x1024xf32>
    %swap3A_45 = vector.shape_cast %broadcast_in_dim3A : vector<1x1024xf32> to vector<1x1x1024xf32>
    tpu.vector_store %arg8[%swap3A, %swap3A_41, %swap3A_42], %swap3A_45 {strides = array<i32>} : memref<1x1x1024xf32, #tpu.memory_space<vmem>>, vector<1x1x1024xf32>,
    return
  }
  func.func @transform_0(%arg0: i32) -> (i32, i32, i32) {
    %c0_i32 = arith.constant 0 : i32
    %c0_i32_0 = arith.constant 0 : i32
    %c0_i32_1 = arith.constant 0 : i32
    return %arg0, %c0_i32, %c0_i32_0 : i32, i32, i32
  }
  func.func @transform_1(%arg0: i32) -> (i32, i32) {
    %c0_i32 = arith.constant 0 : i32
    %c0_i32_0 = arith.constant 0 : i32
    %c0_i32_1 = arith.constant 0 : i32
    return %c0_i32, %c0_i32_0 : i32, i32
  }
  func.func @transform_2(%arg0: i32) -> (i32, i32) {
    %c0_i32 = arith.constant 0 : i32
    %c0_i32_0 = arith.constant 0 : i32
    %c0_i32_1 = arith.constant 0 : i32
    return %c0_i32, %c0_i32_0 : i32, i32
  }
  func.func @transform_3(%arg0: i32) -> (i32, i32) {
    %c0_i32 = arith.constant 0 : i32
    %c0_i32_0 = arith.constant 0 : i32
    %c0_i32_1 = arith.constant 0 : i32
    return %c0_i32, %c0_i32_0 : i32, i32
  }
  func.func @transform_4(%arg0: i32) -> (i32, i32) {
    %c0_i32 = arith.constant 0 : i32
    %c0_i32_0 = arith.constant 0 : i32
    %c0_i32_1 = arith.constant 0 : i32
    return %c0_i32, %c0_i32_0 : i32, i32
  }
  func.func @transform_5(%arg0: i32) -> (i32, i32) {
    %c0_i32 = arith.constant 0 : i32
    %c0_i32_0 = arith.constant 0 : i32
    %c0_i32_1 = arith.constant 0 : i32
    return %c0_i32, %c0_i32_0 : i32, i32
  }
  func.func @transform_6(%arg0: i32) -> (i32, i32) {
    %c0_i32 = arith.constant 0 : i32
    %c0_i32_0 = arith.constant 0 : i32
    %c0_i32_1 = arith.constant 0 : i32
    return %c0_i32, %c0_i32_0 : i32, i32
  }
  func.func @transform_7(%arg0: i32) -> (i32, i32, i32) {
    %c0_i32 = arith.constant 0 : i32
    %c0_i32_0 = arith.constant 0 : i32
    %c0_i32_1 = arith.constant 0 : i32
    return %arg0, %c0_i32, %c0_i32_0 : i32, i32, i32
  }
}

module attributes {stable_mosaic.version = 14 : i64} {
  func.func @_mlp_stack_body(%arg0: i32, %arg1: memref<1x128x1664xf32, #tpu.memory_space<vmem>>, %arg2: memref<1664x256xf32, #tpu.memory_space<vmem>>, %arg3: memref<1x256xf32, #tpu.memory_space<vmem>>, %arg4: memref<256x256xf32, #tpu.memory_space<vmem>>, %arg5: memref<1x256xf32, #tpu.memory_space<vmem>>, %arg6: memref<1x128x256xf32, #tpu.memory_space<vmem>>) attributes {dimension_semantics = [#tpu.dimension_semantics<arbitrary>], iteration_bounds = array<i64: 8>, scalar_prefetch = 0 : i64, scratch_operands = 0 : i64, tpu.core_type = #tpu.core_type<tc>, window_params = [{transform_indices = @transform_0, window_bounds = array<i64: 1, 128, 1664>}, {pipeline_mode = #tpu.pipeline_mode<synchronous>, transform_indices = @transform_1, window_bounds = array<i64: 1664, 256>}, {pipeline_mode = #tpu.pipeline_mode<synchronous>, transform_indices = @transform_2, window_bounds = array<i64: 1, 256>}, {pipeline_mode = #tpu.pipeline_mode<synchronous>, transform_indices = @transform_3, window_bounds = array<i64: 256, 256>}, {pipeline_mode = #tpu.pipeline_mode<synchronous>, transform_indices = @transform_4, window_bounds = array<i64: 1, 256>}, {transform_indices = @transform_5, window_bounds = array<i64: 1, 128, 256>}]} {
    %get3A = arith.constant 0 : index
    %get3A_0 = arith.constant 0 : index
    %get3A_1 = arith.constant 0 : index
    %get3A_2 = vector.load %arg1[%get3A, %get3A_0, %get3A_1] : memref<1x128x1664xf32, #tpu.memory_space<vmem>>, vector<1x128x1664xf32>
    %get3A_3 = vector.shape_cast %get3A_2 : vector<1x128x1664xf32> to vector<128x1664xf32>
    %get3A_4 = arith.constant 0 : index
    %get3A_5 = arith.constant 0 : index
    %get3A_6 = vector.load %arg2[%get3A_4, %get3A_5] : memref<1664x256xf32, #tpu.memory_space<vmem>>, vector<1664x256xf32>
    %get3A_7 = arith.constant 0 : index
    %get3A_8 = arith.constant 0 : index
    %get3A_9 = vector.load %arg3[%get3A_7, %get3A_8] : memref<1x256xf32, #tpu.memory_space<vmem>>, vector<1x256xf32>
    %dot_general3A = arith.constant dense<0.000000e+00> : vector<128x256xf32>
    %dot_general3A_10 = tpu.matmul %get3A_3, %get3A_6, %dot_general3A {dimension_numbers = #tpu.dot_dimension_numbers<[1], [0], [0], [1], [0, 0, 1, 1], [], []>, transpose_lhs_hint = false} : vector<128x1664xf32>, vector<1664x256xf32>, vector<128x256xf32> -> vector<128x256xf32>
    %add3A = vector.broadcast %get3A_9 : vector<1x256xf32> to vector<128x256xf32>
    %add3A_11 = arith.addf %dot_general3A_10, %add3A : vector<128x256xf32>
    %max3A = arith.constant 0.000000e+00 : f32
    %max3A_12 = vector.broadcast %max3A : f32 to vector<128x256xf32>
    %max3A_13 = arith.maximumf %add3A_11, %max3A_12 : vector<128x256xf32>
    %get3A_14 = arith.constant 0 : index
    %get3A_15 = arith.constant 0 : index
    %get3A_16 = vector.load %arg4[%get3A_14, %get3A_15] : memref<256x256xf32, #tpu.memory_space<vmem>>, vector<256x256xf32>
    %get3A_17 = arith.constant 0 : index
    %get3A_18 = arith.constant 0 : index
    %get3A_19 = vector.load %arg5[%get3A_17, %get3A_18] : memref<1x256xf32, #tpu.memory_space<vmem>>, vector<1x256xf32>
    %dot_general3A_20 = arith.constant dense<0.000000e+00> : vector<128x256xf32>
    %dot_general3A_21 = tpu.matmul %max3A_13, %get3A_16, %dot_general3A_20 {dimension_numbers = #tpu.dot_dimension_numbers<[1], [0], [0], [1], [0, 0, 1, 1], [], []>, transpose_lhs_hint = false} : vector<128x256xf32>, vector<256x256xf32>, vector<128x256xf32> -> vector<128x256xf32>
    %add3A_22 = vector.broadcast %get3A_19 : vector<1x256xf32> to vector<128x256xf32>
    %add3A_23 = arith.addf %dot_general3A_21, %add3A_22 : vector<128x256xf32>
    %max3A_24 = arith.constant 0.000000e+00 : f32
    %max3A_25 = vector.broadcast %max3A_24 : f32 to vector<128x256xf32>
    %max3A_26 = arith.maximumf %add3A_23, %max3A_25 : vector<128x256xf32>
    %swap3A = arith.constant 0 : index
    %swap3A_27 = arith.constant 0 : index
    %swap3A_28 = arith.constant 0 : index
    %swap3A_29 = vector.load %arg6[%swap3A, %swap3A_27, %swap3A_28] : memref<1x128x256xf32, #tpu.memory_space<vmem>>, vector<1x128x256xf32>
    %swap3A_30 = vector.shape_cast %swap3A_29 : vector<1x128x256xf32> to vector<128x256xf32>
    %swap3A_31 = vector.shape_cast %max3A_26 : vector<128x256xf32> to vector<1x128x256xf32>
    tpu.vector_store %arg6[%swap3A, %swap3A_27, %swap3A_28], %swap3A_31 {strides = array<i32>} : memref<1x128x256xf32, #tpu.memory_space<vmem>>, vector<1x128x256xf32>,
    return
  }
  func.func @transform_0(%arg0: i32) -> (i32, i32, i32) {
    %c0_i32 = arith.constant 0 : i32
    %c0_i32_0 = arith.constant 0 : i32
    %c0_i32_1 = arith.constant 0 : i32
    return %arg0, %c0_i32, %c0_i32_0 : i32, i32, i32
  }
  func.func @transform_1(%arg0: i32) -> (i32, i32) {
    %c0_i32 = arith.constant 0 : i32
    %c0_i32_0 = arith.constant 0 : i32
    %c0_i32_1 = arith.constant 0 : i32
    return %c0_i32, %c0_i32_0 : i32, i32
  }
  func.func @transform_2(%arg0: i32) -> (i32, i32) {
    %c0_i32 = arith.constant 0 : i32
    %c0_i32_0 = arith.constant 0 : i32
    %c0_i32_1 = arith.constant 0 : i32
    return %c0_i32, %c0_i32_0 : i32, i32
  }
  func.func @transform_3(%arg0: i32) -> (i32, i32) {
    %c0_i32 = arith.constant 0 : i32
    %c0_i32_0 = arith.constant 0 : i32
    %c0_i32_1 = arith.constant 0 : i32
    return %c0_i32, %c0_i32_0 : i32, i32
  }
  func.func @transform_4(%arg0: i32) -> (i32, i32) {
    %c0_i32 = arith.constant 0 : i32
    %c0_i32_0 = arith.constant 0 : i32
    %c0_i32_1 = arith.constant 0 : i32
    return %c0_i32, %c0_i32_0 : i32, i32
  }
  func.func @transform_5(%arg0: i32) -> (i32, i32, i32) {
    %c0_i32 = arith.constant 0 : i32
    %c0_i32_0 = arith.constant 0 : i32
    %c0_i32_1 = arith.constant 0 : i32
    return %arg0, %c0_i32, %c0_i32_0 : i32, i32, i32
  }
}

module attributes {stable_mosaic.version = 14 : i64} {
  func.func @_knn3_body(%arg0: i32, %arg1: i32, %arg2: memref<1x512x3xf32, #tpu.memory_space<vmem>>, %arg3: memref<1x3x128xf32, #tpu.memory_space<vmem>>, %arg4: memref<1x128x256xf32, #tpu.memory_space<vmem>>, %arg5: memref<1x512x256xf32, #tpu.memory_space<vmem>>) attributes {dimension_semantics = [#tpu.dimension_semantics<arbitrary>, #tpu.dimension_semantics<arbitrary>], iteration_bounds = array<i64: 8, 1>, scalar_prefetch = 0 : i64, scratch_operands = 0 : i64, tpu.core_type = #tpu.core_type<tc>, window_params = [{transform_indices = @transform_0, window_bounds = array<i64: 1, 512, 3>}, {transform_indices = @transform_1, window_bounds = array<i64: 1, 3, 128>}, {transform_indices = @transform_2, window_bounds = array<i64: 1, 128, 256>}, {transform_indices = @transform_3, window_bounds = array<i64: 1, 512, 256>}]} {
    %get3A = arith.constant 0 : index
    %get3A_0 = arith.constant 0 : index
    %get3A_1 = arith.constant 0 : index
    %get3A_2 = vector.load %arg2[%get3A, %get3A_0, %get3A_1] : memref<1x512x3xf32, #tpu.memory_space<vmem>>, vector<1x512x3xf32>
    %get3A_3 = vector.shape_cast %get3A_2 : vector<1x512x3xf32> to vector<512x3xf32>
    %get3A_4 = arith.constant 0 : index
    %get3A_5 = arith.constant 0 : index
    %get3A_6 = arith.constant 0 : index
    %get3A_7 = vector.load %arg3[%get3A_4, %get3A_5, %get3A_6] : memref<1x3x128xf32, #tpu.memory_space<vmem>>, vector<1x3x128xf32>
    %get3A_8 = vector.shape_cast %get3A_7 : vector<1x3x128xf32> to vector<3x128xf32>
    %mul3A = arith.mulf %get3A_3, %get3A_3 : vector<512x3xf32>
    %reduce_sum3A = arith.constant dense<0.000000e+00> : vector<512xf32>
    %reduce_sum3A_9 = vector.multi_reduction <add>, %mul3A, %reduce_sum3A [1] : vector<512x3xf32> to vector<512xf32>
    %broadcast_in_dim3A = vector.shape_cast %reduce_sum3A_9 : vector<512xf32> to vector<512x1xf32>
    %mul3A_10 = arith.mulf %get3A_8, %get3A_8 : vector<3x128xf32>
    %reduce_sum3A_11 = arith.constant dense<0.000000e+00> : vector<128xf32>
    %reduce_sum3A_12 = vector.multi_reduction <add>, %mul3A_10, %reduce_sum3A_11 [0] : vector<3x128xf32> to vector<128xf32>
    %broadcast_in_dim3A_13 = vector.shape_cast %reduce_sum3A_12 : vector<128xf32> to vector<1x128xf32>
    %dot_general3A = arith.constant dense<0.000000e+00> : vector<512x128xf32>
    %dot_general3A_14 = tpu.matmul %get3A_3, %get3A_8, %dot_general3A {dimension_numbers = #tpu.dot_dimension_numbers<[1], [0], [0], [1], [0, 0, 1, 1], [], []>, transpose_lhs_hint = false} : vector<512x3xf32>, vector<3x128xf32>, vector<512x128xf32> -> vector<512x128xf32>
    %mul3A_15 = arith.constant 2.000000e+00 : f32
    %mul3A_16 = vector.broadcast %mul3A_15 : f32 to vector<512x128xf32>
    %mul3A_17 = arith.mulf %mul3A_16, %dot_general3A_14 : vector<512x128xf32>
    %sub3A = vector.broadcast %broadcast_in_dim3A : vector<512x1xf32> to vector<512x128xf32>
    %sub3A_18 = arith.subf %sub3A, %mul3A_17 : vector<512x128xf32>
    %add3A = vector.broadcast %broadcast_in_dim3A_13 : vector<1x128xf32> to vector<512x128xf32>
    %add3A_19 = arith.addf %sub3A_18, %add3A : vector<512x128xf32>
    %iota3A = tpu.iota {dimensions = array<i32: 1>} : vector<512x128xi32>
    %broadcast_in_dim3A_20 = arith.constant 0.000000e+00 : f32
    %broadcast_in_dim3A_21 = vector.broadcast %broadcast_in_dim3A_20 : f32 to vector<512x128xf32>
    %broadcast_in_dim3A_22 = arith.constant 0.000000e+00 : f32
    %broadcast_in_dim3A_23 = vector.broadcast %broadcast_in_dim3A_22 : f32 to vector<512x1xf32>
    %reduce_min3A = arith.constant dense<0x7F800000> : vector<512xf32>
    %reduce_min3A_24 = vector.multi_reduction <minimumf>, %add3A_19, %reduce_min3A [1] : vector<512x128xf32> to vector<512xf32>
    %broadcast_in_dim3A_25 = vector.shape_cast %reduce_min3A_24 : vector<512xf32> to vector<512x1xf32>
    %eq3A = vector.broadcast %broadcast_in_dim3A_25 : vector<512x1xf32> to vector<512x128xf32>
    %eq3A_26 = arith.cmpf oeq, %add3A_19, %eq3A : vector<512x128xf32>
    %jit3A = arith.constant 128 : i32
    %broadcast_in_dim3A_27 = vector.broadcast %jit3A : i32 to vector<512x128xi32>
    %select_n3A = arith.select %eq3A_26, %iota3A, %broadcast_in_dim3A_27 : vector<512x128xi1>, vector<512x128xi32>
    %reduce_min3A_28 = arith.constant dense<2147483647> : vector<512xi32>
    %reduce_min3A_29 = vector.multi_reduction <minsi>, %select_n3A, %reduce_min3A_28 [1] : vector<512x128xi32> to vector<512xi32>
    %broadcast_in_dim3A_30 = vector.shape_cast %reduce_min3A_29 : vector<512xi32> to vector<512x1xi32>
    %eq3A_31 = vector.broadcast %broadcast_in_dim3A_30 : vector<512x1xi32> to vector<512x128xi32>
    %eq3A_32 = arith.cmpi eq, %iota3A, %eq3A_31 : vector<512x128xi32>
    %max3A = arith.constant 1.000000e-10 : f32
    %max3A_33 = vector.broadcast %max3A : f32 to vector<512x1xf32>
    %max3A_34 = arith.maximumf %broadcast_in_dim3A_25, %max3A_33 : vector<512x1xf32>
    %div3A = arith.constant 1.000000e+00 : f32
    %div3A_35 = vector.broadcast %div3A : f32 to vector<512x1xf32>
    %div3A_36 = arith.divf %div3A_35, %max3A_34 : vector<512x1xf32>
    %jit3A_37 = arith.constant 0.000000e+00 : f32
    %broadcast_in_dim3A_38 = vector.shape_cast %div3A_36 : vector<512x1xf32> to vector<512x1xf32>
    %broadcast_in_dim3A_39 = vector.broadcast %broadcast_in_dim3A_38 : vector<512x1xf32> to vector<512x128xf32>
    %broadcast_in_dim3A_40 = vector.broadcast %jit3A_37 : f32 to vector<512x128xf32>
    %select_n3A_41 = arith.select %eq3A_32, %broadcast_in_dim3A_39, %broadcast_in_dim3A_40 : vector<512x128xi1>, vector<512x128xf32>
    %add3A_42 = arith.addf %broadcast_in_dim3A_21, %select_n3A_41 : vector<512x128xf32>
    %add3A_43 = arith.addf %broadcast_in_dim3A_23, %div3A_36 : vector<512x1xf32>
    %jit3A_44 = arith.constant 0x7F800000 : f32
    %broadcast_in_dim3A_45 = vector.broadcast %jit3A_44 : f32 to vector<512x128xf32>
    %select_n3A_46 = arith.select %eq3A_32, %broadcast_in_dim3A_45, %add3A_19 : vector<512x128xi1>, vector<512x128xf32>
    %reduce_min3A_47 = arith.constant dense<0x7F800000> : vector<512xf32>
    %reduce_min3A_48 = vector.multi_reduction <minimumf>, %select_n3A_46, %reduce_min3A_47 [1] : vector<512x128xf32> to vector<512xf32>
    %broadcast_in_dim3A_49 = vector.shape_cast %reduce_min3A_48 : vector<512xf32> to vector<512x1xf32>
    %eq3A_50 = vector.broadcast %broadcast_in_dim3A_49 : vector<512x1xf32> to vector<512x128xf32>
    %eq3A_51 = arith.cmpf oeq, %select_n3A_46, %eq3A_50 : vector<512x128xf32>
    %jit3A_52 = arith.constant 128 : i32
    %broadcast_in_dim3A_53 = vector.broadcast %jit3A_52 : i32 to vector<512x128xi32>
    %select_n3A_54 = arith.select %eq3A_51, %iota3A, %broadcast_in_dim3A_53 : vector<512x128xi1>, vector<512x128xi32>
    %reduce_min3A_55 = arith.constant dense<2147483647> : vector<512xi32>
    %reduce_min3A_56 = vector.multi_reduction <minsi>, %select_n3A_54, %reduce_min3A_55 [1] : vector<512x128xi32> to vector<512xi32>
    %broadcast_in_dim3A_57 = vector.shape_cast %reduce_min3A_56 : vector<512xi32> to vector<512x1xi32>
    %eq3A_58 = vector.broadcast %broadcast_in_dim3A_57 : vector<512x1xi32> to vector<512x128xi32>
    %eq3A_59 = arith.cmpi eq, %iota3A, %eq3A_58 : vector<512x128xi32>
    %max3A_60 = arith.constant 1.000000e-10 : f32
    %max3A_61 = vector.broadcast %max3A_60 : f32 to vector<512x1xf32>
    %max3A_62 = arith.maximumf %broadcast_in_dim3A_49, %max3A_61 : vector<512x1xf32>
    %div3A_63 = arith.constant 1.000000e+00 : f32
    %div3A_64 = vector.broadcast %div3A_63 : f32 to vector<512x1xf32>
    %div3A_65 = arith.divf %div3A_64, %max3A_62 : vector<512x1xf32>
    %jit3A_66 = arith.constant 0.000000e+00 : f32
    %broadcast_in_dim3A_67 = vector.shape_cast %div3A_65 : vector<512x1xf32> to vector<512x1xf32>
    %broadcast_in_dim3A_68 = vector.broadcast %broadcast_in_dim3A_67 : vector<512x1xf32> to vector<512x128xf32>
    %broadcast_in_dim3A_69 = vector.broadcast %jit3A_66 : f32 to vector<512x128xf32>
    %select_n3A_70 = arith.select %eq3A_59, %broadcast_in_dim3A_68, %broadcast_in_dim3A_69 : vector<512x128xi1>, vector<512x128xf32>
    %add3A_71 = arith.addf %add3A_42, %select_n3A_70 : vector<512x128xf32>
    %add3A_72 = arith.addf %add3A_43, %div3A_65 : vector<512x1xf32>
    %jit3A_73 = arith.constant 0x7F800000 : f32
    %broadcast_in_dim3A_74 = vector.broadcast %jit3A_73 : f32 to vector<512x128xf32>
    %select_n3A_75 = arith.select %eq3A_59, %broadcast_in_dim3A_74, %select_n3A_46 : vector<512x128xi1>, vector<512x128xf32>
    %reduce_min3A_76 = arith.constant dense<0x7F800000> : vector<512xf32>
    %reduce_min3A_77 = vector.multi_reduction <minimumf>, %select_n3A_75, %reduce_min3A_76 [1] : vector<512x128xf32> to vector<512xf32>
    %broadcast_in_dim3A_78 = vector.shape_cast %reduce_min3A_77 : vector<512xf32> to vector<512x1xf32>
    %eq3A_79 = vector.broadcast %broadcast_in_dim3A_78 : vector<512x1xf32> to vector<512x128xf32>
    %eq3A_80 = arith.cmpf oeq, %select_n3A_75, %eq3A_79 : vector<512x128xf32>
    %jit3A_81 = arith.constant 128 : i32
    %broadcast_in_dim3A_82 = vector.broadcast %jit3A_81 : i32 to vector<512x128xi32>
    %select_n3A_83 = arith.select %eq3A_80, %iota3A, %broadcast_in_dim3A_82 : vector<512x128xi1>, vector<512x128xi32>
    %reduce_min3A_84 = arith.constant dense<2147483647> : vector<512xi32>
    %reduce_min3A_85 = vector.multi_reduction <minsi>, %select_n3A_83, %reduce_min3A_84 [1] : vector<512x128xi32> to vector<512xi32>
    %broadcast_in_dim3A_86 = vector.shape_cast %reduce_min3A_85 : vector<512xi32> to vector<512x1xi32>
    %eq3A_87 = vector.broadcast %broadcast_in_dim3A_86 : vector<512x1xi32> to vector<512x128xi32>
    %eq3A_88 = arith.cmpi eq, %iota3A, %eq3A_87 : vector<512x128xi32>
    %max3A_89 = arith.constant 1.000000e-10 : f32
    %max3A_90 = vector.broadcast %max3A_89 : f32 to vector<512x1xf32>
    %max3A_91 = arith.maximumf %broadcast_in_dim3A_78, %max3A_90 : vector<512x1xf32>
    %div3A_92 = arith.constant 1.000000e+00 : f32
    %div3A_93 = vector.broadcast %div3A_92 : f32 to vector<512x1xf32>
    %div3A_94 = arith.divf %div3A_93, %max3A_91 : vector<512x1xf32>
    %jit3A_95 = arith.constant 0.000000e+00 : f32
    %broadcast_in_dim3A_96 = vector.shape_cast %div3A_94 : vector<512x1xf32> to vector<512x1xf32>
    %broadcast_in_dim3A_97 = vector.broadcast %broadcast_in_dim3A_96 : vector<512x1xf32> to vector<512x128xf32>
    %broadcast_in_dim3A_98 = vector.broadcast %jit3A_95 : f32 to vector<512x128xf32>
    %select_n3A_99 = arith.select %eq3A_88, %broadcast_in_dim3A_97, %broadcast_in_dim3A_98 : vector<512x128xi1>, vector<512x128xf32>
    %add3A_100 = arith.addf %add3A_71, %select_n3A_99 : vector<512x128xf32>
    %add3A_101 = arith.addf %add3A_72, %div3A_94 : vector<512x1xf32>
    %div3A_102 = vector.broadcast %add3A_101 : vector<512x1xf32> to vector<512x128xf32>
    %div3A_103 = arith.divf %add3A_100, %div3A_102 : vector<512x128xf32>
    %get3A_104 = arith.constant 0 : index
    %get3A_105 = arith.constant 0 : index
    %get3A_106 = arith.constant 0 : index
    %get3A_107 = vector.load %arg4[%get3A_104, %get3A_105, %get3A_106] : memref<1x128x256xf32, #tpu.memory_space<vmem>>, vector<1x128x256xf32>
    %get3A_108 = vector.shape_cast %get3A_107 : vector<1x128x256xf32> to vector<128x256xf32>
    %dot_general3A_109 = arith.constant dense<0.000000e+00> : vector<512x256xf32>
    %dot_general3A_110 = tpu.matmul %div3A_103, %get3A_108, %dot_general3A_109 {dimension_numbers = #tpu.dot_dimension_numbers<[1], [0], [0], [1], [0, 0, 1, 1], [], []>, transpose_lhs_hint = false} : vector<512x128xf32>, vector<128x256xf32>, vector<512x256xf32> -> vector<512x256xf32>
    %swap3A = arith.constant 0 : index
    %swap3A_111 = arith.constant 0 : index
    %swap3A_112 = arith.constant 0 : index
    %swap3A_113 = vector.load %arg5[%swap3A, %swap3A_111, %swap3A_112] : memref<1x512x256xf32, #tpu.memory_space<vmem>>, vector<1x512x256xf32>
    %swap3A_114 = vector.shape_cast %swap3A_113 : vector<1x512x256xf32> to vector<512x256xf32>
    %swap3A_115 = vector.shape_cast %dot_general3A_110 : vector<512x256xf32> to vector<1x512x256xf32>
    tpu.vector_store %arg5[%swap3A, %swap3A_111, %swap3A_112], %swap3A_115 {strides = array<i32>} : memref<1x512x256xf32, #tpu.memory_space<vmem>>, vector<1x512x256xf32>,
    return
  }
  func.func @transform_0(%arg0: i32, %arg1: i32) -> (i32, i32, i32) {
    %c0_i32 = arith.constant 0 : i32
    %c0_i32_0 = arith.constant 0 : i32
    return %arg0, %arg1, %c0_i32 : i32, i32, i32
  }
  func.func @transform_1(%arg0: i32, %arg1: i32) -> (i32, i32, i32) {
    %c0_i32 = arith.constant 0 : i32
    %c0_i32_0 = arith.constant 0 : i32
    %c0_i32_1 = arith.constant 0 : i32
    return %arg0, %c0_i32, %c0_i32_0 : i32, i32, i32
  }
  func.func @transform_2(%arg0: i32, %arg1: i32) -> (i32, i32, i32) {
    %c0_i32 = arith.constant 0 : i32
    %c0_i32_0 = arith.constant 0 : i32
    %c0_i32_1 = arith.constant 0 : i32
    return %arg0, %c0_i32, %c0_i32_0 : i32, i32, i32
  }
  func.func @transform_3(%arg0: i32, %arg1: i32) -> (i32, i32, i32) {
    %c0_i32 = arith.constant 0 : i32
    %c0_i32_0 = arith.constant 0 : i32
    return %arg0, %arg1, %c0_i32 : i32, i32, i32
  }
}

module attributes {stable_mosaic.version = 14 : i64} {
  func.func @_mlp_stack_body(%arg0: i32, %arg1: memref<1x512x576xf32, #tpu.memory_space<vmem>>, %arg2: memref<576x256xf32, #tpu.memory_space<vmem>>, %arg3: memref<1x256xf32, #tpu.memory_space<vmem>>, %arg4: memref<256x128xf32, #tpu.memory_space<vmem>>, %arg5: memref<1x128xf32, #tpu.memory_space<vmem>>, %arg6: memref<1x512x128xf32, #tpu.memory_space<vmem>>) attributes {dimension_semantics = [#tpu.dimension_semantics<arbitrary>], iteration_bounds = array<i64: 8>, scalar_prefetch = 0 : i64, scratch_operands = 0 : i64, tpu.core_type = #tpu.core_type<tc>, window_params = [{transform_indices = @transform_0, window_bounds = array<i64: 1, 512, 576>}, {pipeline_mode = #tpu.pipeline_mode<synchronous>, transform_indices = @transform_1, window_bounds = array<i64: 576, 256>}, {pipeline_mode = #tpu.pipeline_mode<synchronous>, transform_indices = @transform_2, window_bounds = array<i64: 1, 256>}, {pipeline_mode = #tpu.pipeline_mode<synchronous>, transform_indices = @transform_3, window_bounds = array<i64: 256, 128>}, {pipeline_mode = #tpu.pipeline_mode<synchronous>, transform_indices = @transform_4, window_bounds = array<i64: 1, 128>}, {transform_indices = @transform_5, window_bounds = array<i64: 1, 512, 128>}]} {
    %get3A = arith.constant 0 : index
    %get3A_0 = arith.constant 0 : index
    %get3A_1 = arith.constant 0 : index
    %get3A_2 = vector.load %arg1[%get3A, %get3A_0, %get3A_1] : memref<1x512x576xf32, #tpu.memory_space<vmem>>, vector<1x512x576xf32>
    %get3A_3 = vector.shape_cast %get3A_2 : vector<1x512x576xf32> to vector<512x576xf32>
    %get3A_4 = arith.constant 0 : index
    %get3A_5 = arith.constant 0 : index
    %get3A_6 = vector.load %arg2[%get3A_4, %get3A_5] : memref<576x256xf32, #tpu.memory_space<vmem>>, vector<576x256xf32>
    %get3A_7 = arith.constant 0 : index
    %get3A_8 = arith.constant 0 : index
    %get3A_9 = vector.load %arg3[%get3A_7, %get3A_8] : memref<1x256xf32, #tpu.memory_space<vmem>>, vector<1x256xf32>
    %dot_general3A = arith.constant dense<0.000000e+00> : vector<512x256xf32>
    %dot_general3A_10 = tpu.matmul %get3A_3, %get3A_6, %dot_general3A {dimension_numbers = #tpu.dot_dimension_numbers<[1], [0], [0], [1], [0, 0, 1, 1], [], []>, transpose_lhs_hint = false} : vector<512x576xf32>, vector<576x256xf32>, vector<512x256xf32> -> vector<512x256xf32>
    %add3A = vector.broadcast %get3A_9 : vector<1x256xf32> to vector<512x256xf32>
    %add3A_11 = arith.addf %dot_general3A_10, %add3A : vector<512x256xf32>
    %max3A = arith.constant 0.000000e+00 : f32
    %max3A_12 = vector.broadcast %max3A : f32 to vector<512x256xf32>
    %max3A_13 = arith.maximumf %add3A_11, %max3A_12 : vector<512x256xf32>
    %get3A_14 = arith.constant 0 : index
    %get3A_15 = arith.constant 0 : index
    %get3A_16 = vector.load %arg4[%get3A_14, %get3A_15] : memref<256x128xf32, #tpu.memory_space<vmem>>, vector<256x128xf32>
    %get3A_17 = arith.constant 0 : index
    %get3A_18 = arith.constant 0 : index
    %get3A_19 = vector.load %arg5[%get3A_17, %get3A_18] : memref<1x128xf32, #tpu.memory_space<vmem>>, vector<1x128xf32>
    %dot_general3A_20 = arith.constant dense<0.000000e+00> : vector<512x128xf32>
    %dot_general3A_21 = tpu.matmul %max3A_13, %get3A_16, %dot_general3A_20 {dimension_numbers = #tpu.dot_dimension_numbers<[1], [0], [0], [1], [0, 0, 1, 1], [], []>, transpose_lhs_hint = false} : vector<512x256xf32>, vector<256x128xf32>, vector<512x128xf32> -> vector<512x128xf32>
    %add3A_22 = vector.broadcast %get3A_19 : vector<1x128xf32> to vector<512x128xf32>
    %add3A_23 = arith.addf %dot_general3A_21, %add3A_22 : vector<512x128xf32>
    %max3A_24 = arith.constant 0.000000e+00 : f32
    %max3A_25 = vector.broadcast %max3A_24 : f32 to vector<512x128xf32>
    %max3A_26 = arith.maximumf %add3A_23, %max3A_25 : vector<512x128xf32>
    %swap3A = arith.constant 0 : index
    %swap3A_27 = arith.constant 0 : index
    %swap3A_28 = arith.constant 0 : index
    %swap3A_29 = vector.load %arg6[%swap3A, %swap3A_27, %swap3A_28] : memref<1x512x128xf32, #tpu.memory_space<vmem>>, vector<1x512x128xf32>
    %swap3A_30 = vector.shape_cast %swap3A_29 : vector<1x512x128xf32> to vector<512x128xf32>
    %swap3A_31 = vector.shape_cast %max3A_26 : vector<512x128xf32> to vector<1x512x128xf32>
    tpu.vector_store %arg6[%swap3A, %swap3A_27, %swap3A_28], %swap3A_31 {strides = array<i32>} : memref<1x512x128xf32, #tpu.memory_space<vmem>>, vector<1x512x128xf32>,
    return
  }
  func.func @transform_0(%arg0: i32) -> (i32, i32, i32) {
    %c0_i32 = arith.constant 0 : i32
    %c0_i32_0 = arith.constant 0 : i32
    %c0_i32_1 = arith.constant 0 : i32
    return %arg0, %c0_i32, %c0_i32_0 : i32, i32, i32
  }
  func.func @transform_1(%arg0: i32) -> (i32, i32) {
    %c0_i32 = arith.constant 0 : i32
    %c0_i32_0 = arith.constant 0 : i32
    %c0_i32_1 = arith.constant 0 : i32
    return %c0_i32, %c0_i32_0 : i32, i32
  }
  func.func @transform_2(%arg0: i32) -> (i32, i32) {
    %c0_i32 = arith.constant 0 : i32
    %c0_i32_0 = arith.constant 0 : i32
    %c0_i32_1 = arith.constant 0 : i32
    return %c0_i32, %c0_i32_0 : i32, i32
  }
  func.func @transform_3(%arg0: i32) -> (i32, i32) {
    %c0_i32 = arith.constant 0 : i32
    %c0_i32_0 = arith.constant 0 : i32
    %c0_i32_1 = arith.constant 0 : i32
    return %c0_i32, %c0_i32_0 : i32, i32
  }
  func.func @transform_4(%arg0: i32) -> (i32, i32) {
    %c0_i32 = arith.constant 0 : i32
    %c0_i32_0 = arith.constant 0 : i32
    %c0_i32_1 = arith.constant 0 : i32
    return %c0_i32, %c0_i32_0 : i32, i32
  }
  func.func @transform_5(%arg0: i32) -> (i32, i32, i32) {
    %c0_i32 = arith.constant 0 : i32
    %c0_i32_0 = arith.constant 0 : i32
    %c0_i32_1 = arith.constant 0 : i32
    return %arg0, %c0_i32, %c0_i32_0 : i32, i32, i32
  }
}

module attributes {stable_mosaic.version = 14 : i64} {
  func.func @_knn3_body(%arg0: i32, %arg1: i32, %arg2: memref<1x1024x3xf32, #tpu.memory_space<vmem>>, %arg3: memref<1x3x512xf32, #tpu.memory_space<vmem>>, %arg4: memref<1x512x128xf32, #tpu.memory_space<vmem>>, %arg5: memref<1x1024x128xf32, #tpu.memory_space<vmem>>) attributes {dimension_semantics = [#tpu.dimension_semantics<arbitrary>, #tpu.dimension_semantics<arbitrary>], iteration_bounds = array<i64: 8, 4>, scalar_prefetch = 0 : i64, scratch_operands = 0 : i64, tpu.core_type = #tpu.core_type<tc>, window_params = [{transform_indices = @transform_0, window_bounds = array<i64: 1, 1024, 3>}, {transform_indices = @transform_1, window_bounds = array<i64: 1, 3, 512>}, {transform_indices = @transform_2, window_bounds = array<i64: 1, 512, 128>}, {transform_indices = @transform_3, window_bounds = array<i64: 1, 1024, 128>}]} {
    %get3A = arith.constant 0 : index
    %get3A_0 = arith.constant 0 : index
    %get3A_1 = arith.constant 0 : index
    %get3A_2 = vector.load %arg2[%get3A, %get3A_0, %get3A_1] : memref<1x1024x3xf32, #tpu.memory_space<vmem>>, vector<1x1024x3xf32>
    %get3A_3 = vector.shape_cast %get3A_2 : vector<1x1024x3xf32> to vector<1024x3xf32>
    %get3A_4 = arith.constant 0 : index
    %get3A_5 = arith.constant 0 : index
    %get3A_6 = arith.constant 0 : index
    %get3A_7 = vector.load %arg3[%get3A_4, %get3A_5, %get3A_6] : memref<1x3x512xf32, #tpu.memory_space<vmem>>, vector<1x3x512xf32>
    %get3A_8 = vector.shape_cast %get3A_7 : vector<1x3x512xf32> to vector<3x512xf32>
    %mul3A = arith.mulf %get3A_3, %get3A_3 : vector<1024x3xf32>
    %reduce_sum3A = arith.constant dense<0.000000e+00> : vector<1024xf32>
    %reduce_sum3A_9 = vector.multi_reduction <add>, %mul3A, %reduce_sum3A [1] : vector<1024x3xf32> to vector<1024xf32>
    %broadcast_in_dim3A = vector.shape_cast %reduce_sum3A_9 : vector<1024xf32> to vector<1024x1xf32>
    %mul3A_10 = arith.mulf %get3A_8, %get3A_8 : vector<3x512xf32>
    %reduce_sum3A_11 = arith.constant dense<0.000000e+00> : vector<512xf32>
    %reduce_sum3A_12 = vector.multi_reduction <add>, %mul3A_10, %reduce_sum3A_11 [0] : vector<3x512xf32> to vector<512xf32>
    %broadcast_in_dim3A_13 = vector.shape_cast %reduce_sum3A_12 : vector<512xf32> to vector<1x512xf32>
    %dot_general3A = arith.constant dense<0.000000e+00> : vector<1024x512xf32>
    %dot_general3A_14 = tpu.matmul %get3A_3, %get3A_8, %dot_general3A {dimension_numbers = #tpu.dot_dimension_numbers<[1], [0], [0], [1], [0, 0, 1, 1], [], []>, transpose_lhs_hint = false} : vector<1024x3xf32>, vector<3x512xf32>, vector<1024x512xf32> -> vector<1024x512xf32>
    %mul3A_15 = arith.constant 2.000000e+00 : f32
    %mul3A_16 = vector.broadcast %mul3A_15 : f32 to vector<1024x512xf32>
    %mul3A_17 = arith.mulf %mul3A_16, %dot_general3A_14 : vector<1024x512xf32>
    %sub3A = vector.broadcast %broadcast_in_dim3A : vector<1024x1xf32> to vector<1024x512xf32>
    %sub3A_18 = arith.subf %sub3A, %mul3A_17 : vector<1024x512xf32>
    %add3A = vector.broadcast %broadcast_in_dim3A_13 : vector<1x512xf32> to vector<1024x512xf32>
    %add3A_19 = arith.addf %sub3A_18, %add3A : vector<1024x512xf32>
    %iota3A = tpu.iota {dimensions = array<i32: 1>} : vector<1024x512xi32>
    %broadcast_in_dim3A_20 = arith.constant 0.000000e+00 : f32
    %broadcast_in_dim3A_21 = vector.broadcast %broadcast_in_dim3A_20 : f32 to vector<1024x512xf32>
    %broadcast_in_dim3A_22 = arith.constant 0.000000e+00 : f32
    %broadcast_in_dim3A_23 = vector.broadcast %broadcast_in_dim3A_22 : f32 to vector<1024x1xf32>
    %reduce_min3A = arith.constant dense<0x7F800000> : vector<1024xf32>
    %reduce_min3A_24 = vector.multi_reduction <minimumf>, %add3A_19, %reduce_min3A [1] : vector<1024x512xf32> to vector<1024xf32>
    %broadcast_in_dim3A_25 = vector.shape_cast %reduce_min3A_24 : vector<1024xf32> to vector<1024x1xf32>
    %eq3A = vector.broadcast %broadcast_in_dim3A_25 : vector<1024x1xf32> to vector<1024x512xf32>
    %eq3A_26 = arith.cmpf oeq, %add3A_19, %eq3A : vector<1024x512xf32>
    %jit3A = arith.constant 512 : i32
    %broadcast_in_dim3A_27 = vector.broadcast %jit3A : i32 to vector<1024x512xi32>
    %select_n3A = arith.select %eq3A_26, %iota3A, %broadcast_in_dim3A_27 : vector<1024x512xi1>, vector<1024x512xi32>
    %reduce_min3A_28 = arith.constant dense<2147483647> : vector<1024xi32>
    %reduce_min3A_29 = vector.multi_reduction <minsi>, %select_n3A, %reduce_min3A_28 [1] : vector<1024x512xi32> to vector<1024xi32>
    %broadcast_in_dim3A_30 = vector.shape_cast %reduce_min3A_29 : vector<1024xi32> to vector<1024x1xi32>
    %eq3A_31 = vector.broadcast %broadcast_in_dim3A_30 : vector<1024x1xi32> to vector<1024x512xi32>
    %eq3A_32 = arith.cmpi eq, %iota3A, %eq3A_31 : vector<1024x512xi32>
    %max3A = arith.constant 1.000000e-10 : f32
    %max3A_33 = vector.broadcast %max3A : f32 to vector<1024x1xf32>
    %max3A_34 = arith.maximumf %broadcast_in_dim3A_25, %max3A_33 : vector<1024x1xf32>
    %div3A = arith.constant 1.000000e+00 : f32
    %div3A_35 = vector.broadcast %div3A : f32 to vector<1024x1xf32>
    %div3A_36 = arith.divf %div3A_35, %max3A_34 : vector<1024x1xf32>
    %jit3A_37 = arith.constant 0.000000e+00 : f32
    %broadcast_in_dim3A_38 = vector.shape_cast %div3A_36 : vector<1024x1xf32> to vector<1024x1xf32>
    %broadcast_in_dim3A_39 = vector.broadcast %broadcast_in_dim3A_38 : vector<1024x1xf32> to vector<1024x512xf32>
    %broadcast_in_dim3A_40 = vector.broadcast %jit3A_37 : f32 to vector<1024x512xf32>
    %select_n3A_41 = arith.select %eq3A_32, %broadcast_in_dim3A_39, %broadcast_in_dim3A_40 : vector<1024x512xi1>, vector<1024x512xf32>
    %add3A_42 = arith.addf %broadcast_in_dim3A_21, %select_n3A_41 : vector<1024x512xf32>
    %add3A_43 = arith.addf %broadcast_in_dim3A_23, %div3A_36 : vector<1024x1xf32>
    %jit3A_44 = arith.constant 0x7F800000 : f32
    %broadcast_in_dim3A_45 = vector.broadcast %jit3A_44 : f32 to vector<1024x512xf32>
    %select_n3A_46 = arith.select %eq3A_32, %broadcast_in_dim3A_45, %add3A_19 : vector<1024x512xi1>, vector<1024x512xf32>
    %reduce_min3A_47 = arith.constant dense<0x7F800000> : vector<1024xf32>
    %reduce_min3A_48 = vector.multi_reduction <minimumf>, %select_n3A_46, %reduce_min3A_47 [1] : vector<1024x512xf32> to vector<1024xf32>
    %broadcast_in_dim3A_49 = vector.shape_cast %reduce_min3A_48 : vector<1024xf32> to vector<1024x1xf32>
    %eq3A_50 = vector.broadcast %broadcast_in_dim3A_49 : vector<1024x1xf32> to vector<1024x512xf32>
    %eq3A_51 = arith.cmpf oeq, %select_n3A_46, %eq3A_50 : vector<1024x512xf32>
    %jit3A_52 = arith.constant 512 : i32
    %broadcast_in_dim3A_53 = vector.broadcast %jit3A_52 : i32 to vector<1024x512xi32>
    %select_n3A_54 = arith.select %eq3A_51, %iota3A, %broadcast_in_dim3A_53 : vector<1024x512xi1>, vector<1024x512xi32>
    %reduce_min3A_55 = arith.constant dense<2147483647> : vector<1024xi32>
    %reduce_min3A_56 = vector.multi_reduction <minsi>, %select_n3A_54, %reduce_min3A_55 [1] : vector<1024x512xi32> to vector<1024xi32>
    %broadcast_in_dim3A_57 = vector.shape_cast %reduce_min3A_56 : vector<1024xi32> to vector<1024x1xi32>
    %eq3A_58 = vector.broadcast %broadcast_in_dim3A_57 : vector<1024x1xi32> to vector<1024x512xi32>
    %eq3A_59 = arith.cmpi eq, %iota3A, %eq3A_58 : vector<1024x512xi32>
    %max3A_60 = arith.constant 1.000000e-10 : f32
    %max3A_61 = vector.broadcast %max3A_60 : f32 to vector<1024x1xf32>
    %max3A_62 = arith.maximumf %broadcast_in_dim3A_49, %max3A_61 : vector<1024x1xf32>
    %div3A_63 = arith.constant 1.000000e+00 : f32
    %div3A_64 = vector.broadcast %div3A_63 : f32 to vector<1024x1xf32>
    %div3A_65 = arith.divf %div3A_64, %max3A_62 : vector<1024x1xf32>
    %jit3A_66 = arith.constant 0.000000e+00 : f32
    %broadcast_in_dim3A_67 = vector.shape_cast %div3A_65 : vector<1024x1xf32> to vector<1024x1xf32>
    %broadcast_in_dim3A_68 = vector.broadcast %broadcast_in_dim3A_67 : vector<1024x1xf32> to vector<1024x512xf32>
    %broadcast_in_dim3A_69 = vector.broadcast %jit3A_66 : f32 to vector<1024x512xf32>
    %select_n3A_70 = arith.select %eq3A_59, %broadcast_in_dim3A_68, %broadcast_in_dim3A_69 : vector<1024x512xi1>, vector<1024x512xf32>
    %add3A_71 = arith.addf %add3A_42, %select_n3A_70 : vector<1024x512xf32>
    %add3A_72 = arith.addf %add3A_43, %div3A_65 : vector<1024x1xf32>
    %jit3A_73 = arith.constant 0x7F800000 : f32
    %broadcast_in_dim3A_74 = vector.broadcast %jit3A_73 : f32 to vector<1024x512xf32>
    %select_n3A_75 = arith.select %eq3A_59, %broadcast_in_dim3A_74, %select_n3A_46 : vector<1024x512xi1>, vector<1024x512xf32>
    %reduce_min3A_76 = arith.constant dense<0x7F800000> : vector<1024xf32>
    %reduce_min3A_77 = vector.multi_reduction <minimumf>, %select_n3A_75, %reduce_min3A_76 [1] : vector<1024x512xf32> to vector<1024xf32>
    %broadcast_in_dim3A_78 = vector.shape_cast %reduce_min3A_77 : vector<1024xf32> to vector<1024x1xf32>
    %eq3A_79 = vector.broadcast %broadcast_in_dim3A_78 : vector<1024x1xf32> to vector<1024x512xf32>
    %eq3A_80 = arith.cmpf oeq, %select_n3A_75, %eq3A_79 : vector<1024x512xf32>
    %jit3A_81 = arith.constant 512 : i32
    %broadcast_in_dim3A_82 = vector.broadcast %jit3A_81 : i32 to vector<1024x512xi32>
    %select_n3A_83 = arith.select %eq3A_80, %iota3A, %broadcast_in_dim3A_82 : vector<1024x512xi1>, vector<1024x512xi32>
    %reduce_min3A_84 = arith.constant dense<2147483647> : vector<1024xi32>
    %reduce_min3A_85 = vector.multi_reduction <minsi>, %select_n3A_83, %reduce_min3A_84 [1] : vector<1024x512xi32> to vector<1024xi32>
    %broadcast_in_dim3A_86 = vector.shape_cast %reduce_min3A_85 : vector<1024xi32> to vector<1024x1xi32>
    %eq3A_87 = vector.broadcast %broadcast_in_dim3A_86 : vector<1024x1xi32> to vector<1024x512xi32>
    %eq3A_88 = arith.cmpi eq, %iota3A, %eq3A_87 : vector<1024x512xi32>
    %max3A_89 = arith.constant 1.000000e-10 : f32
    %max3A_90 = vector.broadcast %max3A_89 : f32 to vector<1024x1xf32>
    %max3A_91 = arith.maximumf %broadcast_in_dim3A_78, %max3A_90 : vector<1024x1xf32>
    %div3A_92 = arith.constant 1.000000e+00 : f32
    %div3A_93 = vector.broadcast %div3A_92 : f32 to vector<1024x1xf32>
    %div3A_94 = arith.divf %div3A_93, %max3A_91 : vector<1024x1xf32>
    %jit3A_95 = arith.constant 0.000000e+00 : f32
    %broadcast_in_dim3A_96 = vector.shape_cast %div3A_94 : vector<1024x1xf32> to vector<1024x1xf32>
    %broadcast_in_dim3A_97 = vector.broadcast %broadcast_in_dim3A_96 : vector<1024x1xf32> to vector<1024x512xf32>
    %broadcast_in_dim3A_98 = vector.broadcast %jit3A_95 : f32 to vector<1024x512xf32>
    %select_n3A_99 = arith.select %eq3A_88, %broadcast_in_dim3A_97, %broadcast_in_dim3A_98 : vector<1024x512xi1>, vector<1024x512xf32>
    %add3A_100 = arith.addf %add3A_71, %select_n3A_99 : vector<1024x512xf32>
    %add3A_101 = arith.addf %add3A_72, %div3A_94 : vector<1024x1xf32>
    %div3A_102 = vector.broadcast %add3A_101 : vector<1024x1xf32> to vector<1024x512xf32>
    %div3A_103 = arith.divf %add3A_100, %div3A_102 : vector<1024x512xf32>
    %get3A_104 = arith.constant 0 : index
    %get3A_105 = arith.constant 0 : index
    %get3A_106 = arith.constant 0 : index
    %get3A_107 = vector.load %arg4[%get3A_104, %get3A_105, %get3A_106] : memref<1x512x128xf32, #tpu.memory_space<vmem>>, vector<1x512x128xf32>
    %get3A_108 = vector.shape_cast %get3A_107 : vector<1x512x128xf32> to vector<512x128xf32>
    %dot_general3A_109 = arith.constant dense<0.000000e+00> : vector<1024x128xf32>
    %dot_general3A_110 = tpu.matmul %div3A_103, %get3A_108, %dot_general3A_109 {dimension_numbers = #tpu.dot_dimension_numbers<[1], [0], [0], [1], [0, 0, 1, 1], [], []>, transpose_lhs_hint = false} : vector<1024x512xf32>, vector<512x128xf32>, vector<1024x128xf32> -> vector<1024x128xf32>
    %swap3A = arith.constant 0 : index
    %swap3A_111 = arith.constant 0 : index
    %swap3A_112 = arith.constant 0 : index
    %swap3A_113 = vector.load %arg5[%swap3A, %swap3A_111, %swap3A_112] : memref<1x1024x128xf32, #tpu.memory_space<vmem>>, vector<1x1024x128xf32>
    %swap3A_114 = vector.shape_cast %swap3A_113 : vector<1x1024x128xf32> to vector<1024x128xf32>
    %swap3A_115 = vector.shape_cast %dot_general3A_110 : vector<1024x128xf32> to vector<1x1024x128xf32>
    tpu.vector_store %arg5[%swap3A, %swap3A_111, %swap3A_112], %swap3A_115 {strides = array<i32>} : memref<1x1024x128xf32, #tpu.memory_space<vmem>>, vector<1x1024x128xf32>,
    return
  }
  func.func @transform_0(%arg0: i32, %arg1: i32) -> (i32, i32, i32) {
    %c0_i32 = arith.constant 0 : i32
    %c0_i32_0 = arith.constant 0 : i32
    return %arg0, %arg1, %c0_i32 : i32, i32, i32
  }
  func.func @transform_1(%arg0: i32, %arg1: i32) -> (i32, i32, i32) {
    %c0_i32 = arith.constant 0 : i32
    %c0_i32_0 = arith.constant 0 : i32
    %c0_i32_1 = arith.constant 0 : i32
    return %arg0, %c0_i32, %c0_i32_0 : i32, i32, i32
  }
  func.func @transform_2(%arg0: i32, %arg1: i32) -> (i32, i32, i32) {
    %c0_i32 = arith.constant 0 : i32
    %c0_i32_0 = arith.constant 0 : i32
    %c0_i32_1 = arith.constant 0 : i32
    return %arg0, %c0_i32, %c0_i32_0 : i32, i32, i32
  }
  func.func @transform_3(%arg0: i32, %arg1: i32) -> (i32, i32, i32) {
    %c0_i32 = arith.constant 0 : i32
    %c0_i32_0 = arith.constant 0 : i32
    return %arg0, %arg1, %c0_i32 : i32, i32, i32
  }
}

module attributes {stable_mosaic.version = 14 : i64} {
  func.func @_mlp_stack_body(%arg0: i32, %arg1: memref<4096x128xf32, #tpu.memory_space<vmem>>, %arg2: memref<128x128xf32, #tpu.memory_space<vmem>>, %arg3: memref<1x128xf32, #tpu.memory_space<vmem>>, %arg4: memref<128x128xf32, #tpu.memory_space<vmem>>, %arg5: memref<1x128xf32, #tpu.memory_space<vmem>>, %arg6: memref<128x128xf32, #tpu.memory_space<vmem>>, %arg7: memref<1x128xf32, #tpu.memory_space<vmem>>, %arg8: memref<128x128xf32, #tpu.memory_space<vmem>>, %arg9: memref<1x128xf32, #tpu.memory_space<vmem>>, %arg10: memref<128x128xf32, #tpu.memory_space<vmem>>, %arg11: memref<1x128xf32, #tpu.memory_space<vmem>>, %arg12: memref<128x13xf32, #tpu.memory_space<vmem>>, %arg13: memref<1x13xf32, #tpu.memory_space<vmem>>, %arg14: memref<4096x13xf32, #tpu.memory_space<vmem>>) attributes {dimension_semantics = [#tpu.dimension_semantics<arbitrary>], iteration_bounds = array<i64: 8>, scalar_prefetch = 0 : i64, scratch_operands = 0 : i64, tpu.core_type = #tpu.core_type<tc>, window_params = [{transform_indices = @transform_0, window_bounds = array<i64: 4096, 128>}, {pipeline_mode = #tpu.pipeline_mode<synchronous>, transform_indices = @transform_1, window_bounds = array<i64: 128, 128>}, {pipeline_mode = #tpu.pipeline_mode<synchronous>, transform_indices = @transform_2, window_bounds = array<i64: 1, 128>}, {pipeline_mode = #tpu.pipeline_mode<synchronous>, transform_indices = @transform_3, window_bounds = array<i64: 128, 128>}, {pipeline_mode = #tpu.pipeline_mode<synchronous>, transform_indices = @transform_4, window_bounds = array<i64: 1, 128>}, {pipeline_mode = #tpu.pipeline_mode<synchronous>, transform_indices = @transform_5, window_bounds = array<i64: 128, 128>}, {pipeline_mode = #tpu.pipeline_mode<synchronous>, transform_indices = @transform_6, window_bounds = array<i64: 1, 128>}, {pipeline_mode = #tpu.pipeline_mode<synchronous>, transform_indices = @transform_7, window_bounds = array<i64: 128, 128>}, {pipeline_mode = #tpu.pipeline_mode<synchronous>, transform_indices = @transform_8, window_bounds = array<i64: 1, 128>}, {pipeline_mode = #tpu.pipeline_mode<synchronous>, transform_indices = @transform_9, window_bounds = array<i64: 128, 128>}, {pipeline_mode = #tpu.pipeline_mode<synchronous>, transform_indices = @transform_10, window_bounds = array<i64: 1, 128>}, {pipeline_mode = #tpu.pipeline_mode<synchronous>, transform_indices = @transform_11, window_bounds = array<i64: 128, 13>}, {pipeline_mode = #tpu.pipeline_mode<synchronous>, transform_indices = @transform_12, window_bounds = array<i64: 1, 13>}, {transform_indices = @transform_13, window_bounds = array<i64: 4096, 13>}]} {
    %get3A = arith.constant 0 : index
    %get3A_0 = arith.constant 0 : index
    %get3A_1 = vector.load %arg1[%get3A, %get3A_0] : memref<4096x128xf32, #tpu.memory_space<vmem>>, vector<4096x128xf32>
    %get3A_2 = arith.constant 0 : index
    %get3A_3 = arith.constant 0 : index
    %get3A_4 = vector.load %arg2[%get3A_2, %get3A_3] : memref<128x128xf32, #tpu.memory_space<vmem>>, vector<128x128xf32>
    %get3A_5 = arith.constant 0 : index
    %get3A_6 = arith.constant 0 : index
    %get3A_7 = vector.load %arg3[%get3A_5, %get3A_6] : memref<1x128xf32, #tpu.memory_space<vmem>>, vector<1x128xf32>
    %dot_general3A = arith.constant dense<0.000000e+00> : vector<4096x128xf32>
    %dot_general3A_8 = tpu.matmul %get3A_1, %get3A_4, %dot_general3A {dimension_numbers = #tpu.dot_dimension_numbers<[1], [0], [0], [1], [0, 0, 1, 1], [], []>, transpose_lhs_hint = false} : vector<4096x128xf32>, vector<128x128xf32>, vector<4096x128xf32> -> vector<4096x128xf32>
    %add3A = vector.broadcast %get3A_7 : vector<1x128xf32> to vector<4096x128xf32>
    %add3A_9 = arith.addf %dot_general3A_8, %add3A : vector<4096x128xf32>
    %max3A = arith.constant 0.000000e+00 : f32
    %max3A_10 = vector.broadcast %max3A : f32 to vector<4096x128xf32>
    %max3A_11 = arith.maximumf %add3A_9, %max3A_10 : vector<4096x128xf32>
    %get3A_12 = arith.constant 0 : index
    %get3A_13 = arith.constant 0 : index
    %get3A_14 = vector.load %arg4[%get3A_12, %get3A_13] : memref<128x128xf32, #tpu.memory_space<vmem>>, vector<128x128xf32>
    %get3A_15 = arith.constant 0 : index
    %get3A_16 = arith.constant 0 : index
    %get3A_17 = vector.load %arg5[%get3A_15, %get3A_16] : memref<1x128xf32, #tpu.memory_space<vmem>>, vector<1x128xf32>
    %dot_general3A_18 = arith.constant dense<0.000000e+00> : vector<4096x128xf32>
    %dot_general3A_19 = tpu.matmul %max3A_11, %get3A_14, %dot_general3A_18 {dimension_numbers = #tpu.dot_dimension_numbers<[1], [0], [0], [1], [0, 0, 1, 1], [], []>, transpose_lhs_hint = false} : vector<4096x128xf32>, vector<128x128xf32>, vector<4096x128xf32> -> vector<4096x128xf32>
    %add3A_20 = vector.broadcast %get3A_17 : vector<1x128xf32> to vector<4096x128xf32>
    %add3A_21 = arith.addf %dot_general3A_19, %add3A_20 : vector<4096x128xf32>
    %max3A_22 = arith.constant 0.000000e+00 : f32
    %max3A_23 = vector.broadcast %max3A_22 : f32 to vector<4096x128xf32>
    %max3A_24 = arith.maximumf %add3A_21, %max3A_23 : vector<4096x128xf32>
    %get3A_25 = arith.constant 0 : index
    %get3A_26 = arith.constant 0 : index
    %get3A_27 = vector.load %arg6[%get3A_25, %get3A_26] : memref<128x128xf32, #tpu.memory_space<vmem>>, vector<128x128xf32>
    %get3A_28 = arith.constant 0 : index
    %get3A_29 = arith.constant 0 : index
    %get3A_30 = vector.load %arg7[%get3A_28, %get3A_29] : memref<1x128xf32, #tpu.memory_space<vmem>>, vector<1x128xf32>
    %dot_general3A_31 = arith.constant dense<0.000000e+00> : vector<4096x128xf32>
    %dot_general3A_32 = tpu.matmul %max3A_24, %get3A_27, %dot_general3A_31 {dimension_numbers = #tpu.dot_dimension_numbers<[1], [0], [0], [1], [0, 0, 1, 1], [], []>, transpose_lhs_hint = false} : vector<4096x128xf32>, vector<128x128xf32>, vector<4096x128xf32> -> vector<4096x128xf32>
    %add3A_33 = vector.broadcast %get3A_30 : vector<1x128xf32> to vector<4096x128xf32>
    %add3A_34 = arith.addf %dot_general3A_32, %add3A_33 : vector<4096x128xf32>
    %max3A_35 = arith.constant 0.000000e+00 : f32
    %max3A_36 = vector.broadcast %max3A_35 : f32 to vector<4096x128xf32>
    %max3A_37 = arith.maximumf %add3A_34, %max3A_36 : vector<4096x128xf32>
    %get3A_38 = arith.constant 0 : index
    %get3A_39 = arith.constant 0 : index
    %get3A_40 = vector.load %arg8[%get3A_38, %get3A_39] : memref<128x128xf32, #tpu.memory_space<vmem>>, vector<128x128xf32>
    %get3A_41 = arith.constant 0 : index
    %get3A_42 = arith.constant 0 : index
    %get3A_43 = vector.load %arg9[%get3A_41, %get3A_42] : memref<1x128xf32, #tpu.memory_space<vmem>>, vector<1x128xf32>
    %dot_general3A_44 = arith.constant dense<0.000000e+00> : vector<4096x128xf32>
    %dot_general3A_45 = tpu.matmul %max3A_37, %get3A_40, %dot_general3A_44 {dimension_numbers = #tpu.dot_dimension_numbers<[1], [0], [0], [1], [0, 0, 1, 1], [], []>, transpose_lhs_hint = false} : vector<4096x128xf32>, vector<128x128xf32>, vector<4096x128xf32> -> vector<4096x128xf32>
    %add3A_46 = vector.broadcast %get3A_43 : vector<1x128xf32> to vector<4096x128xf32>
    %add3A_47 = arith.addf %dot_general3A_45, %add3A_46 : vector<4096x128xf32>
    %max3A_48 = arith.constant 0.000000e+00 : f32
    %max3A_49 = vector.broadcast %max3A_48 : f32 to vector<4096x128xf32>
    %max3A_50 = arith.maximumf %add3A_47, %max3A_49 : vector<4096x128xf32>
    %get3A_51 = arith.constant 0 : index
    %get3A_52 = arith.constant 0 : index
    %get3A_53 = vector.load %arg10[%get3A_51, %get3A_52] : memref<128x128xf32, #tpu.memory_space<vmem>>, vector<128x128xf32>
    %get3A_54 = arith.constant 0 : index
    %get3A_55 = arith.constant 0 : index
    %get3A_56 = vector.load %arg11[%get3A_54, %get3A_55] : memref<1x128xf32, #tpu.memory_space<vmem>>, vector<1x128xf32>
    %dot_general3A_57 = arith.constant dense<0.000000e+00> : vector<4096x128xf32>
    %dot_general3A_58 = tpu.matmul %max3A_50, %get3A_53, %dot_general3A_57 {dimension_numbers = #tpu.dot_dimension_numbers<[1], [0], [0], [1], [0, 0, 1, 1], [], []>, transpose_lhs_hint = false} : vector<4096x128xf32>, vector<128x128xf32>, vector<4096x128xf32> -> vector<4096x128xf32>
    %add3A_59 = vector.broadcast %get3A_56 : vector<1x128xf32> to vector<4096x128xf32>
    %add3A_60 = arith.addf %dot_general3A_58, %add3A_59 : vector<4096x128xf32>
    %get3A_61 = arith.constant 0 : index
    %get3A_62 = arith.constant 0 : index
    %get3A_63 = vector.load %arg12[%get3A_61, %get3A_62] : memref<128x13xf32, #tpu.memory_space<vmem>>, vector<128x13xf32>
    %get3A_64 = arith.constant 0 : index
    %get3A_65 = arith.constant 0 : index
    %get3A_66 = vector.load %arg13[%get3A_64, %get3A_65] : memref<1x13xf32, #tpu.memory_space<vmem>>, vector<1x13xf32>
    %dot_general3A_67 = arith.constant dense<0.000000e+00> : vector<4096x13xf32>
    %dot_general3A_68 = tpu.matmul %add3A_60, %get3A_63, %dot_general3A_67 {dimension_numbers = #tpu.dot_dimension_numbers<[1], [0], [0], [1], [0, 0, 1, 1], [], []>, transpose_lhs_hint = false} : vector<4096x128xf32>, vector<128x13xf32>, vector<4096x13xf32> -> vector<4096x13xf32>
    %add3A_69 = vector.broadcast %get3A_66 : vector<1x13xf32> to vector<4096x13xf32>
    %add3A_70 = arith.addf %dot_general3A_68, %add3A_69 : vector<4096x13xf32>
    %reduce_max3A = arith.constant dense<0xFF800000> : vector<4096xf32>
    %reduce_max3A_71 = vector.multi_reduction <maximumf>, %add3A_70, %reduce_max3A [1] : vector<4096x13xf32> to vector<4096xf32>
    %broadcast_in_dim3A = vector.shape_cast %reduce_max3A_71 : vector<4096xf32> to vector<4096x1xf32>
    %sub3A = vector.broadcast %broadcast_in_dim3A : vector<4096x1xf32> to vector<4096x13xf32>
    %sub3A_72 = arith.subf %add3A_70, %sub3A : vector<4096x13xf32>
    %sub3A_73 = vector.broadcast %broadcast_in_dim3A : vector<4096x1xf32> to vector<4096x13xf32>
    %sub3A_74 = arith.subf %add3A_70, %sub3A_73 : vector<4096x13xf32>
    %exp3A = math.exp %sub3A_74 : vector<4096x13xf32>
    %reduce_sum3A = arith.constant dense<0.000000e+00> : vector<4096xf32>
    %reduce_sum3A_75 = vector.multi_reduction <add>, %exp3A, %reduce_sum3A [1] : vector<4096x13xf32> to vector<4096xf32>
    %broadcast_in_dim3A_76 = vector.shape_cast %reduce_sum3A_75 : vector<4096xf32> to vector<4096x1xf32>
    %log3A = math.log %broadcast_in_dim3A_76 : vector<4096x1xf32>
    %sub3A_77 = vector.broadcast %log3A : vector<4096x1xf32> to vector<4096x13xf32>
    %sub3A_78 = arith.subf %sub3A_72, %sub3A_77 : vector<4096x13xf32>
    %swap3A = arith.constant 0 : index
    %swap3A_79 = arith.constant 0 : index
    %swap3A_80 = vector.load %arg14[%swap3A, %swap3A_79] : memref<4096x13xf32, #tpu.memory_space<vmem>>, vector<4096x13xf32>
    tpu.vector_store %arg14[%swap3A, %swap3A_79], %sub3A_78 {strides = array<i32>} : memref<4096x13xf32, #tpu.memory_space<vmem>>, vector<4096x13xf32>,
    return
  }
  func.func @transform_0(%arg0: i32) -> (i32, i32) {
    %c0_i32 = arith.constant 0 : i32
    %c0_i32_0 = arith.constant 0 : i32
    return %arg0, %c0_i32 : i32, i32
  }
  func.func @transform_1(%arg0: i32) -> (i32, i32) {
    %c0_i32 = arith.constant 0 : i32
    %c0_i32_0 = arith.constant 0 : i32
    %c0_i32_1 = arith.constant 0 : i32
    return %c0_i32, %c0_i32_0 : i32, i32
  }
  func.func @transform_2(%arg0: i32) -> (i32, i32) {
    %c0_i32 = arith.constant 0 : i32
    %c0_i32_0 = arith.constant 0 : i32
    %c0_i32_1 = arith.constant 0 : i32
    return %c0_i32, %c0_i32_0 : i32, i32
  }
  func.func @transform_3(%arg0: i32) -> (i32, i32) {
    %c0_i32 = arith.constant 0 : i32
    %c0_i32_0 = arith.constant 0 : i32
    %c0_i32_1 = arith.constant 0 : i32
    return %c0_i32, %c0_i32_0 : i32, i32
  }
  func.func @transform_4(%arg0: i32) -> (i32, i32) {
    %c0_i32 = arith.constant 0 : i32
    %c0_i32_0 = arith.constant 0 : i32
    %c0_i32_1 = arith.constant 0 : i32
    return %c0_i32, %c0_i32_0 : i32, i32
  }
  func.func @transform_5(%arg0: i32) -> (i32, i32) {
    %c0_i32 = arith.constant 0 : i32
    %c0_i32_0 = arith.constant 0 : i32
    %c0_i32_1 = arith.constant 0 : i32
    return %c0_i32, %c0_i32_0 : i32, i32
  }
  func.func @transform_6(%arg0: i32) -> (i32, i32) {
    %c0_i32 = arith.constant 0 : i32
    %c0_i32_0 = arith.constant 0 : i32
    %c0_i32_1 = arith.constant 0 : i32
    return %c0_i32, %c0_i32_0 : i32, i32
  }
  func.func @transform_7(%arg0: i32) -> (i32, i32) {
    %c0_i32 = arith.constant 0 : i32
    %c0_i32_0 = arith.constant 0 : i32
    %c0_i32_1 = arith.constant 0 : i32
    return %c0_i32, %c0_i32_0 : i32, i32
  }
  func.func @transform_8(%arg0: i32) -> (i32, i32) {
    %c0_i32 = arith.constant 0 : i32
    %c0_i32_0 = arith.constant 0 : i32
    %c0_i32_1 = arith.constant 0 : i32
    return %c0_i32, %c0_i32_0 : i32, i32
  }
  func.func @transform_9(%arg0: i32) -> (i32, i32) {
    %c0_i32 = arith.constant 0 : i32
    %c0_i32_0 = arith.constant 0 : i32
    %c0_i32_1 = arith.constant 0 : i32
    return %c0_i32, %c0_i32_0 : i32, i32
  }
  func.func @transform_10(%arg0: i32) -> (i32, i32) {
    %c0_i32 = arith.constant 0 : i32
    %c0_i32_0 = arith.constant 0 : i32
    %c0_i32_1 = arith.constant 0 : i32
    return %c0_i32, %c0_i32_0 : i32, i32
  }
  func.func @transform_11(%arg0: i32) -> (i32, i32) {
    %c0_i32 = arith.constant 0 : i32
    %c0_i32_0 = arith.constant 0 : i32
    %c0_i32_1 = arith.constant 0 : i32
    return %c0_i32, %c0_i32_0 : i32, i32
  }
  func.func @transform_12(%arg0: i32) -> (i32, i32) {
    %c0_i32 = arith.constant 0 : i32
    %c0_i32_0 = arith.constant 0 : i32
    %c0_i32_1 = arith.constant 0 : i32
    return %c0_i32, %c0_i32_0 : i32, i32
  }
  func.func @transform_13(%arg0: i32) -> (i32, i32) {
    %c0_i32 = arith.constant 0 : i32
    %c0_i32_0 = arith.constant 0 : i32
    return %arg0, %c0_i32 : i32, i32
  }
}

</mosaic_0001>

<sc_bundles>
// kernel: gather_offload_async_start
scs
__scs_entry_jumppad:
0x0: {  	(pc) =	sbr.rel $0x88, $3  }
0x1: {  	(tag) =	ssettag $0x0;
	lr =	simm.s32 $0x1  }
0x2: {  	[smem:$0x3F62] =	sst lr;
	_ =	strace $0xD0000000  }
0x3: {  	_ = 	snop  }
0x4: {  	_ = 	snop  }
0x5: {  	_ = 	snop  }
0x6: {  	_ = 	snop  }
0x7: {  	_ = 	snop  }
__scs_overlays_trampoline_lowered:
0x8: {  	[smem:$0x3F71] =	sst s0  }
0x9: {  	[smem:$0x3F72] =	sst s1  }
0xa: {  	[smem:$0x3F73] =	sst s2  }
0xb: {  	[smem:$0x3F74] =	sst s3  }
0xc: {  	[smem:$0x3F75] =	sst s4  }
0xd: {  	[smem:$0x3F76] =	sst s5  }
0xe: {  	[smem:$0x3F77] =	sst s6  }
0xf: {  	[smem:$0x3F78] =	sst s7  }
0x10: {  	[smem:$0x3F79] =	sst s8  }
0x11: {  	[smem:$0x3F7A] =	sst s9;
	s0 =	simm.s32 @!p0 $0x0  }
0x12: {  	s1 =	sld [smem:$0x3F60];
	s0 =	simm.s32 @p0 $0x1  }
0x13: {  	[smem:$0x3F7B] =	sst s0;
	s0 =	simm.s32 @!p1 $0x0  }
0x14: {  	s2 =	sld [smem:$0x3F5F];
	s0 =	simm.s32 @p1 $0x1  }
0x15: {  	[smem:$0x3F7C] =	sst s0;
	s0 =	simm.s32 @!p2 $0x0  }
0x16: {  	s3 =	sld [smem:$0x3FDB];
	s0 =	simm.s32 @p2 $0x1  }
0x17: {  	s4 =	simm.s32 $0x1BF5;
	[smem:$0x3F7E] =	sst s0  }
0x18: {  	s0 =	sld [smem:$0x3F61];
	_ =	swait.ge [sflag:s4], $0x0  }
0x19: {  	s7 =	sld [smem:$0x3F62]  }
0x1a: {  	s8 =	sadd.s32 $0xFFFFE003, lr  }
0x1b: {  	s9 =	sadd.s32 $0xFFFFFEF7, lr;
	s5 =	simm.s32 $0xFFFFFFFF;
	p2 =	slt.u32 s8, $0xFFFFF086  }
0x1c: {  	p1 =	slt.u32 s9, $0xF7A;
	s5 =	simm.s32 @!p2 $0x0  }
0x1d: {  	s5 =	simm.s32 @p1 $0x1;
	p0 =	seq.s32 s7, s2  }
0x1e: {  	s7 =	smul.u32 @!p0 $0xF7A, s2;
	p2 =	seq.s32 @!p0 s5, $0x0  }
0x1f: {  	s9 =	smul.u32 $0xF7A, s1;
	s8 =	simm.s32 @!p0 $0x1BF5;
	p2 =	por !p2, p0  }
0x20: {  	[sflag:s8] =	ssyncset.s32 @!p0 $0xFFFFF086;
	s6 =	sadd.s32 @!p0 s3, s7;
	s7 =	simm.s32 @!p0 $0x108  }
0x21: {  	s3 =	sadd.s32 s3, s9;
	s6 =	sadd.s32 @!p0 $0x88, s6;
	s7 =	simm.s32 @p2 $0x1082  }
0x22: {  	[simem:s7], [sflag:s8] =	dma.local @!p0 [hbm:s6], $0xF7A  }
0x23: {  	s9 =	sor.u32 $0xD0000000, s2;
	s6 =	simm.s32 $0x108;
	_ =	swait.ge @!p0 [sflag:s8], $0x0  }
0x24: {  	s3 =	sadd.s32 $0x88, s3;
	s6 =	simm.s32 @!p1 $0x1082;
	[sflag:s4] =	ssyncset.s32 $0xFFFFF086  }
0x25: {  	[simem:s6], [sflag:s4] =	dma.local [hbm:s3], $0xF7A  }
0x26: {  	[smem:$0x3F62] =	sst s1;
	(tag) =	ssettag s2;
	_ =	strace s9  }
0x27: {  	s1 =	sld [smem:$0x3F72]  }
0x28: {  	s2 =	sld [smem:$0x3F73]  }
0x29: {  	s4 =	sld [smem:$0x3F75]  }
0x2a: {  	p0 =	seq.s32 s5, $0x0;
	s5 =	sld [smem:$0x3F76]  }
0x2b: {  	s6 =	sld [smem:$0x3F77]  }
0x2c: {  	s7 =	sld [smem:$0x3F78]  }
0x2d: {  	s3 =	simm.s32 $0x108;
	s8 =	sld [smem:$0x3F79]  }
0x2e: {  	s3 =	simm.s32 @!p0 $0x1082;
	s9 =	sld [smem:$0x3F7A]  }
0x2f: {  	lr =	sadd.s32 s0, s3;
	s0 =	sld [smem:$0x3F71]  }
0x30: {  	s3 =	sld [smem:$0x3F74]  }
0x31: {  	[smem:$0x3F7D] =	sst s10  }
0x32: {  	s10 =	sld [smem:$0x3F7B];
	_ =	sdelay $0x3  }
0x33: {  	p0 =	seq.s32 s10, $0x1;
	s10 =	sld [smem:$0x3F7D];
	_ =	sdelay $0x3  }
0x34: {  	[smem:$0x3F7D] =	sst s10  }
0x35: {  	s10 =	sld [smem:$0x3F7C];
	_ =	sdelay $0x3  }
0x36: {  	p1 =	seq.s32 s10, $0x1;
	s10 =	sld [smem:$0x3F7D];
	_ =	sdelay $0x3  }
0x37: {  	[smem:$0x3F7D] =	sst s10  }
0x38: {  	s10 =	sld [smem:$0x3F7E]  }
0x39: {  	_ = 	snop;
	(pc) =	sbr.ind lr, $3  }
0x3a: {  	_ = 	snop  }
0x3b: {  	_ = 	snop  }
0x3c: {  	p2 =	seq.s32 s10, $0x1;
	s10 =	sld [smem:$0x3F7D]  }
0x3d: {  	_ =	shalt  }
0x3e: {  	_ =	shalt  }
0x3f: {  	_ =	shalt  }
0x40: {  	_ =	shalt  }
0x41: {  	_ =	shalt  }
0x42: {  	_ =	shalt  }
0x43: {  	_ =	shalt  }
0x44: {  	_ =	shalt  }
0x45: {  	_ =	shalt  }
0x46: {  	_ =	shalt  }
0x47: {  	_ =	shalt  }
0x48: {  	_ =	shalt  }
0x49: {  	_ =	shalt  }
0x4a: {  	_ =	shalt  }
0x4b: {  	_ =	shalt  }
0x4c: {  	_ =	shalt  }
0x4d: {  	_ =	shalt  }
0x4e: {  	_ =	shalt  }
0x4f: {  	_ =	shalt  }
0x50: {  	_ =	shalt  }
0x51: {  	_ =	shalt  }
0x52: {  	_ =	shalt  }
0x53: {  	_ =	shalt  }
0x54: {  	_ =	shalt  }
0x55: {  	_ =	shalt  }
0x56: {  	_ =	shalt  }
0x57: {  	_ =	shalt  }
0x58: {  	_ =	shalt  }
0x59: {  	_ =	shalt  }
0x5a: {  	_ =	shalt  }
0x5b: {  	_ =	shalt  }
0x5c: {  	_ =	shalt  }
0x5d: {  	_ =	shalt  }
0x5e: {  	_ =	shalt  }
0x5f: {  	_ =	shalt  }
0x60: {  	_ =	shalt  }
0x61: {  	_ =	shalt  }
0x62: {  	_ =	shalt  }
0x63: {  	_ =	shalt  }
0x64: {  	_ =	shalt  }
0x65: {  	_ =	shalt  }
0x66: {  	_ =	shalt  }
0x67: {  	_ =	shalt  }
0x68: {  	_ =	shalt  }
0x69: {  	_ =	shalt  }
0x6a: {  	_ =	shalt  }
0x6b: {  	_ =	shalt  }
0x6c: {  	_ =	shalt  }
0x6d: {  	_ =	shalt  }
0x6e: {  	_ =	shalt  }
0x6f: {  	_ =	shalt  }
0x70: {  	_ =	shalt  }
0x71: {  	_ =	shalt  }
0x72: {  	_ =	shalt  }
0x73: {  	_ =	shalt  }
0x74: {  	_ =	shalt  }
0x75: {  	_ =	shalt  }
0x76: {  	_ =	shalt  }
0x77: {  	_ =	shalt  }
0x78: {  	_ =	shalt  }
0x79: {  	_ =	shalt  }
0x7a: {  	_ =	shalt  }
0x7b: {  	_ =	shalt  }
0x7c: {  	_ =	shalt  }
0x7d: {  	_ =	shalt  }
0x7e: {  	_ =	shalt  }
0x7f: {  	_ =	shalt  }
0x80: {  	_ =	shalt  }
0x81: {  	_ =	shalt  }
0x82: {  	_ =	shalt  }
0x83: {  	_ =	shalt  }
0x84: {  	_ =	shalt  }
0x85: {  	_ =	shalt  }
0x86: {  	_ =	shalt  }
0x87: {  	_ =	shalt  }
.Lfunc_end0:
.L_simem_size_0:
called_computation.1_lowered:
.L_overlay_start_0:
0x88: {  	s2 =	sld [smem:$0x3FD9]  }
0x89: {  	s3 =	sld [smem:$0x3FFE];
	_ =	sdelay $0x1  }
0x8a: {  	s1 =	srdreg.scid  }
0x8b: {  	s0 =	sand.u32 $0x1, s1  }
0x8c: {  	s17 =	sshll.u32 s0, $0xA;
	s2 =	sadd.s32 s3, s2  }
0x8d: {  	s2 =	sadd.s32 s2, s17  }
0x8e: {  	[smem:$0x3F89] =	sst s2  }
0x8f: {  	_ = 	snop  }
0x90: {  	s2 =	sld [smem:$0x3FD0];
	(tm) =	ssettm $0x1  }
0x91: {  	s18 =	sld [smem:$0x3FFB];
	_ =	sdelay $0x3  }
0x92: {  	_ =	strace s18  }
0x93: {  	s3 =	sld [smem:$0x3FFC];
	_ =	sdelay $0x3  }
0x94: {  	_ =	strace s3  }
0x95: {  	s3 =	sld [smem:$0x3FFD];
	_ =	sdelay $0x3  }
0x96: {  	_ =	strace s3  }
0x97: {  	_ =	strace $0x8FFFFFFF  }
0x98: {  	s19 =	sld [smem:$0x3FDB];
	_ =	sdelay $0x1  }
0x99: {  	s4 =	simm.s32 $_scs_section_size  }
0x9a: {  	s5 =	simm.s32 $_size__tile_overlayer_lowered;
	s6 =	simm.s32 $_tile_overlayer_lowered  }
0x9b: {  	s22 =	simm.s32 $0x1BFF;
	s21 =	sshll.u32 s6, $0x1;
	s3 =	sadd.s32 s4, s19  }
0x9c: {  	s7 =	simm.s32 $0x0;
	s20 =	sshll.u32 s5, $0x1;
	s5 =	sadd.s32 s21, s3  }
0x9d: {  	[timem:s7], [sflag:s22] =	dma.local [hbm:s5], s20  }
0x9e: {  	_ =	swait.ge [sflag:s22], s20  }
0x9f: {  	s4 =	ssub.s32 $0x0, s20;
	[sflag:s22] =	ssyncset.done $0x0  }
0xa0: {  	[sflag:s22] =	ssyncadd.s32 s4;
	_ =	sdelay $0x1  }
0xa1: {  	s23 =	simm.s32 $0x1B8B  }
0xa2: {  	_ =	swait.ge [sflag:s23], $0x1  }
0xa3: {  	[sflag:s23] =	ssyncset.done $0x0  }
0xa4: {  	s25 =	simm.s32 $0x1B8E;
	s24 =	sld [smem:$0x3FFE];
	[sflag:s23] =	ssyncadd.s32 $0xFFFFFFFF  }
0xa5: {  	s26 =	simm.s32 $execute0_lowered;
	[smem:$0x3FD2] =	sst s25  }
0xa6: {  	s5 =	sshll.u32 s26, $0x1;
	_ =	strace $0x80000046;
	[dreg:$0x1] =	wrdreg $0xFFFFFFFF  }
0xa7: {  	s28 =	simm.s32 $_size_execute0_lowered;
	s3 =	sadd.s32 s3, s5;
	[dreg:$0x0] =	wrdreg $0x0  }
0xa8: {  	s5 =	sshll.u32 s28, $0x1;
	[dreg:$0x2] =	wrdreg s3  }
0xa9: {  	[dreg:$0x3] =	wrdreg s5  }
0xaa: {  	[dreg:$0x4] =	wrdreg $0xC0  }
0xab: {  	_ =	task [dreg:s7], $0x5FFFF  }
0xac: {  	[dreg:$0x1] =	wrdreg $0xFFFFFFFF  }
0xad: {  	[dreg:$0x0] =	wrdreg $0x60  }
0xae: {  	[dreg:$0x2] =	wrdreg s24  }
0xaf: {  	[dreg:$0x3] =	wrdreg s2  }
0xb0: {  	[dreg:$0x4] =	wrdreg $0x9  }
0xb1: {  	_ =	task.clear_ibuf [dreg:s7], $0x5FFFF;
	_ =	strace $0x90000046  }
0xb2: {  	s29 =	simm.s32 $0x9;
	_ =	strace $0x80000048  }
0xb3: {  	_ =	swait.ge [sflag:s29], $0x1  }
0xb4: {  	[sflag:s29] =	ssyncadd.s32 $0xFFFFFFFF  }
0xb5: {  	_ =	strace $0x90000048  }
0xb6: {  	_ =	sfence  }
0xb7: {  	s30 =	sld [smem:$0x0];
	_ =	sdelay $0x2  }
0xb8: {  	s31 =	sshll.u32 s1, $0xD;
	s1 =	sshrl.u32 s1, $0x2  }
0xb9: {  	s3 =	sand.u32 $0x4000, s31;
	s1 =	sadd.s32 s1, s30  }
0xba: {  	s0 =	sor.u32 s3, s0;
	s1 =	sshll.u32 s1, $0x11  }
0xbb: {  	s0 =	sor.u32 s1, s0  }
0xbc: {  	s0 =	sadd.s32 $0x8F2B, s0  }
0xbd: {  	[sflag:s0] =	ssyncadd.remote.s32 $0x1  }
0xbe: {  	_ =	sfence.sel $0xFFFF  }
0xbf: {  	[dreg:$0x0] =	wrdreg $0xFFFFFFFF;
	(pc) =	sbr.abs _section_cstart, $3  }
0xc0: {  	[dreg:$0x1] =	wrdreg $0xFFFFFFFF  }
0xc1: {  	_ =	task.clear_ibuf [dreg:s7], $0x2FFFF;
	_ =	strace $0x9FFFFFFF  }
0xc2: {  	(tm) =	ssettm $0x7FFFFFFF  }
0xc3: {  	_ =	shalt  }
tec
execute0_lowered:
.L_overlay_start_1:
0x0: {  	(tag) =	ssettag $0x1  }
0x1: {  	s7 =	rddreg [dreg:$0x0]  }
0x2: {  	s2 =	rddreg [dreg:$0x1]  }
0x3: {  	s0 =	rddreg [dreg:$0x2]  }
0x4: {  	s1 =	srdreg.scid;
	_ =	strace $0x80000047;
	s4 =	simm.s32 $0x1  }
0x5: {  	s9 =	simm.s32 $0x3;
	s12 =	simm.s32 $0x0;
	s5 =	sshll.u32 s1, $0x4  }
.Ltmp0:
0x6: {  	s1 =	stileid.u32;
	s5 =	sand.u32 $0x10, s5;
	(pc) =	sbr.rel .LBB2_1-.Ltmp0, $4  }
0x7: {  	s10 =	simm.s32 $0x0;
	s3 =	sadd.s32 $0x9200, s7;
	s6 =	sor.u32 s1, s5  }
0x8: {  	[sflag:s4] =	ssyncpa.u1 $0x0;
	s5 =	simm.s32 $0x2;
	s6 =	sshll.u32 s6, $0x7  }
0x9: {  	s7 =	sadd.s32 $0x89200, s7;
	[sflag:s5] =	ssyncpa.u1 $0x0;
	s8 =	sadd.s32 $0x80, s6  }
0xa: {  	vm0 =	vmmov $0xff;
	vm1 =	vcmask $0x3F20;
	[sflag:s9] =	ssyncpa.u1 $0x0;
	s9 =	simm.s32 $0x80;
	s11 =	smov.u32 s6  }
.LBB2_9:
0xb: {  	p0 =	seq.s32 s10, $0x2  }
.Ltmp1:
0xc: {  	_ = 	snop;
	(pc) =	sbr.rel @p0 .LBB2_11-.Ltmp1, $1  }
0xd: {  	_ =	sdelay $0x3  }
.LBB2_10:
0xe: {  	s12 =	sadd.s32 $0x80, s11  }
0xf: {  	s13 =	smov.u32 s6;
	p0 =	slt.s32 s12, s8  }
0x10: {  	s13 =	smov.u32 @p0 s12  }
0x11: {  	s10 =	sadd.s32 $0x1, s10;
	s12 =	smov.u32 s11;
	s11 =	smov.u32 s13  }
.LBB2_1:
0x12: {  	p0 =	sne.s32 s10, $0x0  }
.Ltmp2:
0x13: {  	_ = 	snop;
	(pc) =	sbr.rel @!p0 .LBB2_2-.Ltmp2, $1  }
0x14: {  	_ =	sdelay $0x3  }
0x15: {  	s13 =	sand.u32 $0x1, s10  }
0x16: {  	p0 =	seq.s32 s13, $0x0  }
.Ltmp3:
0x17: {  	_ = 	snop;
	(pc) =	sbr.rel @p0 .LBB2_9-.Ltmp3, $1  }
0x18: {  	_ =	sdelay $0x3  }
0x19: {  	_ =	swait.ge [sflag:s5], $0x80  }
0x1a: {  	[sflag:s5] =	ssyncset.done $0x0  }
0x1b: {  	s13 =	simm.s32 $0x0;
	[sflag:s5] =	ssyncadd.s32 $0xFFFFFF80  }
0x1c: {  	v0 =	vld.msk [tilespmem:s13+$0x80 ss:$0x1], $0xffff;
	_ =	sdelay $0x4  }
0x1d: {  	v1 =	vshll.u32 v0, $0x4  }
0x1e: {  	vm2 =	veq.s32 v0, $0x80000000;
	v0 =	vshll.u32 v0, $0x13;
	v1 =	vand.u32 $0x7FF80, v1  }
0x1f: {  	v0 =	vand.u32 $0x380000, v0;
	v1 =	vsel vm2, $0xFFFFFF80, v1  }
0x20: {  	v0 =	vsel vm2, $0xFFF80000, v0;
	v2 =	vand.u32 $0xFFFFFC00, v1  }
0x21: {  	v1 =	vand.u32 $0x380, v1;
	v0 =	vadd.s32 v0, v2  }
0x22: {  	v0 =	vor.u32 v1, v0  }
0x23: {  	v0 =	vshrl.u32 v0, $0x3;
	_ =	sdelay $0x3  }
0x24: {  	s13 =	simm.s32 $0x4100  }
0x25: {  	[tilespmem:s13], [sflag:$0x1] =	stream.indirect_vreg.gather [hbm:s3], $0x80, v0, vm0, $0x38;
	[tilespmem:$0x8100] =	vst v63  }
0x26: {  	s14 =	simm.s32 $0x4500;
	s31 =	simm.s32 $0x10  }
0x27: {  	[tilespmem:s14], [sflag:$0x1] =	stream.indirect_vreg.gather [hbm:s3], $0x80, v0, vm1, $0x38;
	[tilespmem:$0x8100] =	vst v63  }
0x28: {  	s14 =	simm.s32 $0x80;
	v0 =	vld.msk [tilespmem:s31+$0x80 ss:$0x1], $0xffff  }
.LBB2_5:
0x29: {  	p0 =	sne.s32 s14, $0x1C0;
	_ =	sdelay $0x4  }
0x2a: {  	v1 =	vshll.u32 v0, $0x4  }
0x2b: {  	vm2 =	veq.s32 v0, $0x80000000;
	v0 =	vshll.u32 v0, $0x13;
	v1 =	vand.u32 $0x7FF80, v1  }
0x2c: {  	v0 =	vand.u32 $0x380000, v0;
	v1 =	vsel vm2, $0xFFFFFF80, v1  }
0x2d: {  	v0 =	vsel vm2, $0xFFF80000, v0;
	v2 =	vand.u32 $0xFFFFFC00, v1  }
0x2e: {  	v1 =	vand.u32 $0x380, v1;
	v0 =	vadd.s32 v0, v2  }
0x2f: {  	v0 =	vor.u32 v1, v0  }
0x30: {  	v0 =	vshrl.u32 v0, $0x3;
	_ =	sdelay $0x3  }
.Ltmp4:
0x31: {  	s13 =	sadd.s32 $0x800, s13;
	(pc) =	sbr.rel @p0 .LBB2_5-.Ltmp4, $4  }
0x32: {  	[tilespmem:s13], [sflag:$0x1] =	stream.indirect_vreg.gather [hbm:s3], $0x80, v0, vm0, $0x38;
	[tilespmem:$0x8100] =	vst v63  }
0x33: {  	s15 =	sshra.s32 s14, $0x2;
	s16 =	sadd.s32 $0x400, s13  }
0x34: {  	[tilespmem:s16], [sflag:$0x1] =	stream.indirect_vreg.gather [hbm:s3], $0x80, v0, vm1, $0x38;
	[tilespmem:$0x8100] =	vst v63  }
0x35: {  	s14 =	sadd.s32 $0x40, s14;
	v0 =	vld.msk [tilespmem:s15+$0x80 ss:$0x1], $0xffff  }
0x36: {  	_ =	sdelay $0x3  }
0x37: {  	v1 =	vshll.u32 v0, $0x4  }
0x38: {  	vm2 =	veq.s32 v0, $0x80000000;
	v63 =	vshll.u32 v0, $0x13;
	v1 =	vand.u32 $0x7FF80, v1  }
0x39: {  	v0 =	vand.u32 $0x380000, v63;
	v1 =	vsel vm2, $0xFFFFFF80, v1  }
0x3a: {  	v0 =	vsel vm2, $0xFFF80000, v0;
	v2 =	vand.u32 $0xFFFFFC00, v1  }
0x3b: {  	v1 =	vand.u32 $0x380, v1;
	v0 =	vadd.s32 v0, v2  }
0x3c: {  	v0 =	vor.u32 v1, v0  }
0x3d: {  	v0 =	vshrl.u32 v0, $0x3;
	_ =	sdelay $0x3  }
0x3e: {  	s13 =	sadd.s32 $0x800, s13  }
0x3f: {  	[tilespmem:s13], [sflag:$0x1] =	stream.indirect_vreg.gather [hbm:s3], $0x80, v0, vm0, $0x38;
	[tilespmem:$0x8100] =	vst v63  }
0x40: {  	s13 =	sadd.s32 $0x400, s13  }
0x41: {  	[tilespmem:s13], [sflag:$0x1] =	stream.indirect_vreg.gather [hbm:s3], $0x80, v0, vm1, $0x38;
	[tilespmem:$0x8100] =	vst v63  }
0x42: {  	s12 =	sshll.u32 s12, $0x4;
	s14 =	simm.s32 $0x80;
	_ =	swait.ge [sflag:s4], $0x4000  }
0x43: {  	s15 =	simm.s32 $0x4500;
	s12 =	sadd.s32 s12, s7;
	[sflag:s4] =	ssyncset.done $0x0  }
0x44: {  	s16 =	sadd.s32 $0x0, s12;
	s13 =	simm.s32 $0x4100;
	[sflag:s4] =	ssyncadd.s32 $0xFFFFC000  }
.LBB2_7:
0x45: {  	[hbm:s16] =	stream.linear.scatter [tilespmem:s13], [sflag:$0x3], $0x400, $0x38;
	[tilespmem:$0x8100] =	vst v63  }
0x46: {  	s16 =	smov.u32 s14;
	s13 =	smov.u32 s15;
	p0 =	sne.s32 s14, $0x780  }
.Ltmp5:
0x47: {  	s14 =	sadd.s32 $0x80, s14;
	(pc) =	sbr.rel @p0 .LBB2_7-.Ltmp5, $2  }
0x48: {  	_ =	sdelay $0x2  }
0x49: {  	s15 =	sadd.s32 $0x400, s15;
	s16 =	sadd.s32 s16, s12  }
.Ltmp6:
0x4a: {  	(pc) =	sbr.rel .LBB2_9-.Ltmp6, $2  }
0x4b: {  	_ =	sdelay $0x2  }
0x4c: {  	[hbm:s16] =	stream.linear.scatter [tilespmem:s13], [sflag:$0x3], $0x400, $0x38;
	[tilespmem:$0x8100] =	vst v63  }
.LBB2_2:
.Ltmp7:
0x4d: {  	(pc) =	sbr.rel .LBB2_10-.Ltmp7, $4  }
0x4e: {  	_ = 	snop  }
0x4f: {  	s12 =	sshrl.u32 s11, $0x3  }
0x50: {  	s13 =	sand.u32 $0x7, s11;
	s12 =	sadd.s32 s2, s12  }
0x51: {  	[tilespmem:s9], [sflag:$0x2] =	stream.linear.gather [hbm4b:s12+s13], $0x80, $0x38;
	[tilespmem:$0x8100] =	vst v63  }
.LBB2_11:
0x52: {  	s2 =	simm.s32 $0x3  }
0x53: {  	_ =	swait.ge [sflag:s2], $0x4000  }
0x54: {  	[sflag:s2] =	ssyncset.done $0x0  }
0x55: {  	[sflag:s2] =	ssyncadd.s32 $0xFFFFC000  }
0x56: {  	_ =	sfence.sel $0x180000  }
0x57: {  	s3 =	simm.s32 $0x2;
	[bflag:$0x0] =	sbarrier.arrive $0xFFFF  }
0x58: {  	[sflag:s3] =	ssyncpa.u1 $0x1  }
0x59: {  	s31 =	simm.s32 $0x1;
	[sflag:s2] =	ssyncpa.u1 $0x1  }
0x5a: {  	[sflag:s31] =	ssyncpa.u1 $0x1  }
0x5b: {  	p0 =	sne.s32 s1, $0x0;
	_ =	strace $0x90000047  }
0x5c: {  	s0 =	sadd.s32 @!p0 $0x100000, s0;
	[bflag:$0x2] =	sbarrier.arrive $0xFFFF  }
0x5d: {  	[sflag:s0] =	ssyncadd.tile.s32 @!p0 $0x1;
	_ =	shalt  }
.Lfunc_end2:
_tile_overlayer_lowered:
.L_overlay_start_2:
0x5e: {  	(tag) =	ssettag $0x2  }
0x5f: {  	s0 =	rddreg [dreg:$0x0];
	s2 =	stileid.u32  }
0x60: {  	s1 =	rddreg [dreg:$0x1];
	p0 =	sne.s32 s2, $0x0  }
0x61: {  	s3 =	rddreg [dreg:$0x2];
	[bflag:$0x3] =	sbarrier.arrive $0xFFFF;
	s2 =	simm.s32 @!p0 $0x1C01  }
0x62: {  	[timem:s3], [sflag:s2] =	dma.local @!p0 [hbm:s0], s1  }
0x63: {  	s0 =	simm.s32 @!p0 $0x1  }
0x64: {  	_ =	swait.ge @!p0 [sflag:s0], s1  }
0x65: {  	s1 =	ssub.s32 @!p0 $0x0, s1;
	[sflag:s0] =	ssyncset.done @!p0 $0x0  }
0x66: {  	[sflag:s0] =	ssyncadd.s32 @!p0 s1  }
0x67: {  	[bflag:$0x3] =	sbarrier.arrive $0xFFFF  }
0x68: {  	_ =	shalt  }

// kernel: sparse-core-data-format-call.cloned.1.call-start
scs
called_computation_lowered:
.L_overlay_start_0:
0x0: {  	s1 =	sld [smem:$0x3FD9]  }
0x1: {  	s2 =	sld [smem:$0x3FFE];
	_ =	sdelay $0x1  }
0x2: {  	s3 =	srdreg.scid  }
0x3: {  	s0 =	sand.u32 $0x1, s3  }
0x4: {  	s17 =	sshll.u32 s0, $0xA;
	s1 =	sadd.s32 s2, s1  }
0x5: {  	s1 =	sadd.s32 s1, s17  }
0x6: {  	[smem:$0x3F89] =	sst s1  }
0x7: {  	_ = 	snop  }
0x8: {  	(tm) =	ssettm $0x1  }
0x9: {  	s18 =	sld [smem:$0x3FFB];
	_ =	sdelay $0x3  }
0xa: {  	_ =	strace s18  }
0xb: {  	s1 =	sld [smem:$0x3FFC];
	_ =	sdelay $0x3  }
0xc: {  	_ =	strace s1  }
0xd: {  	s1 =	sld [smem:$0x3FFD];
	_ =	sdelay $0x3  }
0xe: {  	_ =	strace s1  }
0xf: {  	_ =	strace $0x8FFFFFFF  }
0x10: {  	s19 =	sld [smem:$0x3FDB];
	_ =	sdelay $0x1  }
0x11: {  	s20 =	simm.s32 $_scs_section_size  }
0x12: {  	s4 =	simm.s32 $_size__tile_overlayer_lowered;
	s5 =	simm.s32 $_tile_overlayer_lowered  }
0x13: {  	s23 =	simm.s32 $0x1BFF;
	s22 =	sshll.u32 s5, $0x1;
	s1 =	sadd.s32 s20, s19  }
0x14: {  	s6 =	simm.s32 $0x0;
	s21 =	sshll.u32 s4, $0x1;
	s4 =	sadd.s32 s22, s1  }
0x15: {  	[timem:s6], [sflag:s23] =	dma.local [hbm:s4], s21  }
0x16: {  	_ =	swait.ge [sflag:s23], s21  }
0x17: {  	s2 =	ssub.s32 $0x0, s21;
	[sflag:s23] =	ssyncset.done $0x0  }
0x18: {  	[sflag:s23] =	ssyncadd.s32 s2;
	_ =	sdelay $0x1  }
0x19: {  	s24 =	simm.s32 $0x1B8B  }
0x1a: {  	_ =	swait.ge [sflag:s24], $0x1  }
0x1b: {  	[sflag:s24] =	ssyncset.done $0x0  }
0x1c: {  	s26 =	simm.s32 $0x1B8E;
	s25 =	sld [smem:$0x3FFE];
	[sflag:s24] =	ssyncadd.s32 $0xFFFFFFFF  }
0x1d: {  	s27 =	simm.s32 $execute0_lowered;
	[smem:$0x3FD2] =	sst s26  }
0x1e: {  	s4 =	sshll.u32 s27, $0x1;
	_ =	strace $0x80000049;
	[dreg:$0x1] =	wrdreg $0xFFFFFFFF  }
0x1f: {  	s28 =	simm.s32 $_size_execute0_lowered;
	s1 =	sadd.s32 s1, s4;
	[dreg:$0x0] =	wrdreg $0x0  }
0x20: {  	s4 =	sshll.u32 s28, $0x1;
	[dreg:$0x2] =	wrdreg s1  }
0x21: {  	[dreg:$0x3] =	wrdreg s4  }
0x22: {  	[dreg:$0x4] =	wrdreg $0xC0  }
0x23: {  	_ =	task [dreg:s6], $0x5FFFF  }
0x24: {  	[dreg:$0x1] =	wrdreg $0xFFFFFFFF  }
0x25: {  	[dreg:$0x0] =	wrdreg $0x60  }
0x26: {  	[dreg:$0x2] =	wrdreg s25  }
0x27: {  	[dreg:$0x3] =	wrdreg $0x9  }
0x28: {  	_ =	task.clear_ibuf [dreg:s6], $0x4FFFF;
	_ =	strace $0x90000049  }
0x29: {  	s29 =	simm.s32 $0x9;
	_ =	strace $0x8000004B  }
0x2a: {  	_ =	swait.ge [sflag:s29], $0x1  }
0x2b: {  	[sflag:s29] =	ssyncadd.s32 $0xFFFFFFFF  }
0x2c: {  	_ =	strace $0x9000004B  }
0x2d: {  	_ =	sfence  }
0x2e: {  	s30 =	sld [smem:$0x0];
	_ =	sdelay $0x2  }
0x2f: {  	s31 =	sshll.u32 s3, $0xD;
	s3 =	sshrl.u32 s3, $0x2  }
0x30: {  	s2 =	sand.u32 $0x4000, s31;
	s1 =	sadd.s32 s3, s30  }
0x31: {  	s0 =	sor.u32 s2, s0;
	s1 =	sshll.u32 s1, $0x11  }
0x32: {  	s0 =	sor.u32 s1, s0  }
0x33: {  	s0 =	sadd.s32 $0x8F2B, s0  }
0x34: {  	[sflag:s0] =	ssyncadd.remote.s32 $0x1  }
0x35: {  	_ =	sfence.sel $0xFFFF  }
0x36: {  	[dreg:$0x0] =	wrdreg $0xFFFFFFFF;
	(pc) =	sbr.abs _section_cstart, $3  }
0x37: {  	[dreg:$0x1] =	wrdreg $0xFFFFFFFF  }
0x38: {  	_ =	task.clear_ibuf [dreg:s6], $0x2FFFF;
	_ =	strace $0x9FFFFFFF  }
0x39: {  	(tm) =	ssettm $0x7FFFFFFF  }
tec
execute0_lowered:
.L_overlay_start_1:
0x0: {  	(tag) =	ssettag $0x1  }
0x1: {  	s0 =	stileid.u32;
	s1 =	srdreg.scid  }
0x2: {  	s4 =	rddreg [dreg:$0x0];
	s7 =	simm.s32 $0x1;
	s31 =	simm.s32 $0x2  }
0x3: {  	s16 =	simm.s32 $0x0;
	s2 =	sshll.u32 s0, $0x4;
	s1 =	sshll.u32 s1, $0x8  }
0x4: {  	s9 =	simm.s32 $0x1000;
	s14 =	simm.s32 $0x0;
	s1 =	sor.u32 s2, s1  }
0x5: {  	s15 =	simm.s32 $0x0;
	s10 =	simm.s32 $0x0;
	s2 =	sand.u32 $0x180, s1  }
0x6: {  	s13 =	simm.s32 $0x0;
	s3 =	sadd.s32 $0x99A00, s4;
	s5 =	ssub.s32 $0x200, s2  }
0x7: {  	s4 =	sadd.s32 $0x299A00, s4;
	s1 =	rddreg [dreg:$0x1];
	s6 =	sand.u32 $0x180, s5  }
.Ltmp0:
0x8: {  	_ =	strace $0x8000004A;
	p0 =	sne.s32 s6, $0x0;
	(pc) =	sbr.rel .LBB1_1-.Ltmp0, $4  }
0x9: {  	s11 =	smov.u32 s2;
	s8 =	sshrl.u32 s5, $0x9;
	s7 =	simm.s32 @!p0 $0x0  }
0xa: {  	s5 =	sand.u32 $0x7, s0;
	s6 =	simm.s32 $0x1;
	s7 =	sadd.s32 s7, s8  }
0xb: {  	s12 =	smov.u32 s5;
	[sflag:s6] =	ssyncpa.u1 $0x0;
	s7 =	sshll.u32 s7, $0x5  }
0xc: {  	p0 =	por $0x0, $0x0;
	[sflag:s31] =	ssyncpa.u1 $0x0;
	s8 =	sor.u32 $0x1, s7  }
.LBB1_4:
0xd: {  	v5 =	vld [tilespmem:s19+$0xFFFFFFD0]  }
0xe: {  	[tilespmem:s20+$0x2040 ss:$0x81] =	vst.msk $0xffff, v1;
	v58 =	vld [tilespmem:s19+$0xFFFFFFE0]  }
0xf: {  	[tilespmem:s20+$0x2850 ss:$0x81] =	vst.msk $0xffff, v2;
	v59 =	vld [tilespmem:s19+$0xFFFFFFF0]  }
0x10: {  	s21 =	sshra.s32 s21, $0x2;
	[tilespmem:s20+$0x3060 ss:$0x81] =	vst.msk $0xffff, v3;
	v60 =	vld [tilespmem:s19+$0x0]  }
0x11: {  	[tilespmem:s20+$0x0 ss:$0x81] =	vst.msk $0xffff, v0;
	v61 =	vld [tilespmem:s19+$0x10];
	s18 =	sadd.s32 s21, s18  }
0x12: {  	s25 =	sshll.u32 s16, $0x9;
	v62 =	vld [tilespmem:s19+$0x20];
	[tilespmem:s18+$0x3870 ss:$0x81] =	vst.msk $0xffff, v4  }
0x13: {  	s26 =	sshll.u32 s14, $0x3;
	s27 =	sshll.u32 s16, $0x7;
	v63 =	vld [tilespmem:s19+$0xFFFFFFC0];
	s30 =	sand.u32 $0x78, s14;
	[tilespmem:s18+$0x810 ss:$0x81] =	vst.msk $0xffff, v5  }
0x14: {  	s15 =	sshll.u32 s15, $0x12;
	s20 =	sand.u32 $0x1FF000, s25;
	s21 =	sand.u32 $0x1FFC00, s26;
	[tilespmem:s18+$0x1020 ss:$0x81] =	vst.msk $0xffff, v58  }
0x15: {  	s29 =	sand.u32 $0x200, s27;
	s16 =	sand.u32 $0x180, s27;
	s28 =	sadd.s32 s21, s20;
	[tilespmem:s18+$0x1830 ss:$0x81] =	vst.msk $0xffff, v59  }
0x16: {  	s31 =	sand.u32 $0x7, s14;
	s16 =	sor.u32 s30, s16;
	s19 =	sor.u32 s29, s28;
	[tilespmem:s18+$0x2040 ss:$0x81] =	vst.msk $0xffff, v60  }
0x17: {  	s15 =	sadd.s32 s4, s15;
	s16 =	sshrl.u32 s16, $0x3;
	s19 =	sshrl.u32 s19, $0x3;
	[tilespmem:s18+$0x2850 ss:$0x81] =	vst.msk $0xffff, v61  }
0x18: {  	s14 =	sshll.u32 s31, $0x12;
	s15 =	sadd.s32 s16, s15;
	[tilespmem:s18+$0x3060 ss:$0x81] =	vst.msk $0xffff, v62;
	s19 =	sand.u32 $0x3FFC0, s19  }
0x19: {  	s14 =	sor.u32 $0x400, s14;
	[tilespmem:s18+$0x0 ss:$0x81] =	vst.msk $0xffff, v63;
	s15 =	sadd.s32 s19, s15  }
0x1a: {  	[hbm4b:s15+s14] =	stream.strided.scatter [tilespmem:s17], [sflag:$0x2], $0x4000, s9, s14, $0x20;
	[tilespmem:$0x10100] =	vst v63  }
.LBB1_5:
0x1b: {  	s17 =	sadd.s32 $0x80, s10  }
0x1c: {  	s14 =	sadd.s32 $0x200, s11;
	s18 =	smov.u32 s11;
	p2 =	sgt.s32 s17, $0xFFF  }
0x1d: {  	s18 =	smov.u32 @p2 s14  }
0x1e: {  	s20 =	smov.u32 s12;
	s14 =	sadd.s32 $0x8, s12;
	p3 =	sgt.s32 s18, $0x1FF  }
0x1f: {  	s20 =	smov.u32 @p3 s14  }
0x20: {  	s17 =	simm.s32 @p2 $0x0;
	p2 =	sgt.s32 s20, $0x7  }
0x21: {  	p1 =	slt.u32 s13, $0x2;
	s20 =	smov.u32 @p2 s5;
	p2 =	sne.s32 s13, s8  }
.Ltmp1:
0x22: {  	s19 =	simm.s32 @!p1 $0x2;
	(pc) =	sbr.rel @!p2 .LBB1_6-.Ltmp1, $4  }
0x23: {  	s16 =	smov.u32 s10;
	s15 =	smov.u32 s12;
	_ =	swait.ge @!p1 [sflag:s19], $0x4000  }
0x24: {  	p0 =	por !p0, !p0;
	[sflag:s19] =	ssyncset.done @!p1 $0x0;
	s10 =	smov.u32 s17  }
0x25: {  	s18 =	smov.u32 @p3 s2;
	s14 =	smov.u32 s11;
	[sflag:s19] =	ssyncadd.s32 @!p1 $0xFFFFC000  }
0x26: {  	s11 =	smov.u32 s18;
	s13 =	sadd.s32 $0x1, s13;
	s12 =	smov.u32 s20  }
.LBB1_1:
0x27: {  	p1 =	sge.u32 s13, s7;
	s31 =	sadd.s32 $0xFFFFFFFF, s13  }
0x28: {  	s17 =	sxor.u32 @!p1 $0xFFFFFFFF, s13;
	s18 =	sand.u32 @!p1 $0x78, s10;
	s19 =	sshll.u32 @!p1 s11, $0xC  }
0x29: {  	s20 =	sshll.u32 @!p1 s11, $0x7;
	s21 =	sshll.u32 @!p1 s10, $0x3;
	s17 =	sshll.u32 @!p1 s17, $0xE  }
0x2a: {  	s19 =	sand.u32 @!p1 $0x1F8000, s19;
	s20 =	sand.u32 @!p1 $0x380, s20;
	s17 =	sand.u32 @!p1 $0x4000, s17  }
0x2b: {  	s19 =	sadd.s32 @!p1 s19, s21;
	s21 =	sand.u32 @!p1 $0xC00, s21;
	s18 =	sor.u32 @!p1 s20, s18  }
0x2c: {  	s20 =	sshll.u32 @!p1 s12, $0x12;
	s18 =	sor.u32 @!p1 s21, s18;
	s19 =	sshrl.u32 @!p1 s19, $0x3  }
0x2d: {  	s20 =	sadd.s32 @!p1 s3, s20;
	s21 =	sand.u32 @!p1 $0x7, s10;
	s19 =	sand.u32 @!p1 $0x3FE00, s19  }
0x2e: {  	s18 =	sshrl.u32 @!p1 s18, $0x3;
	s19 =	sadd.s32 @!p1 s19, s20;
	s20 =	sshll.u32 @!p1 s21, $0x12  }
0x2f: {  	s18 =	sadd.s32 @!p1 s18, s19;
	s19 =	sor.u32 @!p1 $0x400, s20;
	s20 =	simm.s32 @!p1 $0x8000  }
0x30: {  	[tilespmem:s17], [sflag:$0x1] =	stream.strided.gather @!p1 [hbm4b:s18+s19], $0x4000, s20, s19, $0x38;
	[tilespmem:$0x10100] =	vst v63  }
0x31: {  	p1 =	sge.u32 s31, s7  }
.Ltmp2:
0x32: {  	_ = 	snop;
	(pc) =	sbr.rel @p1 .LBB1_5-.Ltmp2, $1  }
0x33: {  	_ =	sdelay $0x3  }
0x34: {  	s17 =	simm.s32 $0x1  }
0x35: {  	_ =	swait.ge [sflag:s6], $0x4000;
	s17 =	simm.s32 @!p0 $0x0  }
0x36: {  	[sflag:s6] =	ssyncset.done $0x0;
	s18 =	sshll.u32 s17, $0xE  }
0x37: {  	[sflag:s6] =	ssyncadd.s32 $0xFFFFC000;
	s19 =	sor.u32 $0x40, s18  }
0x38: {  	s17 =	smul.u32 $0x10200, s17;
	v0 =	vld [tilespmem:s19+$0x30]  }
0x39: {  	v3 =	vld [tilespmem:s19+$0xFFFFFFD0]  }
0x3a: {  	s17 =	sshrl.u32 s17, $0x2;
	v4 =	vld [tilespmem:s19+$0xFFFFFFE0]  }
0x3b: {  	v5 =	vld [tilespmem:s19+$0xFFFFFFF0];
	s18 =	sor.u32 $0x8000, s17  }
0x3c: {  	s31 =	sand.u32 $0x1, s13;
	v1 =	vld [tilespmem:s19+$0x0];
	s20 =	sadd.s32 $0x0, s18  }
0x3d: {  	v2 =	vld [tilespmem:s19+$0x10];
	s17 =	smul.u32 $0x10200, s31;
	[tilespmem:s20+$0x3870 ss:$0x81] =	vst.msk $0xffff, v0  }
0x3e: {  	[tilespmem:s20+$0x810 ss:$0x81] =	vst.msk $0xffff, v3;
	v3 =	vld [tilespmem:s19+$0x20]  }
0x3f: {  	s17 =	sshrl.u32 s17, $0x2;
	v0 =	vld [tilespmem:s19+$0xFFFFFFC0];
	[tilespmem:s20+$0x1020 ss:$0x81] =	vst.msk $0xffff, v4;
	s19 =	sadd.s32 $0x80, s19  }
0x40: {  	s21 =	simm.s32 $0x4;
	s22 =	simm.s32 $0x8;
	s17 =	sor.u32 $0x8000, s17;
	[tilespmem:s20+$0x1830 ss:$0x81] =	vst.msk $0xffff, v5;
	v4 =	vld [tilespmem:s19+$0x30]  }
.LBB1_3:
0x41: {  	p1 =	sne.s32 s22, $0x1FC;
	v5 =	vld [tilespmem:s19+$0xFFFFFFD0];
	[tilespmem:s20+$0x2040 ss:$0x81] =	vst.msk $0xffff, v1  }
0x42: {  	v6 =	vld [tilespmem:s19+$0xFFFFFFE0];
	[tilespmem:s20+$0x2850 ss:$0x81] =	vst.msk $0xffff, v2  }
0x43: {  	s23 =	sshra.s32 s21, $0x2;
	s21 =	smov.u32 s22;
	v7 =	vld [tilespmem:s19+$0xFFFFFFF0];
	[tilespmem:s20+$0x3060 ss:$0x81] =	vst.msk $0xffff, v3  }
.Ltmp3:
0x44: {  	v1 =	vld [tilespmem:s19+$0x0];
	[tilespmem:s20+$0x0 ss:$0x81] =	vst.msk $0xffff, v0;
	s20 =	sadd.s32 s23, s18;
	(pc) =	sbr.rel @p1 .LBB1_3-.Ltmp3, $4  }
0x45: {  	v2 =	vld [tilespmem:s19+$0x10];
	[tilespmem:s20+$0x3870 ss:$0x81] =	vst.msk $0xffff, v4  }
0x46: {  	[tilespmem:s20+$0x810 ss:$0x81] =	vst.msk $0xffff, v5;
	v3 =	vld [tilespmem:s19+$0x20]  }
0x47: {  	v0 =	vld [tilespmem:s19+$0xFFFFFFC0];
	[tilespmem:s20+$0x1020 ss:$0x81] =	vst.msk $0xffff, v6;
	s19 =	sadd.s32 $0x80, s19  }
0x48: {  	s22 =	sadd.s32 $0x4, s22;
	v4 =	vld [tilespmem:s19+$0x30];
	[tilespmem:s20+$0x1830 ss:$0x81] =	vst.msk $0xffff, v7  }
.Ltmp4:
0x49: {  	_ = 	snop;
	(pc) =	sbr.rel .LBB1_4-.Ltmp4, $1  }
0x4a: {  	_ =	sdelay $0x3  }
.LBB1_6:
0x4b: {  	_ =	sfence.sel $0x180000  }
0x4c: {  	s2 =	simm.s32 $0x1;
	[bflag:$0x0] =	sbarrier.arrive $0xFFFF  }
0x4d: {  	s31 =	simm.s32 $0x2;
	[sflag:s2] =	ssyncpa.u1 $0x1  }
0x4e: {  	[sflag:s31] =	ssyncpa.u1 $0x1  }
0x4f: {  	p0 =	sne.s32 s0, $0x0;
	_ =	strace $0x9000004A  }
0x50: {  	s0 =	sadd.s32 @!p0 $0x100000, s1;
	[bflag:$0x2] =	sbarrier.arrive $0xFFFF  }
0x51: {  	[sflag:s0] =	ssyncadd.tile.s32 @!p0 $0x1;
	_ =	shalt  }
.Lfunc_end1:
_tile_overlayer_lowered:
.L_overlay_start_2:
0x52: {  	(tag) =	ssettag $0x2  }
0x53: {  	s0 =	rddreg [dreg:$0x0];
	s2 =	stileid.u32  }
0x54: {  	s1 =	rddreg [dreg:$0x1];
	p0 =	sne.s32 s2, $0x0  }
0x55: {  	s3 =	rddreg [dreg:$0x2];
	[bflag:$0x3] =	sbarrier.arrive $0xFFFF;
	s2 =	simm.s32 @!p0 $0x1C01  }
0x56: {  	[timem:s3], [sflag:s2] =	dma.local @!p0 [hbm:s0], s1  }
0x57: {  	s0 =	simm.s32 @!p0 $0x1  }
0x58: {  	_ =	swait.ge @!p0 [sflag:s0], s1  }
0x59: {  	s1 =	ssub.s32 @!p0 $0x0, s1;
	[sflag:s0] =	ssyncset.done @!p0 $0x0  }
0x5a: {  	[sflag:s0] =	ssyncadd.s32 @!p0 s1  }
0x5b: {  	[bflag:$0x3] =	sbarrier.arrive $0xFFFF  }
0x5c: {  	_ =	shalt  }

</sc_bundles>
